<compile_context>
chip_gen: v7x
topology: tpu7x:2x2x1
jax: 0.10.2.dev20260603
libtpu: 0.0.44.dev20260713+nightly
codegen_flags: <defaults>
</compile_context>

<pallas_src>
import jax
import jax.numpy as jnp
from jax import lax
from jax.experimental import pallas as pl
from jax.experimental.pallas import tpu as pltpu
from jax.experimental.pallas import tpu_sc as plsc

N = 10000
E = 160000
B = 64
K = 50
HDIM = 256
HALF = 128
EPS = 1e-5

NC = 2
NS = 16
CH = 128
NCHUNK = 80
NPHASE = 2
PCHUNK = NCHUNK // NPHASE
EPT = NCHUNK * CH
EPAD = NS * EPT
ACC_ROWS = 10240
STRIPE = ACC_ROWS // NS



def _sc_agg_body(h2x, srcs, dsts, zrows, s_out,
                 src_v, dst_v, rows0, rows1, acc, sem_g0, sem_g1):
  c = lax.axis_index("c")
  t = lax.axis_index("s")

  pltpu.sync_copy(zrows, acc.at[pl.ds(t * STRIPE, STRIPE)])
  plsc.subcore_barrier()

  def step2(i, carry):
    j0 = 2 * i
    j1 = j0 + 1
    pltpu.make_async_copy(h2x.at[src_v.at[0]], rows0, sem_g0).wait()
    pltpu.async_copy(h2x.at[src_v.at[j1]], rows1, sem_g1)
    pltpu.sync_copy(rows0, acc.at[dst_v.at[j0]], add=True)
    pltpu.make_async_copy(h2x.at[src_v.at[0]], rows1, sem_g1).wait()

    @pl.when(j1 + 1 < PCHUNK)
    def _():
      pltpu.async_copy(h2x.at[src_v.at[j1 + 1]], rows0, sem_g0)
    pltpu.sync_copy(rows1, acc.at[dst_v.at[j1]], add=True)
    return carry

  for p in range(NPHASE):
    pltpu.sync_copy(srcs.at[(c * NS + t) * NPHASE + p], src_v)
    pltpu.sync_copy(dsts.at[t * NPHASE + p], dst_v)
    pltpu.async_copy(h2x.at[src_v.at[0]], rows0, sem_g0)
    lax.fori_loop(0, PCHUNK // 2, step2, 0)
  plsc.subcore_barrier()

  pltpu.sync_copy(acc.at[pl.ds(t * STRIPE, STRIPE)],
                  s_out.at[pl.ds(c * ACC_ROWS + t * STRIPE, STRIPE)])


def _make_sc_agg():
  mesh = plsc.VectorSubcoreMesh(core_axis_name="c", subcore_axis_name="s",
                                num_cores=NC, num_subcores=NS)
  scratch = [
      pltpu.VMEM((PCHUNK, CH), jnp.int32),
      pltpu.VMEM((PCHUNK, CH), jnp.int32),
      pltpu.VMEM((CH, HALF), jnp.float32),
      pltpu.VMEM((CH, HALF), jnp.float32),
      pltpu.VMEM_SHARED((ACC_ROWS, HALF), jnp.float32),
      pltpu.SemaphoreType.DMA,
      pltpu.SemaphoreType.DMA,
  ]
  return pl.kernel(
      _sc_agg_body,
      out_type=jax.ShapeDtypeStruct((NC * ACC_ROWS, HALF), jnp.float32),
      mesh=mesh,
      scratch_types=scratch,
  )


DNPHASE = 5
DPCHUNK = EPAD // (NC * NS * DNPHASE * CH)


def _sc_deg_body(dsts, zrows, ones_hbm, deg_out,
                 dst_v, ones_v, degacc, sem):
  c = lax.axis_index("c")
  t = lax.axis_index("s")
  pltpu.sync_copy(zrows, degacc.at[pl.ds(t * STRIPE, STRIPE)])
  pltpu.sync_copy(ones_hbm, ones_v)
  plsc.subcore_barrier()

  def fire(j, carry):
    pltpu.async_copy(ones_v, degacc.at[dst_v.at[j]], sem, add=True)
    return carry

  def drain(j, carry):
    pltpu.make_async_copy(ones_v, degacc.at[dst_v.at[0]], sem).wait()
    return carry

  for p in range(DNPHASE):
    pltpu.sync_copy(dsts.at[(c * NS + t) * DNPHASE + p], dst_v)
    lax.fori_loop(0, DPCHUNK, fire, 0)
    lax.fori_loop(0, DPCHUNK, drain, 0)
  plsc.subcore_barrier()

  pltpu.sync_copy(degacc.at[pl.ds(t * STRIPE, STRIPE)],
                  deg_out.at[pl.ds(c * ACC_ROWS + t * STRIPE, STRIPE)])


def _make_sc_deg():
  mesh = plsc.VectorSubcoreMesh(core_axis_name="c", subcore_axis_name="s",
                                num_cores=NC, num_subcores=NS)
  scratch = [
      pltpu.VMEM((DPCHUNK, CH), jnp.int32),
      pltpu.VMEM((CH, HALF), jnp.float32),
      pltpu.VMEM_SHARED((ACC_ROWS, HALF), jnp.float32),
      pltpu.SemaphoreType.DMA,
  ]
  return pl.kernel(
      _sc_deg_body,
      out_type=jax.ShapeDtypeStruct((NC * ACC_ROWS, HALF), jnp.float32),
      mesh=mesh,
      scratch_types=scratch,
  )



RB = 1000
NRB = N // RB


def _init_mm_body(x_ref, w_ref, b_ref, o_ref):
  h = jnp.dot(x_ref[...], w_ref[...], preferred_element_type=jnp.float32)
  o_ref[0] = h + b_ref[0]


def _init_matmul(x, w, b2):
  return pl.pallas_call(
      _init_mm_body,
      grid=(2, NRB),
      in_specs=[
          pl.BlockSpec((RB, 20), lambda c, i: (i, 0)),
          pl.BlockSpec((20, HALF), lambda c, i: (0, c)),
          pl.BlockSpec((1, 1, HALF), lambda c, i: (c, 0, 0)),
      ],
      out_specs=pl.BlockSpec((1, RB, HALF), lambda c, i: (c, i, 0)),
      out_shape=jax.ShapeDtypeStruct((2, N, HALF), jnp.float32),
  )(x, w, b2)


def _stats_body(h_ref, s_ref, deg_ref, u_ref, sum_ref, sq_ref):
  i = pl.program_id(0)
  deg = jnp.maximum(deg_ref[0, :, 0:1] + deg_ref[1, :, 0:1], 1.0)
  u = h_ref[...] + s_ref[...] / deg[None]
  u_ref[...] = u
  psum = jnp.sum(u, axis=1)
  psq = jnp.sum(u * u, axis=1)

  @pl.when(i == 0)
  def _():
    sum_ref[...] = psum
    sq_ref[...] = psq

  @pl.when(i > 0)
  def _():
    sum_ref[...] += psum
    sq_ref[...] += psq


def _stats(h, s, deg):
  return pl.pallas_call(
      _stats_body,
      grid=(NRB,),
      in_specs=[
          pl.BlockSpec((2, RB, HALF), lambda i: (0, i, 0)),
          pl.BlockSpec((2, RB, HALF), lambda i: (0, i, 0)),
          pl.BlockSpec((2, RB, HALF), lambda i: (0, i, 0)),
      ],
      out_specs=[
          pl.BlockSpec((2, RB, HALF), lambda i: (0, i, 0)),
          pl.BlockSpec((2, HALF), lambda i: (0, 0)),
          pl.BlockSpec((2, HALF), lambda i: (0, 0)),
      ],
      out_shape=[
          jax.ShapeDtypeStruct((2, N, HALF), jnp.float32),
          jax.ShapeDtypeStruct((2, HALF), jnp.float32),
          jax.ShapeDtypeStruct((2, HALF), jnp.float32),
      ],
  )(h, s, deg)


def _apply_body(u_ref, sum_ref, sq_ref, g_ref, b_ref, o_ref):
  m = sum_ref[...] / N
  v = sq_ref[...] / N - m * m
  inv = lax.rsqrt(v + EPS) * g_ref[...]
  o_ref[...] = jnp.maximum(
      (u_ref[...] - m[:, None, :]) * inv[:, None, :] + b_ref[...][:, None, :],
      0.0)


def _apply_bn(u, ssum, ssq, g, b):
  return pl.pallas_call(
      _apply_body,
      grid=(NRB,),
      in_specs=[
          pl.BlockSpec((2, RB, HALF), lambda i: (0, i, 0)),
          pl.BlockSpec((2, HALF), lambda i: (0, 0)),
          pl.BlockSpec((2, HALF), lambda i: (0, 0)),
          pl.BlockSpec((2, HALF), lambda i: (0, 0)),
          pl.BlockSpec((2, HALF), lambda i: (0, 0)),
      ],
      out_specs=pl.BlockSpec((2, RB, HALF), lambda i: (0, i, 0)),
      out_shape=jax.ShapeDtypeStruct((2, N, HALF), jnp.float32),
  )(u, ssum, ssq, g, b)


def _bn_rows(z, g, b):
  m = jnp.mean(z, axis=0, keepdims=True)
  v = jnp.mean(z * z, axis=0, keepdims=True) - m * m
  return (z - m) * lax.rsqrt(v + EPS) * g + b


def _head_body(u_ref, sum_ref, sq_ref, g2_ref, be2_ref, gid_ref,
               pg_ref, neigh_ref,
               wfc_ref, bfc_ref, wfc2_ref, bfc2_ref, wfc3_ref, bfc3_ref,
               wfc4_ref, bfc4_ref, gb_ref, bb_ref, gb2_ref, bb2_ref,
               gb3_ref, bb3_ref,
               preds_ref, h3_ref):
  m = sum_ref[...] / N
  v = sq_ref[...] / N - m * m
  inv = lax.rsqrt(v + EPS) * g2_ref[...]

  gid = gid_ref[...]
  onehot = (gid == lax.broadcasted_iota(jnp.int32, (N, B), 1)
            ).astype(jnp.float32)
  cnt = lax.dot_general(onehot, jnp.ones((N, 1), jnp.float32),
                        (((0,), (0,)), ((), ())),
                        preferred_element_type=jnp.float32)
  cnt = jnp.maximum(cnt, 1.0)

  qs = []
  for c in range(2):
    h2c = jnp.maximum(
        (u_ref[c] - m[c:c + 1]) * inv[c:c + 1] + be2_ref[...][c:c + 1], 0.0)
    qs.append(lax.dot_general(onehot, h2c, (((0,), (0,)), ((), ())),
                              preferred_element_type=jnp.float32))
  qemb = jnp.concatenate(qs, axis=1) / cnt

  wq = wfc_ref[0:HDIM]
  wp = wfc_ref[HDIM:2 * HDIM]
  wn = wfc_ref[2 * HDIM:3 * HDIM]
  z1 = (jnp.dot(qemb, wq, preferred_element_type=jnp.float32)
        + jnp.dot(pg_ref[...], wp, preferred_element_type=jnp.float32)
        + bfc_ref[...])
  zn = jnp.dot(neigh_ref[...], wn, preferred_element_type=jnp.float32)

  rk = lax.broadcasted_iota(jnp.int32, (B * K, B), 0) // K
  bk = lax.broadcasted_iota(jnp.int32, (B * K, B), 1)
  rep = (rk == bk).astype(jnp.float32)
  z = lax.dot_general(rep, z1, (((1,), (0,)), ((), ())),
                      preferred_element_type=jnp.float32) + zn

  h = jnp.maximum(_bn_rows(z, gb_ref[...], bb_ref[...]), 0.0)
  h = jnp.dot(h, wfc2_ref[...], preferred_element_type=jnp.float32) + bfc2_ref[...]
  h = jnp.maximum(_bn_rows(h, gb2_ref[...], bb2_ref[...]), 0.0)
  h = jnp.dot(h, wfc3_ref[...], preferred_element_type=jnp.float32) + bfc3_ref[...]
  h3 = jnp.maximum(_bn_rows(h, gb3_ref[...], bb3_ref[...]), 0.0)
  h3_ref[...] = h3
  logit = jnp.dot(h3, wfc4_ref[...], preferred_element_type=jnp.float32) + bfc4_ref[...]
  preds_ref[...] = jax.nn.sigmoid(logit)


def _head(u2, ssum2, ssq2, g2, be2, gid, pg, neigh,
          wfc, bfc, wfc2, bfc2, wfc3, bfc3, wfc4, bfc4,
          gb, bb, gb2, bb2, gb3, bb3):
  return pl.pallas_call(
      _head_body,
      out_shape=[
          jax.ShapeDtypeStruct((B * K, 1), jnp.float32),
          jax.ShapeDtypeStruct((B * K, HDIM), jnp.float32),
      ],
  )(u2, ssum2, ssq2, g2, be2, gid, pg, neigh,
    wfc, bfc, wfc2, bfc2, wfc3, bfc3, wfc4, bfc4,
    gb, bb, gb2, bb2, gb3, bb3)



def kernel(x, edge_index, graph_ids, pgNodeEmbList, neighEmbList,
           classWeightList, W_init, b_init, g1, be1, g2, be2,
           W_fc, b_fc, W_fc2, b_fc2, W_fc3, b_fc3, W_fc4, b_fc4,
           gb, bb, gb2, bb2, gb3, bb3):
  src = edge_index[0].astype(jnp.int32)
  dst = edge_index[1].astype(jnp.int32)
  pad = EPAD - E
  src = jnp.concatenate([src, jnp.zeros((pad,), jnp.int32)])
  dst = jnp.concatenate([dst, jnp.full((pad,), N, jnp.int32)])
  srcs = jnp.stack([src, src + N]).reshape(NC * NS * NPHASE, PCHUNK, CH)
  dsts = dst.reshape(NS * NPHASE, PCHUNK, CH)
  dsts_deg = dst.reshape(NC * NS * DNPHASE, DPCHUNK, CH)

  zrows = jnp.zeros((STRIPE, HALF), jnp.float32)
  ones_rows = jnp.ones((CH, HALF), jnp.float32)

  sc_agg = _make_sc_agg()
  sc_deg = _make_sc_deg()

  b2 = b_init.reshape(2, 1, HALF)
  h0 = _init_matmul(x, W_init, b2)

  deg = sc_deg(dsts_deg, zrows, ones_rows).reshape(NC, ACC_ROWS, HALF)
  s1 = sc_agg(h0.reshape(NC * N, HALF), srcs, dsts, zrows)
  u1, sum1, sq1 = _stats(h0, s1.reshape(NC, ACC_ROWS, HALF), deg)
  h1 = _apply_bn(u1, sum1, sq1, g1.reshape(2, HALF), be1.reshape(2, HALF))

  s2 = sc_agg(h1.reshape(NC * N, HALF), srcs, dsts, zrows)
  u2, sum2, sq2 = _stats(h1, s2.reshape(NC, ACC_ROWS, HALF), deg)

  preds, h3 = _head(
      u2, sum2, sq2, g2.reshape(2, HALF), be2.reshape(2, HALF),
      graph_ids.astype(jnp.int32).reshape(N, 1),
      pgNodeEmbList, neighEmbList,
      W_fc, b_fc.reshape(1, HDIM), W_fc2, b_fc2.reshape(1, HDIM),
      W_fc3, b_fc3.reshape(1, HDIM), W_fc4, b_fc4.reshape(1, 1),
      gb.reshape(1, HDIM), bb.reshape(1, HDIM),
      gb2.reshape(1, HDIM), bb2.reshape(1, HDIM),
      gb3.reshape(1, HDIM), bb3.reshape(1, HDIM))
  return preds.reshape(B, K), h3

# --- scband reference (transcript-rebuilt; emitter-appended) ---
"""Pipeline reference for scband-model-40827959116311 (READ-ONLY COPY).

The authoritative reference and input builder live on the scoring server;
editing this copy changes nothing except your own understanding.
"""

import jax, jax.numpy as jnp
import numpy as np

N = 10000
E = 160000
B = 64
K = 50
HDIM = 256
EPS = 1e-5


def _p(k, shape, scale):
    return jax.random.normal(k, shape, dtype=jnp.float32) * scale


def setup_inputs(seed: int = 0) -> dict:
    key = jax.random.key(seed)
    ks = jax.random.split(key, 32)
    inp = {}
    inp["x"] = jax.random.normal(ks[0], (N, 20), dtype=jnp.float32)
    inp["edge_index"] = jax.random.randint(ks[1], (2, E), 0, N)
    inp["graph_ids"] = jnp.sort(jax.random.randint(ks[2], (N,), 0, B))
    inp["pgNodeEmbList"] = jax.random.normal(ks[3], (B, HDIM), dtype=jnp.float32)
    inp["neighEmbList"] = jax.random.normal(ks[4], (B * K, HDIM), dtype=jnp.float32)
    inp["classWeightList"] = jax.random.uniform(ks[5], (B, K), dtype=jnp.float32)
    # parameters
    inp["W_init"] = _p(ks[6], (20, HDIM), 1.0 / np.sqrt(20))
    inp["b_init"] = jnp.zeros((HDIM,), jnp.float32)
    inp["g1"] = jnp.ones((HDIM,), jnp.float32)
    inp["be1"] = jnp.zeros((HDIM,), jnp.float32)
    inp["g2"] = jnp.ones((HDIM,), jnp.float32)
    inp["be2"] = jnp.zeros((HDIM,), jnp.float32)
    inp["W_fc"] = _p(ks[7], (HDIM * 3, 256), 1.0 / np.sqrt(HDIM * 3))
    inp["b_fc"] = jnp.zeros((256,), jnp.float32)
    inp["W_fc2"] = _p(ks[8], (256, 256), 1.0 / np.sqrt(256))
    inp["b_fc2"] = jnp.zeros((256,), jnp.float32)
    inp["W_fc3"] = _p(ks[9], (256, 256), 1.0 / np.sqrt(256))
    inp["b_fc3"] = jnp.zeros((256,), jnp.float32)
    inp["W_fc4"] = _p(ks[10], (256, 1), 1.0 / np.sqrt(256))
    inp["b_fc4"] = jnp.zeros((1,), jnp.float32)
    inp["gb"] = jnp.ones((256,), jnp.float32)
    inp["bb"] = jnp.zeros((256,), jnp.float32)
    inp["gb2"] = jnp.ones((256,), jnp.float32)
    inp["bb2"] = jnp.zeros((256,), jnp.float32)
    inp["gb3"] = jnp.ones((256,), jnp.float32)
    inp["bb3"] = jnp.zeros((256,), jnp.float32)
    return inp


def _bn(h, g, b):
    m = h.mean(axis=0)
    v = h.var(axis=0)
    return (h - m) / jnp.sqrt(v + EPS) * g + b


def _gin_mean(h, src, dst):
    # DGL GINConv(apply_func=None, 'mean'): out = (1+eps)*h + mean_{src->dst} h_src, eps=0
    s = jax.ops.segment_sum(h[src], dst, num_segments=N)
    d = jax.ops.segment_sum(jnp.ones((src.shape[0],), jnp.float32), dst, num_segments=N)
    return h + s / jnp.maximum(d, 1.0)[:, None]


def reference(x, edge_index, graph_ids, pgNodeEmbList, neighEmbList, classWeightList,
              W_init, b_init, g1, be1, g2, be2,
              W_fc, b_fc, W_fc2, b_fc2, W_fc3, b_fc3, W_fc4, b_fc4,
              gb, bb, gb2, bb2, gb3, bb3):
    src = edge_index[0]
    dst = edge_index[1]
    h = x @ W_init + b_init
    h = jax.nn.relu(_bn(_gin_mean(h, src, dst), g1, be1))
    h = jax.nn.relu(_bn(_gin_mean(h, src, dst), g2, be2))
    # dgl.mean_nodes: per-graph mean of node features
    gsum = jax.ops.segment_sum(h, graph_ids, num_segments=B)
    gcnt = jax.ops.segment_sum(jnp.ones((N,), jnp.float32), graph_ids, num_segments=B)
    qemb = gsum / jnp.maximum(gcnt, 1.0)[:, None]
    a = jnp.concatenate([qemb, pgNodeEmbList], axis=1)
    a = jnp.tile(a, (1, K)).reshape(-1, HDIM * 2)
    bcat = jnp.concatenate([a, neighEmbList], axis=1)
    H = jax.nn.relu(_bn(bcat @ W_fc + b_fc, gb, bb))
    H2 = jax.nn.relu(_bn(H @ W_fc2 + b_fc2, gb2, bb2))
    H3 = jax.nn.relu(_bn(H2 @ W_fc3 + b_fc3, gb3, bb3))
    preds = jax.nn.sigmoid(H3 @ W_fc4 + b_fc4)
    preds = preds.reshape(B, K)
    return (preds, H3)

if __name__ == "__main__":
    import jax
    _d = setup_inputs()
    print(jax.jit(kernel)(*tuple(_d.values())))

</pallas_src>

<mosaic_0001>
#map = affine_map<(d0, d1) -> (0, 0)>
#map1 = affine_map<(d0, d1) -> (0, 0, 0)>
module attributes {stable_mosaic.version = 14 : i64} {
  func.func @_sc_agg_body(%arg0: i32, %arg1: i32, %arg2: memref<20000x128xf32, #tpu.memory_space<hbm>>, %arg3: memref<64x40x128xi32, #tpu.memory_space<hbm>>, %arg4: memref<32x40x128xi32, #tpu.memory_space<hbm>>, %arg5: memref<640x128xf32, #tpu.memory_space<hbm>>, %arg6: memref<20480x128xf32, #tpu.memory_space<hbm>>, %arg7: memref<40x128xi32, #tpu.memory_space<vmem>>, %arg8: memref<40x128xi32, #tpu.memory_space<vmem>>, %arg9: memref<128x128xf32, #tpu.memory_space<vmem>>, %arg10: memref<128x128xf32, #tpu.memory_space<vmem>>, %arg11: memref<10240x128xf32, #tpu.memory_space<vmem_shared>>, %arg12: memref<!tpu.dma_semaphore, #tpu.memory_space<semaphore_mem>>, %arg13: memref<!tpu.dma_semaphore, #tpu.memory_space<semaphore_mem>>) attributes {dimension_semantics = [#tpu.dimension_semantics<core_parallel>, #tpu.dimension_semantics<subcore_parallel>], iteration_bounds = array<i64: 2, 16>, scalar_prefetch = 0 : i64, scratch_operands = 7 : i64, tpu.core_type = #tpu.core_type<sc_vector_subcore>, window_params = [{transform_indices = #map}, {transform_indices = #map1}, {transform_indices = #map1}, {transform_indices = #map}, {transform_indices = #map}]} {
    %mul3A = arith.constant 640 : i32
    %mul3A_0 = arith.muli %arg1, %mul3A : i32
    "tpu.region"() ({
      %run_scoped3A = tpu.sem_alloc : memref<!tpu.dma_semaphore, #tpu.memory_space<semaphore_mem>>
      %dma_start3A_54 = arith.constant 0 : i32
      %dma_start3A_55 = tpu.memref_slice %arg11[%mul3A_0, %dma_start3A_54] : memref<10240x128xf32, #tpu.memory_space<vmem_shared>> -> memref<640x128xf32, #tpu.memory_space<vmem_shared>>
      tpu.enqueue_dma source(%arg5 : memref<640x128xf32, #tpu.memory_space<hbm>>) target(%dma_start3A_55 : memref<640x128xf32, #tpu.memory_space<vmem_shared>>) target_semaphore(%run_scoped3A : memref<!tpu.dma_semaphore, #tpu.memory_space<semaphore_mem>>)
      %dma_wait3A = arith.constant 0 : i32
      %dma_wait3A_56 = tpu.memref_slice %arg11[%mul3A_0, %dma_wait3A] : memref<10240x128xf32, #tpu.memory_space<vmem_shared>> -> memref<640x128xf32, #tpu.memory_space<vmem_shared>>
      tpu.wait_dma2 semaphore(%run_scoped3A : memref<!tpu.dma_semaphore, #tpu.memory_space<semaphore_mem>>) src(%arg5 : memref<640x128xf32, #tpu.memory_space<hbm>>) dst(%dma_wait3A_56 : memref<640x128xf32, #tpu.memory_space<vmem_shared>>)
      tpu.yield
    }) : () -> ()
    %barrier3A = arith.constant 0 : index
    tpu.barrier barrier_id(%barrier3A)
    %mul3A_1 = arith.constant 16 : i32
    %mul3A_2 = arith.muli %arg0, %mul3A_1 : i32
    %add3A = arith.addi %mul3A_2, %arg1 : i32
    %mul3A_3 = arith.constant 2 : i32
    %mul3A_4 = arith.muli %add3A, %mul3A_3 : i32
    %add3A_5 = arith.constant 0 : i32
    %add3A_6 = arith.addi %mul3A_4, %add3A_5 : i32
    "tpu.region"() ({
      %run_scoped3A = tpu.sem_alloc : memref<!tpu.dma_semaphore, #tpu.memory_space<semaphore_mem>>
      %dma_start3A_54 = arith.constant 0 : i32
      %dma_start3A_55 = arith.constant 0 : i32
      %dma_start3A_56 = tpu.memref_slice %arg3[%add3A_6, %dma_start3A_54, %dma_start3A_55] : memref<64x40x128xi32, #tpu.memory_space<hbm>> -> memref<1x40x128xi32, #tpu.memory_space<hbm>>
      %dma_start3A_57 = tpu.memref_squeeze %dma_start3A_56 : memref<1x40x128xi32, #tpu.memory_space<hbm>> -> memref<40x128xi32, #tpu.memory_space<hbm>>
      %dma_start3A_58 = arith.constant 0 : i32
      %dma_start3A_59 = arith.constant 0 : i32
      %dma_start3A_60 = tpu.memref_slice %arg3[%add3A_6, %dma_start3A_58, %dma_start3A_59] : memref<64x40x128xi32, #tpu.memory_space<hbm>> -> memref<1x40x128xi32, #tpu.memory_space<hbm>>
      %dma_start3A_61 = tpu.memref_squeeze %dma_start3A_60 : memref<1x40x128xi32, #tpu.memory_space<hbm>> -> memref<40x128xi32, #tpu.memory_space<hbm>>
      tpu.enqueue_dma source(%dma_start3A_61 : memref<40x128xi32, #tpu.memory_space<hbm>>) target(%arg7 : memref<40x128xi32, #tpu.memory_space<vmem>>) target_semaphore(%run_scoped3A : memref<!tpu.dma_semaphore, #tpu.memory_space<semaphore_mem>>)
      %dma_wait3A = arith.constant 0 : i32
      %dma_wait3A_62 = arith.constant 0 : i32
      %dma_wait3A_63 = tpu.memref_slice %arg3[%add3A_6, %dma_wait3A, %dma_wait3A_62] : memref<64x40x128xi32, #tpu.memory_space<hbm>> -> memref<1x40x128xi32, #tpu.memory_space<hbm>>
      %dma_wait3A_64 = tpu.memref_squeeze %dma_wait3A_63 : memref<1x40x128xi32, #tpu.memory_space<hbm>> -> memref<40x128xi32, #tpu.memory_space<hbm>>
      %dma_wait3A_65 = arith.constant 0 : i32
      %dma_wait3A_66 = arith.constant 0 : i32
      %dma_wait3A_67 = tpu.memref_slice %arg3[%add3A_6, %dma_wait3A_65, %dma_wait3A_66] : memref<64x40x128xi32, #tpu.memory_space<hbm>> -> memref<1x40x128xi32, #tpu.memory_space<hbm>>
      %dma_wait3A_68 = tpu.memref_squeeze %dma_wait3A_67 : memref<1x40x128xi32, #tpu.memory_space<hbm>> -> memref<40x128xi32, #tpu.memory_space<hbm>>
      tpu.wait_dma2 semaphore(%run_scoped3A : memref<!tpu.dma_semaphore, #tpu.memory_space<semaphore_mem>>) src(%dma_wait3A_68 : memref<40x128xi32, #tpu.memory_space<hbm>>) dst(%arg7 : memref<40x128xi32, #tpu.memory_space<vmem>>)
      tpu.yield
    }) : () -> ()
    %mul3A_7 = arith.constant 2 : i32
    %mul3A_8 = arith.muli %arg1, %mul3A_7 : i32
    %add3A_9 = arith.constant 0 : i32
    %add3A_10 = arith.addi %mul3A_8, %add3A_9 : i32
    "tpu.region"() ({
      %run_scoped3A = tpu.sem_alloc : memref<!tpu.dma_semaphore, #tpu.memory_space<semaphore_mem>>
      %dma_start3A_54 = arith.constant 0 : i32
      %dma_start3A_55 = arith.constant 0 : i32
      %dma_start3A_56 = tpu.memref_slice %arg4[%add3A_10, %dma_start3A_54, %dma_start3A_55] : memref<32x40x128xi32, #tpu.memory_space<hbm>> -> memref<1x40x128xi32, #tpu.memory_space<hbm>>
      %dma_start3A_57 = tpu.memref_squeeze %dma_start3A_56 : memref<1x40x128xi32, #tpu.memory_space<hbm>> -> memref<40x128xi32, #tpu.memory_space<hbm>>
      %dma_start3A_58 = arith.constant 0 : i32
      %dma_start3A_59 = arith.constant 0 : i32
      %dma_start3A_60 = tpu.memref_slice %arg4[%add3A_10, %dma_start3A_58, %dma_start3A_59] : memref<32x40x128xi32, #tpu.memory_space<hbm>> -> memref<1x40x128xi32, #tpu.memory_space<hbm>>
      %dma_start3A_61 = tpu.memref_squeeze %dma_start3A_60 : memref<1x40x128xi32, #tpu.memory_space<hbm>> -> memref<40x128xi32, #tpu.memory_space<hbm>>
      tpu.enqueue_dma source(%dma_start3A_61 : memref<40x128xi32, #tpu.memory_space<hbm>>) target(%arg8 : memref<40x128xi32, #tpu.memory_space<vmem>>) target_semaphore(%run_scoped3A : memref<!tpu.dma_semaphore, #tpu.memory_space<semaphore_mem>>)
      %dma_wait3A = arith.constant 0 : i32
      %dma_wait3A_62 = arith.constant 0 : i32
      %dma_wait3A_63 = tpu.memref_slice %arg4[%add3A_10, %dma_wait3A, %dma_wait3A_62] : memref<32x40x128xi32, #tpu.memory_space<hbm>> -> memref<1x40x128xi32, #tpu.memory_space<hbm>>
      %dma_wait3A_64 = tpu.memref_squeeze %dma_wait3A_63 : memref<1x40x128xi32, #tpu.memory_space<hbm>> -> memref<40x128xi32, #tpu.memory_space<hbm>>
      %dma_wait3A_65 = arith.constant 0 : i32
      %dma_wait3A_66 = arith.constant 0 : i32
      %dma_wait3A_67 = tpu.memref_slice %arg4[%add3A_10, %dma_wait3A_65, %dma_wait3A_66] : memref<32x40x128xi32, #tpu.memory_space<hbm>> -> memref<1x40x128xi32, #tpu.memory_space<hbm>>
      %dma_wait3A_68 = tpu.memref_squeeze %dma_wait3A_67 : memref<1x40x128xi32, #tpu.memory_space<hbm>> -> memref<40x128xi32, #tpu.memory_space<hbm>>
      tpu.wait_dma2 semaphore(%run_scoped3A : memref<!tpu.dma_semaphore, #tpu.memory_space<semaphore_mem>>) src(%dma_wait3A_68 : memref<40x128xi32, #tpu.memory_space<hbm>>) dst(%arg8 : memref<40x128xi32, #tpu.memory_space<vmem>>)
      tpu.yield
    }) : () -> ()
    %dma_start3A = arith.constant 0 : i32
    %dma_start3A_11 = arith.constant 0 : i32
    %dma_start3A_12 = tpu.memref_slice %arg7[%dma_start3A, %dma_start3A_11] : memref<40x128xi32, #tpu.memory_space<vmem>> -> memref<1x128xi32, #tpu.memory_space<vmem>>
    %dma_start3A_13 = tpu.memref_squeeze %dma_start3A_12 : memref<1x128xi32, #tpu.memory_space<vmem>> -> memref<128xi32, #tpu.memory_space<vmem>>
    %dma_start3A_14 = arith.constant 0 : i32
    %dma_start3A_15 = arith.constant 0 : i32
    %dma_start3A_16 = tpu.memref_slice %arg2[%dma_start3A_14, %dma_start3A_15] : memref<20000x128xf32, #tpu.memory_space<hbm>> -> memref<20000x128xf32, #tpu.memory_space<hbm>>
    tpu.enqueue_indirect_dma source(%dma_start3A_16 : memref<20000x128xf32, #tpu.memory_space<hbm>>) target(%arg9 : memref<128x128xf32, #tpu.memory_space<vmem>>) offsets(%dma_start3A_13 : memref<128xi32, #tpu.memory_space<vmem>>) semaphore(%arg12 : memref<!tpu.dma_semaphore, #tpu.memory_space<semaphore_mem>>)
    %scan3A = arith.constant 0 : i32
    %scan3A_17 = arith.constant 0 : i32
    %scan3A_18 = arith.constant 20 : i32
    %scan3A_19 = arith.addi %scan3A_17, %scan3A_18 : i32
    %scan3A_20 = arith.constant 1 : i32
    scf.for %scan3A_54 = %scan3A_17 to %scan3A_19 step %scan3A_20  : i32 {
      %mul3A_55 = arith.constant 2 : i32
      %mul3A_56 = arith.muli %mul3A_55, %scan3A_54 : i32
      %add3A_57 = arith.constant 1 : i32
      %add3A_58 = arith.addi %mul3A_56, %add3A_57 : i32
      %dma_wait3A = arith.constant 0 : i32
      %dma_wait3A_59 = arith.constant 0 : i32
      %dma_wait3A_60 = tpu.memref_slice %arg7[%dma_wait3A, %dma_wait3A_59] : memref<40x128xi32, #tpu.memory_space<vmem>> -> memref<1x128xi32, #tpu.memory_space<vmem>>
      %dma_wait3A_61 = tpu.memref_squeeze %dma_wait3A_60 : memref<1x128xi32, #tpu.memory_space<vmem>> -> memref<128xi32, #tpu.memory_space<vmem>>
      %dma_wait3A_62 = arith.constant 0 : i32
      %dma_wait3A_63 = arith.constant 0 : i32
      %dma_wait3A_64 = tpu.memref_slice %arg2[%dma_wait3A_62, %dma_wait3A_63] : memref<20000x128xf32, #tpu.memory_space<hbm>> -> memref<20000x128xf32, #tpu.memory_space<hbm>>
      tpu.wait_indirect_dma semaphore(%arg12 : memref<!tpu.dma_semaphore, #tpu.memory_space<semaphore_mem>>) src(%dma_wait3A_64 : memref<20000x128xf32, #tpu.memory_space<hbm>>) dst(%arg9 : memref<128x128xf32, #tpu.memory_space<vmem>>)
      %dma_start3A_65 = arith.constant 0 : i32
      %dma_start3A_66 = tpu.memref_slice %arg7[%add3A_58, %dma_start3A_65] : memref<40x128xi32, #tpu.memory_space<vmem>> -> memref<1x128xi32, #tpu.memory_space<vmem>>
      %dma_start3A_67 = tpu.memref_squeeze %dma_start3A_66 : memref<1x128xi32, #tpu.memory_space<vmem>> -> memref<128xi32, #tpu.memory_space<vmem>>
      %dma_start3A_68 = arith.constant 0 : i32
      %dma_start3A_69 = arith.constant 0 : i32
      %dma_start3A_70 = tpu.memref_slice %arg2[%dma_start3A_68, %dma_start3A_69] : memref<20000x128xf32, #tpu.memory_space<hbm>> -> memref<20000x128xf32, #tpu.memory_space<hbm>>
      tpu.enqueue_indirect_dma source(%dma_start3A_70 : memref<20000x128xf32, #tpu.memory_space<hbm>>) target(%arg10 : memref<128x128xf32, #tpu.memory_space<vmem>>) offsets(%dma_start3A_67 : memref<128xi32, #tpu.memory_space<vmem>>) semaphore(%arg13 : memref<!tpu.dma_semaphore, #tpu.memory_space<semaphore_mem>>)
      "tpu.region"() ({
        %run_scoped3A = tpu.sem_alloc : memref<!tpu.dma_semaphore, #tpu.memory_space<semaphore_mem>>
        %dma_start3A_82 = arith.constant 0 : i32
        %dma_start3A_83 = tpu.memref_slice %arg8[%mul3A_56, %dma_start3A_82] : memref<40x128xi32, #tpu.memory_space<vmem>> -> memref<1x128xi32, #tpu.memory_space<vmem>>
        %dma_start3A_84 = tpu.memref_squeeze %dma_start3A_83 : memref<1x128xi32, #tpu.memory_space<vmem>> -> memref<128xi32, #tpu.memory_space<vmem>>
        %dma_start3A_85 = arith.constant 0 : i32
        %dma_start3A_86 = arith.constant 0 : i32
        %dma_start3A_87 = tpu.memref_slice %arg11[%dma_start3A_85, %dma_start3A_86] : memref<10240x128xf32, #tpu.memory_space<vmem_shared>> -> memref<10240x128xf32, #tpu.memory_space<vmem_shared>>
        tpu.enqueue_indirect_dma source(%arg9 : memref<128x128xf32, #tpu.memory_space<vmem>>) target(%dma_start3A_87 : memref<10240x128xf32, #tpu.memory_space<vmem_shared>>) offsets(%dma_start3A_84 : memref<128xi32, #tpu.memory_space<vmem>>) semaphore(%run_scoped3A : memref<!tpu.dma_semaphore, #tpu.memory_space<semaphore_mem>>) {add = true}
        %dma_wait3A_88 = arith.constant 0 : i32
        %dma_wait3A_89 = tpu.memref_slice %arg8[%mul3A_56, %dma_wait3A_88] : memref<40x128xi32, #tpu.memory_space<vmem>> -> memref<1x128xi32, #tpu.memory_space<vmem>>
        %dma_wait3A_90 = tpu.memref_squeeze %dma_wait3A_89 : memref<1x128xi32, #tpu.memory_space<vmem>> -> memref<128xi32, #tpu.memory_space<vmem>>
        %dma_wait3A_91 = arith.constant 0 : i32
        %dma_wait3A_92 = arith.constant 0 : i32
        %dma_wait3A_93 = tpu.memref_slice %arg11[%dma_wait3A_91, %dma_wait3A_92] : memref<10240x128xf32, #tpu.memory_space<vmem_shared>> -> memref<10240x128xf32, #tpu.memory_space<vmem_shared>>
        tpu.wait_indirect_dma semaphore(%run_scoped3A : memref<!tpu.dma_semaphore, #tpu.memory_space<semaphore_mem>>) src(%arg9 : memref<128x128xf32, #tpu.memory_space<vmem>>) dst(%dma_wait3A_93 : memref<10240x128xf32, #tpu.memory_space<vmem_shared>>)
        tpu.yield
      }) : () -> ()
      %dma_wait3A_71 = arith.constant 0 : i32
      %dma_wait3A_72 = arith.constant 0 : i32
      %dma_wait3A_73 = tpu.memref_slice %arg7[%dma_wait3A_71, %dma_wait3A_72] : memref<40x128xi32, #tpu.memory_space<vmem>> -> memref<1x128xi32, #tpu.memory_space<vmem>>
      %dma_wait3A_74 = tpu.memref_squeeze %dma_wait3A_73 : memref<1x128xi32, #tpu.memory_space<vmem>> -> memref<128xi32, #tpu.memory_space<vmem>>
      %dma_wait3A_75 = arith.constant 0 : i32
      %dma_wait3A_76 = arith.constant 0 : i32
      %dma_wait3A_77 = tpu.memref_slice %arg2[%dma_wait3A_75, %dma_wait3A_76] : memref<20000x128xf32, #tpu.memory_space<hbm>> -> memref<20000x128xf32, #tpu.memory_space<hbm>>
      tpu.wait_indirect_dma semaphore(%arg13 : memref<!tpu.dma_semaphore, #tpu.memory_space<semaphore_mem>>) src(%dma_wait3A_77 : memref<20000x128xf32, #tpu.memory_space<hbm>>) dst(%arg10 : memref<128x128xf32, #tpu.memory_space<vmem>>)
      %add3A_78 = arith.constant 1 : i32
      %add3A_79 = arith.addi %add3A_58, %add3A_78 : i32
      %lt3A = arith.constant 40 : i32
      %lt3A_80 = arith.cmpi slt, %add3A_79, %lt3A : i32
      %convert_element_type3A = arith.extui %lt3A_80 : i1 to i32
      %cond3A = arith.constant 0 : i32
      %cond3A_81 = arith.cmpi ne, %convert_element_type3A, %cond3A : i32
      scf.if %cond3A_81 {
        %add3A_82 = arith.constant 1 : i32
        %add3A_83 = arith.addi %add3A_58, %add3A_82 : i32
        %dma_start3A_84 = arith.constant 0 : i32
        %dma_start3A_85 = tpu.memref_slice %arg7[%add3A_83, %dma_start3A_84] : memref<40x128xi32, #tpu.memory_space<vmem>> -> memref<1x128xi32, #tpu.memory_space<vmem>>
        %dma_start3A_86 = tpu.memref_squeeze %dma_start3A_85 : memref<1x128xi32, #tpu.memory_space<vmem>> -> memref<128xi32, #tpu.memory_space<vmem>>
        %dma_start3A_87 = arith.constant 0 : i32
        %dma_start3A_88 = arith.constant 0 : i32
        %dma_start3A_89 = tpu.memref_slice %arg2[%dma_start3A_87, %dma_start3A_88] : memref<20000x128xf32, #tpu.memory_space<hbm>> -> memref<20000x128xf32, #tpu.memory_space<hbm>>
        tpu.enqueue_indirect_dma source(%dma_start3A_89 : memref<20000x128xf32, #tpu.memory_space<hbm>>) target(%arg9 : memref<128x128xf32, #tpu.memory_space<vmem>>) offsets(%dma_start3A_86 : memref<128xi32, #tpu.memory_space<vmem>>) semaphore(%arg12 : memref<!tpu.dma_semaphore, #tpu.memory_space<semaphore_mem>>)
      } else {
      }
      "tpu.region"() ({
        %run_scoped3A = tpu.sem_alloc : memref<!tpu.dma_semaphore, #tpu.memory_space<semaphore_mem>>
        %dma_start3A_82 = arith.constant 0 : i32
        %dma_start3A_83 = tpu.memref_slice %arg8[%add3A_58, %dma_start3A_82] : memref<40x128xi32, #tpu.memory_space<vmem>> -> memref<1x128xi32, #tpu.memory_space<vmem>>
        %dma_start3A_84 = tpu.memref_squeeze %dma_start3A_83 : memref<1x128xi32, #tpu.memory_space<vmem>> -> memref<128xi32, #tpu.memory_space<vmem>>
        %dma_start3A_85 = arith.constant 0 : i32
        %dma_start3A_86 = arith.constant 0 : i32
        %dma_start3A_87 = tpu.memref_slice %arg11[%dma_start3A_85, %dma_start3A_86] : memref<10240x128xf32, #tpu.memory_space<vmem_shared>> -> memref<10240x128xf32, #tpu.memory_space<vmem_shared>>
        tpu.enqueue_indirect_dma source(%arg10 : memref<128x128xf32, #tpu.memory_space<vmem>>) target(%dma_start3A_87 : memref<10240x128xf32, #tpu.memory_space<vmem_shared>>) offsets(%dma_start3A_84 : memref<128xi32, #tpu.memory_space<vmem>>) semaphore(%run_scoped3A : memref<!tpu.dma_semaphore, #tpu.memory_space<semaphore_mem>>) {add = true}
        %dma_wait3A_88 = arith.constant 0 : i32
        %dma_wait3A_89 = tpu.memref_slice %arg8[%add3A_58, %dma_wait3A_88] : memref<40x128xi32, #tpu.memory_space<vmem>> -> memref<1x128xi32, #tpu.memory_space<vmem>>
        %dma_wait3A_90 = tpu.memref_squeeze %dma_wait3A_89 : memref<1x128xi32, #tpu.memory_space<vmem>> -> memref<128xi32, #tpu.memory_space<vmem>>
        %dma_wait3A_91 = arith.constant 0 : i32
        %dma_wait3A_92 = arith.constant 0 : i32
        %dma_wait3A_93 = tpu.memref_slice %arg11[%dma_wait3A_91, %dma_wait3A_92] : memref<10240x128xf32, #tpu.memory_space<vmem_shared>> -> memref<10240x128xf32, #tpu.memory_space<vmem_shared>>
        tpu.wait_indirect_dma semaphore(%run_scoped3A : memref<!tpu.dma_semaphore, #tpu.memory_space<semaphore_mem>>) src(%arg10 : memref<128x128xf32, #tpu.memory_space<vmem>>) dst(%dma_wait3A_93 : memref<10240x128xf32, #tpu.memory_space<vmem_shared>>)
        tpu.yield
      }) : () -> ()
    }
    %scan3A_21 = arith.constant 20 : i32
    %mul3A_22 = arith.constant 16 : i32
    %mul3A_23 = arith.muli %arg0, %mul3A_22 : i32
    %add3A_24 = arith.addi %mul3A_23, %arg1 : i32
    %mul3A_25 = arith.constant 2 : i32
    %mul3A_26 = arith.muli %add3A_24, %mul3A_25 : i32
    %add3A_27 = arith.constant 1 : i32
    %add3A_28 = arith.addi %mul3A_26, %add3A_27 : i32
    "tpu.region"() ({
      %run_scoped3A = tpu.sem_alloc : memref<!tpu.dma_semaphore, #tpu.memory_space<semaphore_mem>>
      %dma_start3A_54 = arith.constant 0 : i32
      %dma_start3A_55 = arith.constant 0 : i32
      %dma_start3A_56 = tpu.memref_slice %arg3[%add3A_28, %dma_start3A_54, %dma_start3A_55] : memref<64x40x128xi32, #tpu.memory_space<hbm>> -> memref<1x40x128xi32, #tpu.memory_space<hbm>>
      %dma_start3A_57 = tpu.memref_squeeze %dma_start3A_56 : memref<1x40x128xi32, #tpu.memory_space<hbm>> -> memref<40x128xi32, #tpu.memory_space<hbm>>
      %dma_start3A_58 = arith.constant 0 : i32
      %dma_start3A_59 = arith.constant 0 : i32
      %dma_start3A_60 = tpu.memref_slice %arg3[%add3A_28, %dma_start3A_58, %dma_start3A_59] : memref<64x40x128xi32, #tpu.memory_space<hbm>> -> memref<1x40x128xi32, #tpu.memory_space<hbm>>
      %dma_start3A_61 = tpu.memref_squeeze %dma_start3A_60 : memref<1x40x128xi32, #tpu.memory_space<hbm>> -> memref<40x128xi32, #tpu.memory_space<hbm>>
      tpu.enqueue_dma source(%dma_start3A_61 : memref<40x128xi32, #tpu.memory_space<hbm>>) target(%arg7 : memref<40x128xi32, #tpu.memory_space<vmem>>) target_semaphore(%run_scoped3A : memref<!tpu.dma_semaphore, #tpu.memory_space<semaphore_mem>>)
      %dma_wait3A = arith.constant 0 : i32
      %dma_wait3A_62 = arith.constant 0 : i32
      %dma_wait3A_63 = tpu.memref_slice %arg3[%add3A_28, %dma_wait3A, %dma_wait3A_62] : memref<64x40x128xi32, #tpu.memory_space<hbm>> -> memref<1x40x128xi32, #tpu.memory_space<hbm>>
      %dma_wait3A_64 = tpu.memref_squeeze %dma_wait3A_63 : memref<1x40x128xi32, #tpu.memory_space<hbm>> -> memref<40x128xi32, #tpu.memory_space<hbm>>
      %dma_wait3A_65 = arith.constant 0 : i32
      %dma_wait3A_66 = arith.constant 0 : i32
      %dma_wait3A_67 = tpu.memref_slice %arg3[%add3A_28, %dma_wait3A_65, %dma_wait3A_66] : memref<64x40x128xi32, #tpu.memory_space<hbm>> -> memref<1x40x128xi32, #tpu.memory_space<hbm>>
      %dma_wait3A_68 = tpu.memref_squeeze %dma_wait3A_67 : memref<1x40x128xi32, #tpu.memory_space<hbm>> -> memref<40x128xi32, #tpu.memory_space<hbm>>
      tpu.wait_dma2 semaphore(%run_scoped3A : memref<!tpu.dma_semaphore, #tpu.memory_space<semaphore_mem>>) src(%dma_wait3A_68 : memref<40x128xi32, #tpu.memory_space<hbm>>) dst(%arg7 : memref<40x128xi32, #tpu.memory_space<vmem>>)
      tpu.yield
    }) : () -> ()
    %mul3A_29 = arith.constant 2 : i32
    %mul3A_30 = arith.muli %arg1, %mul3A_29 : i32
    %add3A_31 = arith.constant 1 : i32
    %add3A_32 = arith.addi %mul3A_30, %add3A_31 : i32
    "tpu.region"() ({
      %run_scoped3A = tpu.sem_alloc : memref<!tpu.dma_semaphore, #tpu.memory_space<semaphore_mem>>
      %dma_start3A_54 = arith.constant 0 : i32
      %dma_start3A_55 = arith.constant 0 : i32
      %dma_start3A_56 = tpu.memref_slice %arg4[%add3A_32, %dma_start3A_54, %dma_start3A_55] : memref<32x40x128xi32, #tpu.memory_space<hbm>> -> memref<1x40x128xi32, #tpu.memory_space<hbm>>
      %dma_start3A_57 = tpu.memref_squeeze %dma_start3A_56 : memref<1x40x128xi32, #tpu.memory_space<hbm>> -> memref<40x128xi32, #tpu.memory_space<hbm>>
      %dma_start3A_58 = arith.constant 0 : i32
      %dma_start3A_59 = arith.constant 0 : i32
      %dma_start3A_60 = tpu.memref_slice %arg4[%add3A_32, %dma_start3A_58, %dma_start3A_59] : memref<32x40x128xi32, #tpu.memory_space<hbm>> -> memref<1x40x128xi32, #tpu.memory_space<hbm>>
      %dma_start3A_61 = tpu.memref_squeeze %dma_start3A_60 : memref<1x40x128xi32, #tpu.memory_space<hbm>> -> memref<40x128xi32, #tpu.memory_space<hbm>>
      tpu.enqueue_dma source(%dma_start3A_61 : memref<40x128xi32, #tpu.memory_space<hbm>>) target(%arg8 : memref<40x128xi32, #tpu.memory_space<vmem>>) target_semaphore(%run_scoped3A : memref<!tpu.dma_semaphore, #tpu.memory_space<semaphore_mem>>)
      %dma_wait3A = arith.constant 0 : i32
      %dma_wait3A_62 = arith.constant 0 : i32
      %dma_wait3A_63 = tpu.memref_slice %arg4[%add3A_32, %dma_wait3A, %dma_wait3A_62] : memref<32x40x128xi32, #tpu.memory_space<hbm>> -> memref<1x40x128xi32, #tpu.memory_space<hbm>>
      %dma_wait3A_64 = tpu.memref_squeeze %dma_wait3A_63 : memref<1x40x128xi32, #tpu.memory_space<hbm>> -> memref<40x128xi32, #tpu.memory_space<hbm>>
      %dma_wait3A_65 = arith.constant 0 : i32
      %dma_wait3A_66 = arith.constant 0 : i32
      %dma_wait3A_67 = tpu.memref_slice %arg4[%add3A_32, %dma_wait3A_65, %dma_wait3A_66] : memref<32x40x128xi32, #tpu.memory_space<hbm>> -> memref<1x40x128xi32, #tpu.memory_space<hbm>>
      %dma_wait3A_68 = tpu.memref_squeeze %dma_wait3A_67 : memref<1x40x128xi32, #tpu.memory_space<hbm>> -> memref<40x128xi32, #tpu.memory_space<hbm>>
      tpu.wait_dma2 semaphore(%run_scoped3A : memref<!tpu.dma_semaphore, #tpu.memory_space<semaphore_mem>>) src(%dma_wait3A_68 : memref<40x128xi32, #tpu.memory_space<hbm>>) dst(%arg8 : memref<40x128xi32, #tpu.memory_space<vmem>>)
      tpu.yield
    }) : () -> ()
    %dma_start3A_33 = arith.constant 0 : i32
    %dma_start3A_34 = arith.constant 0 : i32
    %dma_start3A_35 = tpu.memref_slice %arg7[%dma_start3A_33, %dma_start3A_34] : memref<40x128xi32, #tpu.memory_space<vmem>> -> memref<1x128xi32, #tpu.memory_space<vmem>>
    %dma_start3A_36 = tpu.memref_squeeze %dma_start3A_35 : memref<1x128xi32, #tpu.memory_space<vmem>> -> memref<128xi32, #tpu.memory_space<vmem>>
    %dma_start3A_37 = arith.constant 0 : i32
    %dma_start3A_38 = arith.constant 0 : i32
    %dma_start3A_39 = tpu.memref_slice %arg2[%dma_start3A_37, %dma_start3A_38] : memref<20000x128xf32, #tpu.memory_space<hbm>> -> memref<20000x128xf32, #tpu.memory_space<hbm>>
    tpu.enqueue_indirect_dma source(%dma_start3A_39 : memref<20000x128xf32, #tpu.memory_space<hbm>>) target(%arg9 : memref<128x128xf32, #tpu.memory_space<vmem>>) offsets(%dma_start3A_36 : memref<128xi32, #tpu.memory_space<vmem>>) semaphore(%arg12 : memref<!tpu.dma_semaphore, #tpu.memory_space<semaphore_mem>>)
    %scan3A_40 = arith.constant 0 : i32
    %scan3A_41 = arith.constant 0 : i32
    %scan3A_42 = arith.constant 20 : i32
    %scan3A_43 = arith.addi %scan3A_41, %scan3A_42 : i32
    %scan3A_44 = arith.constant 1 : i32
    scf.for %scan3A_54 = %scan3A_41 to %scan3A_43 step %scan3A_44  : i32 {
      %mul3A_55 = arith.constant 2 : i32
      %mul3A_56 = arith.muli %mul3A_55, %scan3A_54 : i32
      %add3A_57 = arith.constant 1 : i32
      %add3A_58 = arith.addi %mul3A_56, %add3A_57 : i32
      %dma_wait3A = arith.constant 0 : i32
      %dma_wait3A_59 = arith.constant 0 : i32
      %dma_wait3A_60 = tpu.memref_slice %arg7[%dma_wait3A, %dma_wait3A_59] : memref<40x128xi32, #tpu.memory_space<vmem>> -> memref<1x128xi32, #tpu.memory_space<vmem>>
      %dma_wait3A_61 = tpu.memref_squeeze %dma_wait3A_60 : memref<1x128xi32, #tpu.memory_space<vmem>> -> memref<128xi32, #tpu.memory_space<vmem>>
      %dma_wait3A_62 = arith.constant 0 : i32
      %dma_wait3A_63 = arith.constant 0 : i32
      %dma_wait3A_64 = tpu.memref_slice %arg2[%dma_wait3A_62, %dma_wait3A_63] : memref<20000x128xf32, #tpu.memory_space<hbm>> -> memref<20000x128xf32, #tpu.memory_space<hbm>>
      tpu.wait_indirect_dma semaphore(%arg12 : memref<!tpu.dma_semaphore, #tpu.memory_space<semaphore_mem>>) src(%dma_wait3A_64 : memref<20000x128xf32, #tpu.memory_space<hbm>>) dst(%arg9 : memref<128x128xf32, #tpu.memory_space<vmem>>)
      %dma_start3A_65 = arith.constant 0 : i32
      %dma_start3A_66 = tpu.memref_slice %arg7[%add3A_58, %dma_start3A_65] : memref<40x128xi32, #tpu.memory_space<vmem>> -> memref<1x128xi32, #tpu.memory_space<vmem>>
      %dma_start3A_67 = tpu.memref_squeeze %dma_start3A_66 : memref<1x128xi32, #tpu.memory_space<vmem>> -> memref<128xi32, #tpu.memory_space<vmem>>
      %dma_start3A_68 = arith.constant 0 : i32
      %dma_start3A_69 = arith.constant 0 : i32
      %dma_start3A_70 = tpu.memref_slice %arg2[%dma_start3A_68, %dma_start3A_69] : memref<20000x128xf32, #tpu.memory_space<hbm>> -> memref<20000x128xf32, #tpu.memory_space<hbm>>
      tpu.enqueue_indirect_dma source(%dma_start3A_70 : memref<20000x128xf32, #tpu.memory_space<hbm>>) target(%arg10 : memref<128x128xf32, #tpu.memory_space<vmem>>) offsets(%dma_start3A_67 : memref<128xi32, #tpu.memory_space<vmem>>) semaphore(%arg13 : memref<!tpu.dma_semaphore, #tpu.memory_space<semaphore_mem>>)
      "tpu.region"() ({
        %run_scoped3A = tpu.sem_alloc : memref<!tpu.dma_semaphore, #tpu.memory_space<semaphore_mem>>
        %dma_start3A_82 = arith.constant 0 : i32
        %dma_start3A_83 = tpu.memref_slice %arg8[%mul3A_56, %dma_start3A_82] : memref<40x128xi32, #tpu.memory_space<vmem>> -> memref<1x128xi32, #tpu.memory_space<vmem>>
        %dma_start3A_84 = tpu.memref_squeeze %dma_start3A_83 : memref<1x128xi32, #tpu.memory_space<vmem>> -> memref<128xi32, #tpu.memory_space<vmem>>
        %dma_start3A_85 = arith.constant 0 : i32
        %dma_start3A_86 = arith.constant 0 : i32
        %dma_start3A_87 = tpu.memref_slice %arg11[%dma_start3A_85, %dma_start3A_86] : memref<10240x128xf32, #tpu.memory_space<vmem_shared>> -> memref<10240x128xf32, #tpu.memory_space<vmem_shared>>
        tpu.enqueue_indirect_dma source(%arg9 : memref<128x128xf32, #tpu.memory_space<vmem>>) target(%dma_start3A_87 : memref<10240x128xf32, #tpu.memory_space<vmem_shared>>) offsets(%dma_start3A_84 : memref<128xi32, #tpu.memory_space<vmem>>) semaphore(%run_scoped3A : memref<!tpu.dma_semaphore, #tpu.memory_space<semaphore_mem>>) {add = true}
        %dma_wait3A_88 = arith.constant 0 : i32
        %dma_wait3A_89 = tpu.memref_slice %arg8[%mul3A_56, %dma_wait3A_88] : memref<40x128xi32, #tpu.memory_space<vmem>> -> memref<1x128xi32, #tpu.memory_space<vmem>>
        %dma_wait3A_90 = tpu.memref_squeeze %dma_wait3A_89 : memref<1x128xi32, #tpu.memory_space<vmem>> -> memref<128xi32, #tpu.memory_space<vmem>>
        %dma_wait3A_91 = arith.constant 0 : i32
        %dma_wait3A_92 = arith.constant 0 : i32
        %dma_wait3A_93 = tpu.memref_slice %arg11[%dma_wait3A_91, %dma_wait3A_92] : memref<10240x128xf32, #tpu.memory_space<vmem_shared>> -> memref<10240x128xf32, #tpu.memory_space<vmem_shared>>
        tpu.wait_indirect_dma semaphore(%run_scoped3A : memref<!tpu.dma_semaphore, #tpu.memory_space<semaphore_mem>>) src(%arg9 : memref<128x128xf32, #tpu.memory_space<vmem>>) dst(%dma_wait3A_93 : memref<10240x128xf32, #tpu.memory_space<vmem_shared>>)
        tpu.yield
      }) : () -> ()
      %dma_wait3A_71 = arith.constant 0 : i32
      %dma_wait3A_72 = arith.constant 0 : i32
      %dma_wait3A_73 = tpu.memref_slice %arg7[%dma_wait3A_71, %dma_wait3A_72] : memref<40x128xi32, #tpu.memory_space<vmem>> -> memref<1x128xi32, #tpu.memory_space<vmem>>
      %dma_wait3A_74 = tpu.memref_squeeze %dma_wait3A_73 : memref<1x128xi32, #tpu.memory_space<vmem>> -> memref<128xi32, #tpu.memory_space<vmem>>
      %dma_wait3A_75 = arith.constant 0 : i32
      %dma_wait3A_76 = arith.constant 0 : i32
      %dma_wait3A_77 = tpu.memref_slice %arg2[%dma_wait3A_75, %dma_wait3A_76] : memref<20000x128xf32, #tpu.memory_space<hbm>> -> memref<20000x128xf32, #tpu.memory_space<hbm>>
      tpu.wait_indirect_dma semaphore(%arg13 : memref<!tpu.dma_semaphore, #tpu.memory_space<semaphore_mem>>) src(%dma_wait3A_77 : memref<20000x128xf32, #tpu.memory_space<hbm>>) dst(%arg10 : memref<128x128xf32, #tpu.memory_space<vmem>>)
      %add3A_78 = arith.constant 1 : i32
      %add3A_79 = arith.addi %add3A_58, %add3A_78 : i32
      %lt3A = arith.constant 40 : i32
      %lt3A_80 = arith.cmpi slt, %add3A_79, %lt3A : i32
      %convert_element_type3A = arith.extui %lt3A_80 : i1 to i32
      %cond3A = arith.constant 0 : i32
      %cond3A_81 = arith.cmpi ne, %convert_element_type3A, %cond3A : i32
      scf.if %cond3A_81 {
        %add3A_82 = arith.constant 1 : i32
        %add3A_83 = arith.addi %add3A_58, %add3A_82 : i32
        %dma_start3A_84 = arith.constant 0 : i32
        %dma_start3A_85 = tpu.memref_slice %arg7[%add3A_83, %dma_start3A_84] : memref<40x128xi32, #tpu.memory_space<vmem>> -> memref<1x128xi32, #tpu.memory_space<vmem>>
        %dma_start3A_86 = tpu.memref_squeeze %dma_start3A_85 : memref<1x128xi32, #tpu.memory_space<vmem>> -> memref<128xi32, #tpu.memory_space<vmem>>
        %dma_start3A_87 = arith.constant 0 : i32
        %dma_start3A_88 = arith.constant 0 : i32
        %dma_start3A_89 = tpu.memref_slice %arg2[%dma_start3A_87, %dma_start3A_88] : memref<20000x128xf32, #tpu.memory_space<hbm>> -> memref<20000x128xf32, #tpu.memory_space<hbm>>
        tpu.enqueue_indirect_dma source(%dma_start3A_89 : memref<20000x128xf32, #tpu.memory_space<hbm>>) target(%arg9 : memref<128x128xf32, #tpu.memory_space<vmem>>) offsets(%dma_start3A_86 : memref<128xi32, #tpu.memory_space<vmem>>) semaphore(%arg12 : memref<!tpu.dma_semaphore, #tpu.memory_space<semaphore_mem>>)
      } else {
      }
      "tpu.region"() ({
        %run_scoped3A = tpu.sem_alloc : memref<!tpu.dma_semaphore, #tpu.memory_space<semaphore_mem>>
        %dma_start3A_82 = arith.constant 0 : i32
        %dma_start3A_83 = tpu.memref_slice %arg8[%add3A_58, %dma_start3A_82] : memref<40x128xi32, #tpu.memory_space<vmem>> -> memref<1x128xi32, #tpu.memory_space<vmem>>
        %dma_start3A_84 = tpu.memref_squeeze %dma_start3A_83 : memref<1x128xi32, #tpu.memory_space<vmem>> -> memref<128xi32, #tpu.memory_space<vmem>>
        %dma_start3A_85 = arith.constant 0 : i32
        %dma_start3A_86 = arith.constant 0 : i32
        %dma_start3A_87 = tpu.memref_slice %arg11[%dma_start3A_85, %dma_start3A_86] : memref<10240x128xf32, #tpu.memory_space<vmem_shared>> -> memref<10240x128xf32, #tpu.memory_space<vmem_shared>>
        tpu.enqueue_indirect_dma source(%arg10 : memref<128x128xf32, #tpu.memory_space<vmem>>) target(%dma_start3A_87 : memref<10240x128xf32, #tpu.memory_space<vmem_shared>>) offsets(%dma_start3A_84 : memref<128xi32, #tpu.memory_space<vmem>>) semaphore(%run_scoped3A : memref<!tpu.dma_semaphore, #tpu.memory_space<semaphore_mem>>) {add = true}
        %dma_wait3A_88 = arith.constant 0 : i32
        %dma_wait3A_89 = tpu.memref_slice %arg8[%add3A_58, %dma_wait3A_88] : memref<40x128xi32, #tpu.memory_space<vmem>> -> memref<1x128xi32, #tpu.memory_space<vmem>>
        %dma_wait3A_90 = tpu.memref_squeeze %dma_wait3A_89 : memref<1x128xi32, #tpu.memory_space<vmem>> -> memref<128xi32, #tpu.memory_space<vmem>>
        %dma_wait3A_91 = arith.constant 0 : i32
        %dma_wait3A_92 = arith.constant 0 : i32
        %dma_wait3A_93 = tpu.memref_slice %arg11[%dma_wait3A_91, %dma_wait3A_92] : memref<10240x128xf32, #tpu.memory_space<vmem_shared>> -> memref<10240x128xf32, #tpu.memory_space<vmem_shared>>
        tpu.wait_indirect_dma semaphore(%run_scoped3A : memref<!tpu.dma_semaphore, #tpu.memory_space<semaphore_mem>>) src(%arg10 : memref<128x128xf32, #tpu.memory_space<vmem>>) dst(%dma_wait3A_93 : memref<10240x128xf32, #tpu.memory_space<vmem_shared>>)
        tpu.yield
      }) : () -> ()
    }
    %scan3A_45 = arith.constant 20 : i32
    %barrier3A_46 = arith.constant 0 : index
    tpu.barrier barrier_id(%barrier3A_46)
    %mul3A_47 = arith.constant 640 : i32
    %mul3A_48 = arith.muli %arg1, %mul3A_47 : i32
    %mul3A_49 = arith.constant 10240 : i32
    %mul3A_50 = arith.muli %arg0, %mul3A_49 : i32
    %mul3A_51 = arith.constant 640 : i32
    %mul3A_52 = arith.muli %arg1, %mul3A_51 : i32
    %add3A_53 = arith.addi %mul3A_50, %mul3A_52 : i32
    "tpu.region"() ({
      %run_scoped3A = tpu.sem_alloc : memref<!tpu.dma_semaphore, #tpu.memory_space<semaphore_mem>>
      %dma_start3A_54 = arith.constant 0 : i32
      %dma_start3A_55 = tpu.memref_slice %arg6[%add3A_53, %dma_start3A_54] : memref<20480x128xf32, #tpu.memory_space<hbm>> -> memref<640x128xf32, #tpu.memory_space<hbm>>
      %dma_start3A_56 = arith.constant 0 : i32
      %dma_start3A_57 = tpu.memref_slice %arg11[%mul3A_48, %dma_start3A_56] : memref<10240x128xf32, #tpu.memory_space<vmem_shared>> -> memref<640x128xf32, #tpu.memory_space<vmem_shared>>
      tpu.enqueue_dma source(%dma_start3A_57 : memref<640x128xf32, #tpu.memory_space<vmem_shared>>) target(%dma_start3A_55 : memref<640x128xf32, #tpu.memory_space<hbm>>) target_semaphore(%run_scoped3A : memref<!tpu.dma_semaphore, #tpu.memory_space<semaphore_mem>>)
      %dma_wait3A = arith.constant 0 : i32
      %dma_wait3A_58 = tpu.memref_slice %arg6[%add3A_53, %dma_wait3A] : memref<20480x128xf32, #tpu.memory_space<hbm>> -> memref<640x128xf32, #tpu.memory_space<hbm>>
      %dma_wait3A_59 = arith.constant 0 : i32
      %dma_wait3A_60 = tpu.memref_slice %arg11[%mul3A_48, %dma_wait3A_59] : memref<10240x128xf32, #tpu.memory_space<vmem_shared>> -> memref<640x128xf32, #tpu.memory_space<vmem_shared>>
      tpu.wait_dma2 semaphore(%run_scoped3A : memref<!tpu.dma_semaphore, #tpu.memory_space<semaphore_mem>>) src(%dma_wait3A_60 : memref<640x128xf32, #tpu.memory_space<vmem_shared>>) dst(%dma_wait3A_58 : memref<640x128xf32, #tpu.memory_space<hbm>>)
      tpu.yield
    }) : () -> ()
    return
  }
}

#map = affine_map<(d0, d1) -> (0, 0)>
#map1 = affine_map<(d0, d1) -> (0, 0, 0)>
module attributes {stable_mosaic.version = 14 : i64} {
  func.func @_sc_agg_body(%arg0: i32, %arg1: i32, %arg2: memref<20000x128xf32, #tpu.memory_space<hbm>>, %arg3: memref<64x40x128xi32, #tpu.memory_space<hbm>>, %arg4: memref<32x40x128xi32, #tpu.memory_space<hbm>>, %arg5: memref<640x128xf32, #tpu.memory_space<hbm>>, %arg6: memref<20480x128xf32, #tpu.memory_space<hbm>>, %arg7: memref<40x128xi32, #tpu.memory_space<vmem>>, %arg8: memref<40x128xi32, #tpu.memory_space<vmem>>, %arg9: memref<128x128xf32, #tpu.memory_space<vmem>>, %arg10: memref<128x128xf32, #tpu.memory_space<vmem>>, %arg11: memref<10240x128xf32, #tpu.memory_space<vmem_shared>>, %arg12: memref<!tpu.dma_semaphore, #tpu.memory_space<semaphore_mem>>, %arg13: memref<!tpu.dma_semaphore, #tpu.memory_space<semaphore_mem>>) attributes {dimension_semantics = [#tpu.dimension_semantics<core_parallel>, #tpu.dimension_semantics<subcore_parallel>], iteration_bounds = array<i64: 2, 16>, scalar_prefetch = 0 : i64, scratch_operands = 7 : i64, tpu.core_type = #tpu.core_type<sc_vector_subcore>, window_params = [{transform_indices = #map}, {transform_indices = #map1}, {transform_indices = #map1}, {transform_indices = #map}, {transform_indices = #map}]} {
    %mul3A = arith.constant 640 : i32
    %mul3A_0 = arith.muli %arg1, %mul3A : i32
    "tpu.region"() ({
      %run_scoped3A = tpu.sem_alloc : memref<!tpu.dma_semaphore, #tpu.memory_space<semaphore_mem>>
      %dma_start3A_54 = arith.constant 0 : i32
      %dma_start3A_55 = tpu.memref_slice %arg11[%mul3A_0, %dma_start3A_54] : memref<10240x128xf32, #tpu.memory_space<vmem_shared>> -> memref<640x128xf32, #tpu.memory_space<vmem_shared>>
      tpu.enqueue_dma source(%arg5 : memref<640x128xf32, #tpu.memory_space<hbm>>) target(%dma_start3A_55 : memref<640x128xf32, #tpu.memory_space<vmem_shared>>) target_semaphore(%run_scoped3A : memref<!tpu.dma_semaphore, #tpu.memory_space<semaphore_mem>>)
      %dma_wait3A = arith.constant 0 : i32
      %dma_wait3A_56 = tpu.memref_slice %arg11[%mul3A_0, %dma_wait3A] : memref<10240x128xf32, #tpu.memory_space<vmem_shared>> -> memref<640x128xf32, #tpu.memory_space<vmem_shared>>
      tpu.wait_dma2 semaphore(%run_scoped3A : memref<!tpu.dma_semaphore, #tpu.memory_space<semaphore_mem>>) src(%arg5 : memref<640x128xf32, #tpu.memory_space<hbm>>) dst(%dma_wait3A_56 : memref<640x128xf32, #tpu.memory_space<vmem_shared>>)
      tpu.yield
    }) : () -> ()
    %barrier3A = arith.constant 0 : index
    tpu.barrier barrier_id(%barrier3A)
    %mul3A_1 = arith.constant 16 : i32
    %mul3A_2 = arith.muli %arg0, %mul3A_1 : i32
    %add3A = arith.addi %mul3A_2, %arg1 : i32
    %mul3A_3 = arith.constant 2 : i32
    %mul3A_4 = arith.muli %add3A, %mul3A_3 : i32
    %add3A_5 = arith.constant 0 : i32
    %add3A_6 = arith.addi %mul3A_4, %add3A_5 : i32
    "tpu.region"() ({
      %run_scoped3A = tpu.sem_alloc : memref<!tpu.dma_semaphore, #tpu.memory_space<semaphore_mem>>
      %dma_start3A_54 = arith.constant 0 : i32
      %dma_start3A_55 = arith.constant 0 : i32
      %dma_start3A_56 = tpu.memref_slice %arg3[%add3A_6, %dma_start3A_54, %dma_start3A_55] : memref<64x40x128xi32, #tpu.memory_space<hbm>> -> memref<1x40x128xi32, #tpu.memory_space<hbm>>
      %dma_start3A_57 = tpu.memref_squeeze %dma_start3A_56 : memref<1x40x128xi32, #tpu.memory_space<hbm>> -> memref<40x128xi32, #tpu.memory_space<hbm>>
      %dma_start3A_58 = arith.constant 0 : i32
      %dma_start3A_59 = arith.constant 0 : i32
      %dma_start3A_60 = tpu.memref_slice %arg3[%add3A_6, %dma_start3A_58, %dma_start3A_59] : memref<64x40x128xi32, #tpu.memory_space<hbm>> -> memref<1x40x128xi32, #tpu.memory_space<hbm>>
      %dma_start3A_61 = tpu.memref_squeeze %dma_start3A_60 : memref<1x40x128xi32, #tpu.memory_space<hbm>> -> memref<40x128xi32, #tpu.memory_space<hbm>>
      tpu.enqueue_dma source(%dma_start3A_61 : memref<40x128xi32, #tpu.memory_space<hbm>>) target(%arg7 : memref<40x128xi32, #tpu.memory_space<vmem>>) target_semaphore(%run_scoped3A : memref<!tpu.dma_semaphore, #tpu.memory_space<semaphore_mem>>)
      %dma_wait3A = arith.constant 0 : i32
      %dma_wait3A_62 = arith.constant 0 : i32
      %dma_wait3A_63 = tpu.memref_slice %arg3[%add3A_6, %dma_wait3A, %dma_wait3A_62] : memref<64x40x128xi32, #tpu.memory_space<hbm>> -> memref<1x40x128xi32, #tpu.memory_space<hbm>>
      %dma_wait3A_64 = tpu.memref_squeeze %dma_wait3A_63 : memref<1x40x128xi32, #tpu.memory_space<hbm>> -> memref<40x128xi32, #tpu.memory_space<hbm>>
      %dma_wait3A_65 = arith.constant 0 : i32
      %dma_wait3A_66 = arith.constant 0 : i32
      %dma_wait3A_67 = tpu.memref_slice %arg3[%add3A_6, %dma_wait3A_65, %dma_wait3A_66] : memref<64x40x128xi32, #tpu.memory_space<hbm>> -> memref<1x40x128xi32, #tpu.memory_space<hbm>>
      %dma_wait3A_68 = tpu.memref_squeeze %dma_wait3A_67 : memref<1x40x128xi32, #tpu.memory_space<hbm>> -> memref<40x128xi32, #tpu.memory_space<hbm>>
      tpu.wait_dma2 semaphore(%run_scoped3A : memref<!tpu.dma_semaphore, #tpu.memory_space<semaphore_mem>>) src(%dma_wait3A_68 : memref<40x128xi32, #tpu.memory_space<hbm>>) dst(%arg7 : memref<40x128xi32, #tpu.memory_space<vmem>>)
      tpu.yield
    }) : () -> ()
    %mul3A_7 = arith.constant 2 : i32
    %mul3A_8 = arith.muli %arg1, %mul3A_7 : i32
    %add3A_9 = arith.constant 0 : i32
    %add3A_10 = arith.addi %mul3A_8, %add3A_9 : i32
    "tpu.region"() ({
      %run_scoped3A = tpu.sem_alloc : memref<!tpu.dma_semaphore, #tpu.memory_space<semaphore_mem>>
      %dma_start3A_54 = arith.constant 0 : i32
      %dma_start3A_55 = arith.constant 0 : i32
      %dma_start3A_56 = tpu.memref_slice %arg4[%add3A_10, %dma_start3A_54, %dma_start3A_55] : memref<32x40x128xi32, #tpu.memory_space<hbm>> -> memref<1x40x128xi32, #tpu.memory_space<hbm>>
      %dma_start3A_57 = tpu.memref_squeeze %dma_start3A_56 : memref<1x40x128xi32, #tpu.memory_space<hbm>> -> memref<40x128xi32, #tpu.memory_space<hbm>>
      %dma_start3A_58 = arith.constant 0 : i32
      %dma_start3A_59 = arith.constant 0 : i32
      %dma_start3A_60 = tpu.memref_slice %arg4[%add3A_10, %dma_start3A_58, %dma_start3A_59] : memref<32x40x128xi32, #tpu.memory_space<hbm>> -> memref<1x40x128xi32, #tpu.memory_space<hbm>>
      %dma_start3A_61 = tpu.memref_squeeze %dma_start3A_60 : memref<1x40x128xi32, #tpu.memory_space<hbm>> -> memref<40x128xi32, #tpu.memory_space<hbm>>
      tpu.enqueue_dma source(%dma_start3A_61 : memref<40x128xi32, #tpu.memory_space<hbm>>) target(%arg8 : memref<40x128xi32, #tpu.memory_space<vmem>>) target_semaphore(%run_scoped3A : memref<!tpu.dma_semaphore, #tpu.memory_space<semaphore_mem>>)
      %dma_wait3A = arith.constant 0 : i32
      %dma_wait3A_62 = arith.constant 0 : i32
      %dma_wait3A_63 = tpu.memref_slice %arg4[%add3A_10, %dma_wait3A, %dma_wait3A_62] : memref<32x40x128xi32, #tpu.memory_space<hbm>> -> memref<1x40x128xi32, #tpu.memory_space<hbm>>
      %dma_wait3A_64 = tpu.memref_squeeze %dma_wait3A_63 : memref<1x40x128xi32, #tpu.memory_space<hbm>> -> memref<40x128xi32, #tpu.memory_space<hbm>>
      %dma_wait3A_65 = arith.constant 0 : i32
      %dma_wait3A_66 = arith.constant 0 : i32
      %dma_wait3A_67 = tpu.memref_slice %arg4[%add3A_10, %dma_wait3A_65, %dma_wait3A_66] : memref<32x40x128xi32, #tpu.memory_space<hbm>> -> memref<1x40x128xi32, #tpu.memory_space<hbm>>
      %dma_wait3A_68 = tpu.memref_squeeze %dma_wait3A_67 : memref<1x40x128xi32, #tpu.memory_space<hbm>> -> memref<40x128xi32, #tpu.memory_space<hbm>>
      tpu.wait_dma2 semaphore(%run_scoped3A : memref<!tpu.dma_semaphore, #tpu.memory_space<semaphore_mem>>) src(%dma_wait3A_68 : memref<40x128xi32, #tpu.memory_space<hbm>>) dst(%arg8 : memref<40x128xi32, #tpu.memory_space<vmem>>)
      tpu.yield
    }) : () -> ()
    %dma_start3A = arith.constant 0 : i32
    %dma_start3A_11 = arith.constant 0 : i32
    %dma_start3A_12 = tpu.memref_slice %arg7[%dma_start3A, %dma_start3A_11] : memref<40x128xi32, #tpu.memory_space<vmem>> -> memref<1x128xi32, #tpu.memory_space<vmem>>
    %dma_start3A_13 = tpu.memref_squeeze %dma_start3A_12 : memref<1x128xi32, #tpu.memory_space<vmem>> -> memref<128xi32, #tpu.memory_space<vmem>>
    %dma_start3A_14 = arith.constant 0 : i32
    %dma_start3A_15 = arith.constant 0 : i32
    %dma_start3A_16 = tpu.memref_slice %arg2[%dma_start3A_14, %dma_start3A_15] : memref<20000x128xf32, #tpu.memory_space<hbm>> -> memref<20000x128xf32, #tpu.memory_space<hbm>>
    tpu.enqueue_indirect_dma source(%dma_start3A_16 : memref<20000x128xf32, #tpu.memory_space<hbm>>) target(%arg9 : memref<128x128xf32, #tpu.memory_space<vmem>>) offsets(%dma_start3A_13 : memref<128xi32, #tpu.memory_space<vmem>>) semaphore(%arg12 : memref<!tpu.dma_semaphore, #tpu.memory_space<semaphore_mem>>)
    %scan3A = arith.constant 0 : i32
    %scan3A_17 = arith.constant 0 : i32
    %scan3A_18 = arith.constant 20 : i32
    %scan3A_19 = arith.addi %scan3A_17, %scan3A_18 : i32
    %scan3A_20 = arith.constant 1 : i32
    scf.for %scan3A_54 = %scan3A_17 to %scan3A_19 step %scan3A_20  : i32 {
      %mul3A_55 = arith.constant 2 : i32
      %mul3A_56 = arith.muli %mul3A_55, %scan3A_54 : i32
      %add3A_57 = arith.constant 1 : i32
      %add3A_58 = arith.addi %mul3A_56, %add3A_57 : i32
      %dma_wait3A = arith.constant 0 : i32
      %dma_wait3A_59 = arith.constant 0 : i32
      %dma_wait3A_60 = tpu.memref_slice %arg7[%dma_wait3A, %dma_wait3A_59] : memref<40x128xi32, #tpu.memory_space<vmem>> -> memref<1x128xi32, #tpu.memory_space<vmem>>
      %dma_wait3A_61 = tpu.memref_squeeze %dma_wait3A_60 : memref<1x128xi32, #tpu.memory_space<vmem>> -> memref<128xi32, #tpu.memory_space<vmem>>
      %dma_wait3A_62 = arith.constant 0 : i32
      %dma_wait3A_63 = arith.constant 0 : i32
      %dma_wait3A_64 = tpu.memref_slice %arg2[%dma_wait3A_62, %dma_wait3A_63] : memref<20000x128xf32, #tpu.memory_space<hbm>> -> memref<20000x128xf32, #tpu.memory_space<hbm>>
      tpu.wait_indirect_dma semaphore(%arg12 : memref<!tpu.dma_semaphore, #tpu.memory_space<semaphore_mem>>) src(%dma_wait3A_64 : memref<20000x128xf32, #tpu.memory_space<hbm>>) dst(%arg9 : memref<128x128xf32, #tpu.memory_space<vmem>>)
      %dma_start3A_65 = arith.constant 0 : i32
      %dma_start3A_66 = tpu.memref_slice %arg7[%add3A_58, %dma_start3A_65] : memref<40x128xi32, #tpu.memory_space<vmem>> -> memref<1x128xi32, #tpu.memory_space<vmem>>
      %dma_start3A_67 = tpu.memref_squeeze %dma_start3A_66 : memref<1x128xi32, #tpu.memory_space<vmem>> -> memref<128xi32, #tpu.memory_space<vmem>>
      %dma_start3A_68 = arith.constant 0 : i32
      %dma_start3A_69 = arith.constant 0 : i32
      %dma_start3A_70 = tpu.memref_slice %arg2[%dma_start3A_68, %dma_start3A_69] : memref<20000x128xf32, #tpu.memory_space<hbm>> -> memref<20000x128xf32, #tpu.memory_space<hbm>>
      tpu.enqueue_indirect_dma source(%dma_start3A_70 : memref<20000x128xf32, #tpu.memory_space<hbm>>) target(%arg10 : memref<128x128xf32, #tpu.memory_space<vmem>>) offsets(%dma_start3A_67 : memref<128xi32, #tpu.memory_space<vmem>>) semaphore(%arg13 : memref<!tpu.dma_semaphore, #tpu.memory_space<semaphore_mem>>)
      "tpu.region"() ({
        %run_scoped3A = tpu.sem_alloc : memref<!tpu.dma_semaphore, #tpu.memory_space<semaphore_mem>>
        %dma_start3A_82 = arith.constant 0 : i32
        %dma_start3A_83 = tpu.memref_slice %arg8[%mul3A_56, %dma_start3A_82] : memref<40x128xi32, #tpu.memory_space<vmem>> -> memref<1x128xi32, #tpu.memory_space<vmem>>
        %dma_start3A_84 = tpu.memref_squeeze %dma_start3A_83 : memref<1x128xi32, #tpu.memory_space<vmem>> -> memref<128xi32, #tpu.memory_space<vmem>>
        %dma_start3A_85 = arith.constant 0 : i32
        %dma_start3A_86 = arith.constant 0 : i32
        %dma_start3A_87 = tpu.memref_slice %arg11[%dma_start3A_85, %dma_start3A_86] : memref<10240x128xf32, #tpu.memory_space<vmem_shared>> -> memref<10240x128xf32, #tpu.memory_space<vmem_shared>>
        tpu.enqueue_indirect_dma source(%arg9 : memref<128x128xf32, #tpu.memory_space<vmem>>) target(%dma_start3A_87 : memref<10240x128xf32, #tpu.memory_space<vmem_shared>>) offsets(%dma_start3A_84 : memref<128xi32, #tpu.memory_space<vmem>>) semaphore(%run_scoped3A : memref<!tpu.dma_semaphore, #tpu.memory_space<semaphore_mem>>) {add = true}
        %dma_wait3A_88 = arith.constant 0 : i32
        %dma_wait3A_89 = tpu.memref_slice %arg8[%mul3A_56, %dma_wait3A_88] : memref<40x128xi32, #tpu.memory_space<vmem>> -> memref<1x128xi32, #tpu.memory_space<vmem>>
        %dma_wait3A_90 = tpu.memref_squeeze %dma_wait3A_89 : memref<1x128xi32, #tpu.memory_space<vmem>> -> memref<128xi32, #tpu.memory_space<vmem>>
        %dma_wait3A_91 = arith.constant 0 : i32
        %dma_wait3A_92 = arith.constant 0 : i32
        %dma_wait3A_93 = tpu.memref_slice %arg11[%dma_wait3A_91, %dma_wait3A_92] : memref<10240x128xf32, #tpu.memory_space<vmem_shared>> -> memref<10240x128xf32, #tpu.memory_space<vmem_shared>>
        tpu.wait_indirect_dma semaphore(%run_scoped3A : memref<!tpu.dma_semaphore, #tpu.memory_space<semaphore_mem>>) src(%arg9 : memref<128x128xf32, #tpu.memory_space<vmem>>) dst(%dma_wait3A_93 : memref<10240x128xf32, #tpu.memory_space<vmem_shared>>)
        tpu.yield
      }) : () -> ()
      %dma_wait3A_71 = arith.constant 0 : i32
      %dma_wait3A_72 = arith.constant 0 : i32
      %dma_wait3A_73 = tpu.memref_slice %arg7[%dma_wait3A_71, %dma_wait3A_72] : memref<40x128xi32, #tpu.memory_space<vmem>> -> memref<1x128xi32, #tpu.memory_space<vmem>>
      %dma_wait3A_74 = tpu.memref_squeeze %dma_wait3A_73 : memref<1x128xi32, #tpu.memory_space<vmem>> -> memref<128xi32, #tpu.memory_space<vmem>>
      %dma_wait3A_75 = arith.constant 0 : i32
      %dma_wait3A_76 = arith.constant 0 : i32
      %dma_wait3A_77 = tpu.memref_slice %arg2[%dma_wait3A_75, %dma_wait3A_76] : memref<20000x128xf32, #tpu.memory_space<hbm>> -> memref<20000x128xf32, #tpu.memory_space<hbm>>
      tpu.wait_indirect_dma semaphore(%arg13 : memref<!tpu.dma_semaphore, #tpu.memory_space<semaphore_mem>>) src(%dma_wait3A_77 : memref<20000x128xf32, #tpu.memory_space<hbm>>) dst(%arg10 : memref<128x128xf32, #tpu.memory_space<vmem>>)
      %add3A_78 = arith.constant 1 : i32
      %add3A_79 = arith.addi %add3A_58, %add3A_78 : i32
      %lt3A = arith.constant 40 : i32
      %lt3A_80 = arith.cmpi slt, %add3A_79, %lt3A : i32
      %convert_element_type3A = arith.extui %lt3A_80 : i1 to i32
      %cond3A = arith.constant 0 : i32
      %cond3A_81 = arith.cmpi ne, %convert_element_type3A, %cond3A : i32
      scf.if %cond3A_81 {
        %add3A_82 = arith.constant 1 : i32
        %add3A_83 = arith.addi %add3A_58, %add3A_82 : i32
        %dma_start3A_84 = arith.constant 0 : i32
        %dma_start3A_85 = tpu.memref_slice %arg7[%add3A_83, %dma_start3A_84] : memref<40x128xi32, #tpu.memory_space<vmem>> -> memref<1x128xi32, #tpu.memory_space<vmem>>
        %dma_start3A_86 = tpu.memref_squeeze %dma_start3A_85 : memref<1x128xi32, #tpu.memory_space<vmem>> -> memref<128xi32, #tpu.memory_space<vmem>>
        %dma_start3A_87 = arith.constant 0 : i32
        %dma_start3A_88 = arith.constant 0 : i32
        %dma_start3A_89 = tpu.memref_slice %arg2[%dma_start3A_87, %dma_start3A_88] : memref<20000x128xf32, #tpu.memory_space<hbm>> -> memref<20000x128xf32, #tpu.memory_space<hbm>>
        tpu.enqueue_indirect_dma source(%dma_start3A_89 : memref<20000x128xf32, #tpu.memory_space<hbm>>) target(%arg9 : memref<128x128xf32, #tpu.memory_space<vmem>>) offsets(%dma_start3A_86 : memref<128xi32, #tpu.memory_space<vmem>>) semaphore(%arg12 : memref<!tpu.dma_semaphore, #tpu.memory_space<semaphore_mem>>)
      } else {
      }
      "tpu.region"() ({
        %run_scoped3A = tpu.sem_alloc : memref<!tpu.dma_semaphore, #tpu.memory_space<semaphore_mem>>
        %dma_start3A_82 = arith.constant 0 : i32
        %dma_start3A_83 = tpu.memref_slice %arg8[%add3A_58, %dma_start3A_82] : memref<40x128xi32, #tpu.memory_space<vmem>> -> memref<1x128xi32, #tpu.memory_space<vmem>>
        %dma_start3A_84 = tpu.memref_squeeze %dma_start3A_83 : memref<1x128xi32, #tpu.memory_space<vmem>> -> memref<128xi32, #tpu.memory_space<vmem>>
        %dma_start3A_85 = arith.constant 0 : i32
        %dma_start3A_86 = arith.constant 0 : i32
        %dma_start3A_87 = tpu.memref_slice %arg11[%dma_start3A_85, %dma_start3A_86] : memref<10240x128xf32, #tpu.memory_space<vmem_shared>> -> memref<10240x128xf32, #tpu.memory_space<vmem_shared>>
        tpu.enqueue_indirect_dma source(%arg10 : memref<128x128xf32, #tpu.memory_space<vmem>>) target(%dma_start3A_87 : memref<10240x128xf32, #tpu.memory_space<vmem_shared>>) offsets(%dma_start3A_84 : memref<128xi32, #tpu.memory_space<vmem>>) semaphore(%run_scoped3A : memref<!tpu.dma_semaphore, #tpu.memory_space<semaphore_mem>>) {add = true}
        %dma_wait3A_88 = arith.constant 0 : i32
        %dma_wait3A_89 = tpu.memref_slice %arg8[%add3A_58, %dma_wait3A_88] : memref<40x128xi32, #tpu.memory_space<vmem>> -> memref<1x128xi32, #tpu.memory_space<vmem>>
        %dma_wait3A_90 = tpu.memref_squeeze %dma_wait3A_89 : memref<1x128xi32, #tpu.memory_space<vmem>> -> memref<128xi32, #tpu.memory_space<vmem>>
        %dma_wait3A_91 = arith.constant 0 : i32
        %dma_wait3A_92 = arith.constant 0 : i32
        %dma_wait3A_93 = tpu.memref_slice %arg11[%dma_wait3A_91, %dma_wait3A_92] : memref<10240x128xf32, #tpu.memory_space<vmem_shared>> -> memref<10240x128xf32, #tpu.memory_space<vmem_shared>>
        tpu.wait_indirect_dma semaphore(%run_scoped3A : memref<!tpu.dma_semaphore, #tpu.memory_space<semaphore_mem>>) src(%arg10 : memref<128x128xf32, #tpu.memory_space<vmem>>) dst(%dma_wait3A_93 : memref<10240x128xf32, #tpu.memory_space<vmem_shared>>)
        tpu.yield
      }) : () -> ()
    }
    %scan3A_21 = arith.constant 20 : i32
    %mul3A_22 = arith.constant 16 : i32
    %mul3A_23 = arith.muli %arg0, %mul3A_22 : i32
    %add3A_24 = arith.addi %mul3A_23, %arg1 : i32
    %mul3A_25 = arith.constant 2 : i32
    %mul3A_26 = arith.muli %add3A_24, %mul3A_25 : i32
    %add3A_27 = arith.constant 1 : i32
    %add3A_28 = arith.addi %mul3A_26, %add3A_27 : i32
    "tpu.region"() ({
      %run_scoped3A = tpu.sem_alloc : memref<!tpu.dma_semaphore, #tpu.memory_space<semaphore_mem>>
      %dma_start3A_54 = arith.constant 0 : i32
      %dma_start3A_55 = arith.constant 0 : i32
      %dma_start3A_56 = tpu.memref_slice %arg3[%add3A_28, %dma_start3A_54, %dma_start3A_55] : memref<64x40x128xi32, #tpu.memory_space<hbm>> -> memref<1x40x128xi32, #tpu.memory_space<hbm>>
      %dma_start3A_57 = tpu.memref_squeeze %dma_start3A_56 : memref<1x40x128xi32, #tpu.memory_space<hbm>> -> memref<40x128xi32, #tpu.memory_space<hbm>>
      %dma_start3A_58 = arith.constant 0 : i32
      %dma_start3A_59 = arith.constant 0 : i32
      %dma_start3A_60 = tpu.memref_slice %arg3[%add3A_28, %dma_start3A_58, %dma_start3A_59] : memref<64x40x128xi32, #tpu.memory_space<hbm>> -> memref<1x40x128xi32, #tpu.memory_space<hbm>>
      %dma_start3A_61 = tpu.memref_squeeze %dma_start3A_60 : memref<1x40x128xi32, #tpu.memory_space<hbm>> -> memref<40x128xi32, #tpu.memory_space<hbm>>
      tpu.enqueue_dma source(%dma_start3A_61 : memref<40x128xi32, #tpu.memory_space<hbm>>) target(%arg7 : memref<40x128xi32, #tpu.memory_space<vmem>>) target_semaphore(%run_scoped3A : memref<!tpu.dma_semaphore, #tpu.memory_space<semaphore_mem>>)
      %dma_wait3A = arith.constant 0 : i32
      %dma_wait3A_62 = arith.constant 0 : i32
      %dma_wait3A_63 = tpu.memref_slice %arg3[%add3A_28, %dma_wait3A, %dma_wait3A_62] : memref<64x40x128xi32, #tpu.memory_space<hbm>> -> memref<1x40x128xi32, #tpu.memory_space<hbm>>
      %dma_wait3A_64 = tpu.memref_squeeze %dma_wait3A_63 : memref<1x40x128xi32, #tpu.memory_space<hbm>> -> memref<40x128xi32, #tpu.memory_space<hbm>>
      %dma_wait3A_65 = arith.constant 0 : i32
      %dma_wait3A_66 = arith.constant 0 : i32
      %dma_wait3A_67 = tpu.memref_slice %arg3[%add3A_28, %dma_wait3A_65, %dma_wait3A_66] : memref<64x40x128xi32, #tpu.memory_space<hbm>> -> memref<1x40x128xi32, #tpu.memory_space<hbm>>
      %dma_wait3A_68 = tpu.memref_squeeze %dma_wait3A_67 : memref<1x40x128xi32, #tpu.memory_space<hbm>> -> memref<40x128xi32, #tpu.memory_space<hbm>>
      tpu.wait_dma2 semaphore(%run_scoped3A : memref<!tpu.dma_semaphore, #tpu.memory_space<semaphore_mem>>) src(%dma_wait3A_68 : memref<40x128xi32, #tpu.memory_space<hbm>>) dst(%arg7 : memref<40x128xi32, #tpu.memory_space<vmem>>)
      tpu.yield
    }) : () -> ()
    %mul3A_29 = arith.constant 2 : i32
    %mul3A_30 = arith.muli %arg1, %mul3A_29 : i32
    %add3A_31 = arith.constant 1 : i32
    %add3A_32 = arith.addi %mul3A_30, %add3A_31 : i32
    "tpu.region"() ({
      %run_scoped3A = tpu.sem_alloc : memref<!tpu.dma_semaphore, #tpu.memory_space<semaphore_mem>>
      %dma_start3A_54 = arith.constant 0 : i32
      %dma_start3A_55 = arith.constant 0 : i32
      %dma_start3A_56 = tpu.memref_slice %arg4[%add3A_32, %dma_start3A_54, %dma_start3A_55] : memref<32x40x128xi32, #tpu.memory_space<hbm>> -> memref<1x40x128xi32, #tpu.memory_space<hbm>>
      %dma_start3A_57 = tpu.memref_squeeze %dma_start3A_56 : memref<1x40x128xi32, #tpu.memory_space<hbm>> -> memref<40x128xi32, #tpu.memory_space<hbm>>
      %dma_start3A_58 = arith.constant 0 : i32
      %dma_start3A_59 = arith.constant 0 : i32
      %dma_start3A_60 = tpu.memref_slice %arg4[%add3A_32, %dma_start3A_58, %dma_start3A_59] : memref<32x40x128xi32, #tpu.memory_space<hbm>> -> memref<1x40x128xi32, #tpu.memory_space<hbm>>
      %dma_start3A_61 = tpu.memref_squeeze %dma_start3A_60 : memref<1x40x128xi32, #tpu.memory_space<hbm>> -> memref<40x128xi32, #tpu.memory_space<hbm>>
      tpu.enqueue_dma source(%dma_start3A_61 : memref<40x128xi32, #tpu.memory_space<hbm>>) target(%arg8 : memref<40x128xi32, #tpu.memory_space<vmem>>) target_semaphore(%run_scoped3A : memref<!tpu.dma_semaphore, #tpu.memory_space<semaphore_mem>>)
      %dma_wait3A = arith.constant 0 : i32
      %dma_wait3A_62 = arith.constant 0 : i32
      %dma_wait3A_63 = tpu.memref_slice %arg4[%add3A_32, %dma_wait3A, %dma_wait3A_62] : memref<32x40x128xi32, #tpu.memory_space<hbm>> -> memref<1x40x128xi32, #tpu.memory_space<hbm>>
      %dma_wait3A_64 = tpu.memref_squeeze %dma_wait3A_63 : memref<1x40x128xi32, #tpu.memory_space<hbm>> -> memref<40x128xi32, #tpu.memory_space<hbm>>
      %dma_wait3A_65 = arith.constant 0 : i32
      %dma_wait3A_66 = arith.constant 0 : i32
      %dma_wait3A_67 = tpu.memref_slice %arg4[%add3A_32, %dma_wait3A_65, %dma_wait3A_66] : memref<32x40x128xi32, #tpu.memory_space<hbm>> -> memref<1x40x128xi32, #tpu.memory_space<hbm>>
      %dma_wait3A_68 = tpu.memref_squeeze %dma_wait3A_67 : memref<1x40x128xi32, #tpu.memory_space<hbm>> -> memref<40x128xi32, #tpu.memory_space<hbm>>
      tpu.wait_dma2 semaphore(%run_scoped3A : memref<!tpu.dma_semaphore, #tpu.memory_space<semaphore_mem>>) src(%dma_wait3A_68 : memref<40x128xi32, #tpu.memory_space<hbm>>) dst(%arg8 : memref<40x128xi32, #tpu.memory_space<vmem>>)
      tpu.yield
    }) : () -> ()
    %dma_start3A_33 = arith.constant 0 : i32
    %dma_start3A_34 = arith.constant 0 : i32
    %dma_start3A_35 = tpu.memref_slice %arg7[%dma_start3A_33, %dma_start3A_34] : memref<40x128xi32, #tpu.memory_space<vmem>> -> memref<1x128xi32, #tpu.memory_space<vmem>>
    %dma_start3A_36 = tpu.memref_squeeze %dma_start3A_35 : memref<1x128xi32, #tpu.memory_space<vmem>> -> memref<128xi32, #tpu.memory_space<vmem>>
    %dma_start3A_37 = arith.constant 0 : i32
    %dma_start3A_38 = arith.constant 0 : i32
    %dma_start3A_39 = tpu.memref_slice %arg2[%dma_start3A_37, %dma_start3A_38] : memref<20000x128xf32, #tpu.memory_space<hbm>> -> memref<20000x128xf32, #tpu.memory_space<hbm>>
    tpu.enqueue_indirect_dma source(%dma_start3A_39 : memref<20000x128xf32, #tpu.memory_space<hbm>>) target(%arg9 : memref<128x128xf32, #tpu.memory_space<vmem>>) offsets(%dma_start3A_36 : memref<128xi32, #tpu.memory_space<vmem>>) semaphore(%arg12 : memref<!tpu.dma_semaphore, #tpu.memory_space<semaphore_mem>>)
    %scan3A_40 = arith.constant 0 : i32
    %scan3A_41 = arith.constant 0 : i32
    %scan3A_42 = arith.constant 20 : i32
    %scan3A_43 = arith.addi %scan3A_41, %scan3A_42 : i32
    %scan3A_44 = arith.constant 1 : i32
    scf.for %scan3A_54 = %scan3A_41 to %scan3A_43 step %scan3A_44  : i32 {
      %mul3A_55 = arith.constant 2 : i32
      %mul3A_56 = arith.muli %mul3A_55, %scan3A_54 : i32
      %add3A_57 = arith.constant 1 : i32
      %add3A_58 = arith.addi %mul3A_56, %add3A_57 : i32
      %dma_wait3A = arith.constant 0 : i32
      %dma_wait3A_59 = arith.constant 0 : i32
      %dma_wait3A_60 = tpu.memref_slice %arg7[%dma_wait3A, %dma_wait3A_59] : memref<40x128xi32, #tpu.memory_space<vmem>> -> memref<1x128xi32, #tpu.memory_space<vmem>>
      %dma_wait3A_61 = tpu.memref_squeeze %dma_wait3A_60 : memref<1x128xi32, #tpu.memory_space<vmem>> -> memref<128xi32, #tpu.memory_space<vmem>>
      %dma_wait3A_62 = arith.constant 0 : i32
      %dma_wait3A_63 = arith.constant 0 : i32
      %dma_wait3A_64 = tpu.memref_slice %arg2[%dma_wait3A_62, %dma_wait3A_63] : memref<20000x128xf32, #tpu.memory_space<hbm>> -> memref<20000x128xf32, #tpu.memory_space<hbm>>
      tpu.wait_indirect_dma semaphore(%arg12 : memref<!tpu.dma_semaphore, #tpu.memory_space<semaphore_mem>>) src(%dma_wait3A_64 : memref<20000x128xf32, #tpu.memory_space<hbm>>) dst(%arg9 : memref<128x128xf32, #tpu.memory_space<vmem>>)
      %dma_start3A_65 = arith.constant 0 : i32
      %dma_start3A_66 = tpu.memref_slice %arg7[%add3A_58, %dma_start3A_65] : memref<40x128xi32, #tpu.memory_space<vmem>> -> memref<1x128xi32, #tpu.memory_space<vmem>>
      %dma_start3A_67 = tpu.memref_squeeze %dma_start3A_66 : memref<1x128xi32, #tpu.memory_space<vmem>> -> memref<128xi32, #tpu.memory_space<vmem>>
      %dma_start3A_68 = arith.constant 0 : i32
      %dma_start3A_69 = arith.constant 0 : i32
      %dma_start3A_70 = tpu.memref_slice %arg2[%dma_start3A_68, %dma_start3A_69] : memref<20000x128xf32, #tpu.memory_space<hbm>> -> memref<20000x128xf32, #tpu.memory_space<hbm>>
      tpu.enqueue_indirect_dma source(%dma_start3A_70 : memref<20000x128xf32, #tpu.memory_space<hbm>>) target(%arg10 : memref<128x128xf32, #tpu.memory_space<vmem>>) offsets(%dma_start3A_67 : memref<128xi32, #tpu.memory_space<vmem>>) semaphore(%arg13 : memref<!tpu.dma_semaphore, #tpu.memory_space<semaphore_mem>>)
      "tpu.region"() ({
        %run_scoped3A = tpu.sem_alloc : memref<!tpu.dma_semaphore, #tpu.memory_space<semaphore_mem>>
        %dma_start3A_82 = arith.constant 0 : i32
        %dma_start3A_83 = tpu.memref_slice %arg8[%mul3A_56, %dma_start3A_82] : memref<40x128xi32, #tpu.memory_space<vmem>> -> memref<1x128xi32, #tpu.memory_space<vmem>>
        %dma_start3A_84 = tpu.memref_squeeze %dma_start3A_83 : memref<1x128xi32, #tpu.memory_space<vmem>> -> memref<128xi32, #tpu.memory_space<vmem>>
        %dma_start3A_85 = arith.constant 0 : i32
        %dma_start3A_86 = arith.constant 0 : i32
        %dma_start3A_87 = tpu.memref_slice %arg11[%dma_start3A_85, %dma_start3A_86] : memref<10240x128xf32, #tpu.memory_space<vmem_shared>> -> memref<10240x128xf32, #tpu.memory_space<vmem_shared>>
        tpu.enqueue_indirect_dma source(%arg9 : memref<128x128xf32, #tpu.memory_space<vmem>>) target(%dma_start3A_87 : memref<10240x128xf32, #tpu.memory_space<vmem_shared>>) offsets(%dma_start3A_84 : memref<128xi32, #tpu.memory_space<vmem>>) semaphore(%run_scoped3A : memref<!tpu.dma_semaphore, #tpu.memory_space<semaphore_mem>>) {add = true}
        %dma_wait3A_88 = arith.constant 0 : i32
        %dma_wait3A_89 = tpu.memref_slice %arg8[%mul3A_56, %dma_wait3A_88] : memref<40x128xi32, #tpu.memory_space<vmem>> -> memref<1x128xi32, #tpu.memory_space<vmem>>
        %dma_wait3A_90 = tpu.memref_squeeze %dma_wait3A_89 : memref<1x128xi32, #tpu.memory_space<vmem>> -> memref<128xi32, #tpu.memory_space<vmem>>
        %dma_wait3A_91 = arith.constant 0 : i32
        %dma_wait3A_92 = arith.constant 0 : i32
        %dma_wait3A_93 = tpu.memref_slice %arg11[%dma_wait3A_91, %dma_wait3A_92] : memref<10240x128xf32, #tpu.memory_space<vmem_shared>> -> memref<10240x128xf32, #tpu.memory_space<vmem_shared>>
        tpu.wait_indirect_dma semaphore(%run_scoped3A : memref<!tpu.dma_semaphore, #tpu.memory_space<semaphore_mem>>) src(%arg9 : memref<128x128xf32, #tpu.memory_space<vmem>>) dst(%dma_wait3A_93 : memref<10240x128xf32, #tpu.memory_space<vmem_shared>>)
        tpu.yield
      }) : () -> ()
      %dma_wait3A_71 = arith.constant 0 : i32
      %dma_wait3A_72 = arith.constant 0 : i32
      %dma_wait3A_73 = tpu.memref_slice %arg7[%dma_wait3A_71, %dma_wait3A_72] : memref<40x128xi32, #tpu.memory_space<vmem>> -> memref<1x128xi32, #tpu.memory_space<vmem>>
      %dma_wait3A_74 = tpu.memref_squeeze %dma_wait3A_73 : memref<1x128xi32, #tpu.memory_space<vmem>> -> memref<128xi32, #tpu.memory_space<vmem>>
      %dma_wait3A_75 = arith.constant 0 : i32
      %dma_wait3A_76 = arith.constant 0 : i32
      %dma_wait3A_77 = tpu.memref_slice %arg2[%dma_wait3A_75, %dma_wait3A_76] : memref<20000x128xf32, #tpu.memory_space<hbm>> -> memref<20000x128xf32, #tpu.memory_space<hbm>>
      tpu.wait_indirect_dma semaphore(%arg13 : memref<!tpu.dma_semaphore, #tpu.memory_space<semaphore_mem>>) src(%dma_wait3A_77 : memref<20000x128xf32, #tpu.memory_space<hbm>>) dst(%arg10 : memref<128x128xf32, #tpu.memory_space<vmem>>)
      %add3A_78 = arith.constant 1 : i32
      %add3A_79 = arith.addi %add3A_58, %add3A_78 : i32
      %lt3A = arith.constant 40 : i32
      %lt3A_80 = arith.cmpi slt, %add3A_79, %lt3A : i32
      %convert_element_type3A = arith.extui %lt3A_80 : i1 to i32
      %cond3A = arith.constant 0 : i32
      %cond3A_81 = arith.cmpi ne, %convert_element_type3A, %cond3A : i32
      scf.if %cond3A_81 {
        %add3A_82 = arith.constant 1 : i32
        %add3A_83 = arith.addi %add3A_58, %add3A_82 : i32
        %dma_start3A_84 = arith.constant 0 : i32
        %dma_start3A_85 = tpu.memref_slice %arg7[%add3A_83, %dma_start3A_84] : memref<40x128xi32, #tpu.memory_space<vmem>> -> memref<1x128xi32, #tpu.memory_space<vmem>>
        %dma_start3A_86 = tpu.memref_squeeze %dma_start3A_85 : memref<1x128xi32, #tpu.memory_space<vmem>> -> memref<128xi32, #tpu.memory_space<vmem>>
        %dma_start3A_87 = arith.constant 0 : i32
        %dma_start3A_88 = arith.constant 0 : i32
        %dma_start3A_89 = tpu.memref_slice %arg2[%dma_start3A_87, %dma_start3A_88] : memref<20000x128xf32, #tpu.memory_space<hbm>> -> memref<20000x128xf32, #tpu.memory_space<hbm>>
        tpu.enqueue_indirect_dma source(%dma_start3A_89 : memref<20000x128xf32, #tpu.memory_space<hbm>>) target(%arg9 : memref<128x128xf32, #tpu.memory_space<vmem>>) offsets(%dma_start3A_86 : memref<128xi32, #tpu.memory_space<vmem>>) semaphore(%arg12 : memref<!tpu.dma_semaphore, #tpu.memory_space<semaphore_mem>>)
      } else {
      }
      "tpu.region"() ({
        %run_scoped3A = tpu.sem_alloc : memref<!tpu.dma_semaphore, #tpu.memory_space<semaphore_mem>>
        %dma_start3A_82 = arith.constant 0 : i32
        %dma_start3A_83 = tpu.memref_slice %arg8[%add3A_58, %dma_start3A_82] : memref<40x128xi32, #tpu.memory_space<vmem>> -> memref<1x128xi32, #tpu.memory_space<vmem>>
        %dma_start3A_84 = tpu.memref_squeeze %dma_start3A_83 : memref<1x128xi32, #tpu.memory_space<vmem>> -> memref<128xi32, #tpu.memory_space<vmem>>
        %dma_start3A_85 = arith.constant 0 : i32
        %dma_start3A_86 = arith.constant 0 : i32
        %dma_start3A_87 = tpu.memref_slice %arg11[%dma_start3A_85, %dma_start3A_86] : memref<10240x128xf32, #tpu.memory_space<vmem_shared>> -> memref<10240x128xf32, #tpu.memory_space<vmem_shared>>
        tpu.enqueue_indirect_dma source(%arg10 : memref<128x128xf32, #tpu.memory_space<vmem>>) target(%dma_start3A_87 : memref<10240x128xf32, #tpu.memory_space<vmem_shared>>) offsets(%dma_start3A_84 : memref<128xi32, #tpu.memory_space<vmem>>) semaphore(%run_scoped3A : memref<!tpu.dma_semaphore, #tpu.memory_space<semaphore_mem>>) {add = true}
        %dma_wait3A_88 = arith.constant 0 : i32
        %dma_wait3A_89 = tpu.memref_slice %arg8[%add3A_58, %dma_wait3A_88] : memref<40x128xi32, #tpu.memory_space<vmem>> -> memref<1x128xi32, #tpu.memory_space<vmem>>
        %dma_wait3A_90 = tpu.memref_squeeze %dma_wait3A_89 : memref<1x128xi32, #tpu.memory_space<vmem>> -> memref<128xi32, #tpu.memory_space<vmem>>
        %dma_wait3A_91 = arith.constant 0 : i32
        %dma_wait3A_92 = arith.constant 0 : i32
        %dma_wait3A_93 = tpu.memref_slice %arg11[%dma_wait3A_91, %dma_wait3A_92] : memref<10240x128xf32, #tpu.memory_space<vmem_shared>> -> memref<10240x128xf32, #tpu.memory_space<vmem_shared>>
        tpu.wait_indirect_dma semaphore(%run_scoped3A : memref<!tpu.dma_semaphore, #tpu.memory_space<semaphore_mem>>) src(%arg10 : memref<128x128xf32, #tpu.memory_space<vmem>>) dst(%dma_wait3A_93 : memref<10240x128xf32, #tpu.memory_space<vmem_shared>>)
        tpu.yield
      }) : () -> ()
    }
    %scan3A_45 = arith.constant 20 : i32
    %barrier3A_46 = arith.constant 0 : index
    tpu.barrier barrier_id(%barrier3A_46)
    %mul3A_47 = arith.constant 640 : i32
    %mul3A_48 = arith.muli %arg1, %mul3A_47 : i32
    %mul3A_49 = arith.constant 10240 : i32
    %mul3A_50 = arith.muli %arg0, %mul3A_49 : i32
    %mul3A_51 = arith.constant 640 : i32
    %mul3A_52 = arith.muli %arg1, %mul3A_51 : i32
    %add3A_53 = arith.addi %mul3A_50, %mul3A_52 : i32
    "tpu.region"() ({
      %run_scoped3A = tpu.sem_alloc : memref<!tpu.dma_semaphore, #tpu.memory_space<semaphore_mem>>
      %dma_start3A_54 = arith.constant 0 : i32
      %dma_start3A_55 = tpu.memref_slice %arg6[%add3A_53, %dma_start3A_54] : memref<20480x128xf32, #tpu.memory_space<hbm>> -> memref<640x128xf32, #tpu.memory_space<hbm>>
      %dma_start3A_56 = arith.constant 0 : i32
      %dma_start3A_57 = tpu.memref_slice %arg11[%mul3A_48, %dma_start3A_56] : memref<10240x128xf32, #tpu.memory_space<vmem_shared>> -> memref<640x128xf32, #tpu.memory_space<vmem_shared>>
      tpu.enqueue_dma source(%dma_start3A_57 : memref<640x128xf32, #tpu.memory_space<vmem_shared>>) target(%dma_start3A_55 : memref<640x128xf32, #tpu.memory_space<hbm>>) target_semaphore(%run_scoped3A : memref<!tpu.dma_semaphore, #tpu.memory_space<semaphore_mem>>)
      %dma_wait3A = arith.constant 0 : i32
      %dma_wait3A_58 = tpu.memref_slice %arg6[%add3A_53, %dma_wait3A] : memref<20480x128xf32, #tpu.memory_space<hbm>> -> memref<640x128xf32, #tpu.memory_space<hbm>>
      %dma_wait3A_59 = arith.constant 0 : i32
      %dma_wait3A_60 = tpu.memref_slice %arg11[%mul3A_48, %dma_wait3A_59] : memref<10240x128xf32, #tpu.memory_space<vmem_shared>> -> memref<640x128xf32, #tpu.memory_space<vmem_shared>>
      tpu.wait_dma2 semaphore(%run_scoped3A : memref<!tpu.dma_semaphore, #tpu.memory_space<semaphore_mem>>) src(%dma_wait3A_60 : memref<640x128xf32, #tpu.memory_space<vmem_shared>>) dst(%dma_wait3A_58 : memref<640x128xf32, #tpu.memory_space<hbm>>)
      tpu.yield
    }) : () -> ()
    return
  }
}

#map = affine_map<(d0, d1) -> (0, 0, 0)>
#map1 = affine_map<(d0, d1) -> (0, 0)>
module attributes {stable_mosaic.version = 14 : i64} {
  func.func @_sc_deg_body(%arg0: i32, %arg1: i32, %arg2: memref<160x8x128xi32, #tpu.memory_space<hbm>>, %arg3: memref<640x128xf32, #tpu.memory_space<hbm>>, %arg4: memref<128x128xf32, #tpu.memory_space<hbm>>, %arg5: memref<20480x128xf32, #tpu.memory_space<hbm>>, %arg6: memref<8x128xi32, #tpu.memory_space<vmem>>, %arg7: memref<128x128xf32, #tpu.memory_space<vmem>>, %arg8: memref<10240x128xf32, #tpu.memory_space<vmem_shared>>, %arg9: memref<!tpu.dma_semaphore, #tpu.memory_space<semaphore_mem>>) attributes {dimension_semantics = [#tpu.dimension_semantics<core_parallel>, #tpu.dimension_semantics<subcore_parallel>], iteration_bounds = array<i64: 2, 16>, scalar_prefetch = 0 : i64, scratch_operands = 4 : i64, tpu.core_type = #tpu.core_type<sc_vector_subcore>, window_params = [{transform_indices = #map}, {transform_indices = #map1}, {transform_indices = #map1}, {transform_indices = #map1}]} {
    %mul3A = arith.constant 640 : i32
    %mul3A_0 = arith.muli %arg1, %mul3A : i32
    "tpu.region"() ({
      %run_scoped3A = tpu.sem_alloc : memref<!tpu.dma_semaphore, #tpu.memory_space<semaphore_mem>>
      %dma_start3A = arith.constant 0 : i32
      %dma_start3A_102 = tpu.memref_slice %arg8[%mul3A_0, %dma_start3A] : memref<10240x128xf32, #tpu.memory_space<vmem_shared>> -> memref<640x128xf32, #tpu.memory_space<vmem_shared>>
      tpu.enqueue_dma source(%arg3 : memref<640x128xf32, #tpu.memory_space<hbm>>) target(%dma_start3A_102 : memref<640x128xf32, #tpu.memory_space<vmem_shared>>) target_semaphore(%run_scoped3A : memref<!tpu.dma_semaphore, #tpu.memory_space<semaphore_mem>>)
      %dma_wait3A = arith.constant 0 : i32
      %dma_wait3A_103 = tpu.memref_slice %arg8[%mul3A_0, %dma_wait3A] : memref<10240x128xf32, #tpu.memory_space<vmem_shared>> -> memref<640x128xf32, #tpu.memory_space<vmem_shared>>
      tpu.wait_dma2 semaphore(%run_scoped3A : memref<!tpu.dma_semaphore, #tpu.memory_space<semaphore_mem>>) src(%arg3 : memref<640x128xf32, #tpu.memory_space<hbm>>) dst(%dma_wait3A_103 : memref<640x128xf32, #tpu.memory_space<vmem_shared>>)
      tpu.yield
    }) : () -> ()
    "tpu.region"() ({
      %run_scoped3A = tpu.sem_alloc : memref<!tpu.dma_semaphore, #tpu.memory_space<semaphore_mem>>
      tpu.enqueue_dma source(%arg4 : memref<128x128xf32, #tpu.memory_space<hbm>>) target(%arg7 : memref<128x128xf32, #tpu.memory_space<vmem>>) target_semaphore(%run_scoped3A : memref<!tpu.dma_semaphore, #tpu.memory_space<semaphore_mem>>)
      tpu.wait_dma2 semaphore(%run_scoped3A : memref<!tpu.dma_semaphore, #tpu.memory_space<semaphore_mem>>) src(%arg4 : memref<128x128xf32, #tpu.memory_space<hbm>>) dst(%arg7 : memref<128x128xf32, #tpu.memory_space<vmem>>)
      tpu.yield
    }) : () -> ()
    %barrier3A = arith.constant 0 : index
    tpu.barrier barrier_id(%barrier3A)
    %mul3A_1 = arith.constant 16 : i32
    %mul3A_2 = arith.muli %arg0, %mul3A_1 : i32
    %add3A = arith.addi %mul3A_2, %arg1 : i32
    %mul3A_3 = arith.constant 5 : i32
    %mul3A_4 = arith.muli %add3A, %mul3A_3 : i32
    %add3A_5 = arith.constant 0 : i32
    %add3A_6 = arith.addi %mul3A_4, %add3A_5 : i32
    "tpu.region"() ({
      %run_scoped3A = tpu.sem_alloc : memref<!tpu.dma_semaphore, #tpu.memory_space<semaphore_mem>>
      %dma_start3A = arith.constant 0 : i32
      %dma_start3A_102 = arith.constant 0 : i32
      %dma_start3A_103 = tpu.memref_slice %arg2[%add3A_6, %dma_start3A, %dma_start3A_102] : memref<160x8x128xi32, #tpu.memory_space<hbm>> -> memref<1x8x128xi32, #tpu.memory_space<hbm>>
      %dma_start3A_104 = tpu.memref_squeeze %dma_start3A_103 : memref<1x8x128xi32, #tpu.memory_space<hbm>> -> memref<8x128xi32, #tpu.memory_space<hbm>>
      %dma_start3A_105 = arith.constant 0 : i32
      %dma_start3A_106 = arith.constant 0 : i32
      %dma_start3A_107 = tpu.memref_slice %arg2[%add3A_6, %dma_start3A_105, %dma_start3A_106] : memref<160x8x128xi32, #tpu.memory_space<hbm>> -> memref<1x8x128xi32, #tpu.memory_space<hbm>>
      %dma_start3A_108 = tpu.memref_squeeze %dma_start3A_107 : memref<1x8x128xi32, #tpu.memory_space<hbm>> -> memref<8x128xi32, #tpu.memory_space<hbm>>
      tpu.enqueue_dma source(%dma_start3A_108 : memref<8x128xi32, #tpu.memory_space<hbm>>) target(%arg6 : memref<8x128xi32, #tpu.memory_space<vmem>>) target_semaphore(%run_scoped3A : memref<!tpu.dma_semaphore, #tpu.memory_space<semaphore_mem>>)
      %dma_wait3A = arith.constant 0 : i32
      %dma_wait3A_109 = arith.constant 0 : i32
      %dma_wait3A_110 = tpu.memref_slice %arg2[%add3A_6, %dma_wait3A, %dma_wait3A_109] : memref<160x8x128xi32, #tpu.memory_space<hbm>> -> memref<1x8x128xi32, #tpu.memory_space<hbm>>
      %dma_wait3A_111 = tpu.memref_squeeze %dma_wait3A_110 : memref<1x8x128xi32, #tpu.memory_space<hbm>> -> memref<8x128xi32, #tpu.memory_space<hbm>>
      %dma_wait3A_112 = arith.constant 0 : i32
      %dma_wait3A_113 = arith.constant 0 : i32
      %dma_wait3A_114 = tpu.memref_slice %arg2[%add3A_6, %dma_wait3A_112, %dma_wait3A_113] : memref<160x8x128xi32, #tpu.memory_space<hbm>> -> memref<1x8x128xi32, #tpu.memory_space<hbm>>
      %dma_wait3A_115 = tpu.memref_squeeze %dma_wait3A_114 : memref<1x8x128xi32, #tpu.memory_space<hbm>> -> memref<8x128xi32, #tpu.memory_space<hbm>>
      tpu.wait_dma2 semaphore(%run_scoped3A : memref<!tpu.dma_semaphore, #tpu.memory_space<semaphore_mem>>) src(%dma_wait3A_115 : memref<8x128xi32, #tpu.memory_space<hbm>>) dst(%arg6 : memref<8x128xi32, #tpu.memory_space<vmem>>)
      tpu.yield
    }) : () -> ()
    %scan3A = arith.constant 0 : i32
    %scan3A_7 = arith.constant 0 : i32
    %scan3A_8 = arith.constant 8 : i32
    %scan3A_9 = arith.addi %scan3A_7, %scan3A_8 : i32
    %scan3A_10 = arith.constant 1 : i32
    scf.for %scan3A_102 = %scan3A_7 to %scan3A_9 step %scan3A_10  : i32 {
      %dma_start3A = arith.constant 0 : i32
      %dma_start3A_103 = tpu.memref_slice %arg6[%scan3A_102, %dma_start3A] : memref<8x128xi32, #tpu.memory_space<vmem>> -> memref<1x128xi32, #tpu.memory_space<vmem>>
      %dma_start3A_104 = tpu.memref_squeeze %dma_start3A_103 : memref<1x128xi32, #tpu.memory_space<vmem>> -> memref<128xi32, #tpu.memory_space<vmem>>
      %dma_start3A_105 = arith.constant 0 : i32
      %dma_start3A_106 = arith.constant 0 : i32
      %dma_start3A_107 = tpu.memref_slice %arg8[%dma_start3A_105, %dma_start3A_106] : memref<10240x128xf32, #tpu.memory_space<vmem_shared>> -> memref<10240x128xf32, #tpu.memory_space<vmem_shared>>
      tpu.enqueue_indirect_dma source(%arg7 : memref<128x128xf32, #tpu.memory_space<vmem>>) target(%dma_start3A_107 : memref<10240x128xf32, #tpu.memory_space<vmem_shared>>) offsets(%dma_start3A_104 : memref<128xi32, #tpu.memory_space<vmem>>) semaphore(%arg9 : memref<!tpu.dma_semaphore, #tpu.memory_space<semaphore_mem>>) {add = true}
    }
    %scan3A_11 = arith.constant 8 : i32
    %scan3A_12 = arith.constant 0 : i32
    %scan3A_13 = arith.constant 0 : i32
    %scan3A_14 = arith.constant 8 : i32
    %scan3A_15 = arith.addi %scan3A_13, %scan3A_14 : i32
    %scan3A_16 = arith.constant 1 : i32
    scf.for %scan3A_102 = %scan3A_13 to %scan3A_15 step %scan3A_16  : i32 {
      %dma_wait3A = arith.constant 0 : i32
      %dma_wait3A_103 = arith.constant 0 : i32
      %dma_wait3A_104 = tpu.memref_slice %arg6[%dma_wait3A, %dma_wait3A_103] : memref<8x128xi32, #tpu.memory_space<vmem>> -> memref<1x128xi32, #tpu.memory_space<vmem>>
      %dma_wait3A_105 = tpu.memref_squeeze %dma_wait3A_104 : memref<1x128xi32, #tpu.memory_space<vmem>> -> memref<128xi32, #tpu.memory_space<vmem>>
      %dma_wait3A_106 = arith.constant 0 : i32
      %dma_wait3A_107 = arith.constant 0 : i32
      %dma_wait3A_108 = tpu.memref_slice %arg8[%dma_wait3A_106, %dma_wait3A_107] : memref<10240x128xf32, #tpu.memory_space<vmem_shared>> -> memref<10240x128xf32, #tpu.memory_space<vmem_shared>>
      tpu.wait_indirect_dma semaphore(%arg9 : memref<!tpu.dma_semaphore, #tpu.memory_space<semaphore_mem>>) src(%arg7 : memref<128x128xf32, #tpu.memory_space<vmem>>) dst(%dma_wait3A_108 : memref<10240x128xf32, #tpu.memory_space<vmem_shared>>)
    }
    %scan3A_17 = arith.constant 8 : i32
    %mul3A_18 = arith.constant 16 : i32
    %mul3A_19 = arith.muli %arg0, %mul3A_18 : i32
    %add3A_20 = arith.addi %mul3A_19, %arg1 : i32
    %mul3A_21 = arith.constant 5 : i32
    %mul3A_22 = arith.muli %add3A_20, %mul3A_21 : i32
    %add3A_23 = arith.constant 1 : i32
    %add3A_24 = arith.addi %mul3A_22, %add3A_23 : i32
    "tpu.region"() ({
      %run_scoped3A = tpu.sem_alloc : memref<!tpu.dma_semaphore, #tpu.memory_space<semaphore_mem>>
      %dma_start3A = arith.constant 0 : i32
      %dma_start3A_102 = arith.constant 0 : i32
      %dma_start3A_103 = tpu.memref_slice %arg2[%add3A_24, %dma_start3A, %dma_start3A_102] : memref<160x8x128xi32, #tpu.memory_space<hbm>> -> memref<1x8x128xi32, #tpu.memory_space<hbm>>
      %dma_start3A_104 = tpu.memref_squeeze %dma_start3A_103 : memref<1x8x128xi32, #tpu.memory_space<hbm>> -> memref<8x128xi32, #tpu.memory_space<hbm>>
      %dma_start3A_105 = arith.constant 0 : i32
      %dma_start3A_106 = arith.constant 0 : i32
      %dma_start3A_107 = tpu.memref_slice %arg2[%add3A_24, %dma_start3A_105, %dma_start3A_106] : memref<160x8x128xi32, #tpu.memory_space<hbm>> -> memref<1x8x128xi32, #tpu.memory_space<hbm>>
      %dma_start3A_108 = tpu.memref_squeeze %dma_start3A_107 : memref<1x8x128xi32, #tpu.memory_space<hbm>> -> memref<8x128xi32, #tpu.memory_space<hbm>>
      tpu.enqueue_dma source(%dma_start3A_108 : memref<8x128xi32, #tpu.memory_space<hbm>>) target(%arg6 : memref<8x128xi32, #tpu.memory_space<vmem>>) target_semaphore(%run_scoped3A : memref<!tpu.dma_semaphore, #tpu.memory_space<semaphore_mem>>)
      %dma_wait3A = arith.constant 0 : i32
      %dma_wait3A_109 = arith.constant 0 : i32
      %dma_wait3A_110 = tpu.memref_slice %arg2[%add3A_24, %dma_wait3A, %dma_wait3A_109] : memref<160x8x128xi32, #tpu.memory_space<hbm>> -> memref<1x8x128xi32, #tpu.memory_space<hbm>>
      %dma_wait3A_111 = tpu.memref_squeeze %dma_wait3A_110 : memref<1x8x128xi32, #tpu.memory_space<hbm>> -> memref<8x128xi32, #tpu.memory_space<hbm>>
      %dma_wait3A_112 = arith.constant 0 : i32
      %dma_wait3A_113 = arith.constant 0 : i32
      %dma_wait3A_114 = tpu.memref_slice %arg2[%add3A_24, %dma_wait3A_112, %dma_wait3A_113] : memref<160x8x128xi32, #tpu.memory_space<hbm>> -> memref<1x8x128xi32, #tpu.memory_space<hbm>>
      %dma_wait3A_115 = tpu.memref_squeeze %dma_wait3A_114 : memref<1x8x128xi32, #tpu.memory_space<hbm>> -> memref<8x128xi32, #tpu.memory_space<hbm>>
      tpu.wait_dma2 semaphore(%run_scoped3A : memref<!tpu.dma_semaphore, #tpu.memory_space<semaphore_mem>>) src(%dma_wait3A_115 : memref<8x128xi32, #tpu.memory_space<hbm>>) dst(%arg6 : memref<8x128xi32, #tpu.memory_space<vmem>>)
      tpu.yield
    }) : () -> ()
    %scan3A_25 = arith.constant 0 : i32
    %scan3A_26 = arith.constant 0 : i32
    %scan3A_27 = arith.constant 8 : i32
    %scan3A_28 = arith.addi %scan3A_26, %scan3A_27 : i32
    %scan3A_29 = arith.constant 1 : i32
    scf.for %scan3A_102 = %scan3A_26 to %scan3A_28 step %scan3A_29  : i32 {
      %dma_start3A = arith.constant 0 : i32
      %dma_start3A_103 = tpu.memref_slice %arg6[%scan3A_102, %dma_start3A] : memref<8x128xi32, #tpu.memory_space<vmem>> -> memref<1x128xi32, #tpu.memory_space<vmem>>
      %dma_start3A_104 = tpu.memref_squeeze %dma_start3A_103 : memref<1x128xi32, #tpu.memory_space<vmem>> -> memref<128xi32, #tpu.memory_space<vmem>>
      %dma_start3A_105 = arith.constant 0 : i32
      %dma_start3A_106 = arith.constant 0 : i32
      %dma_start3A_107 = tpu.memref_slice %arg8[%dma_start3A_105, %dma_start3A_106] : memref<10240x128xf32, #tpu.memory_space<vmem_shared>> -> memref<10240x128xf32, #tpu.memory_space<vmem_shared>>
      tpu.enqueue_indirect_dma source(%arg7 : memref<128x128xf32, #tpu.memory_space<vmem>>) target(%dma_start3A_107 : memref<10240x128xf32, #tpu.memory_space<vmem_shared>>) offsets(%dma_start3A_104 : memref<128xi32, #tpu.memory_space<vmem>>) semaphore(%arg9 : memref<!tpu.dma_semaphore, #tpu.memory_space<semaphore_mem>>) {add = true}
    }
    %scan3A_30 = arith.constant 8 : i32
    %scan3A_31 = arith.constant 0 : i32
    %scan3A_32 = arith.constant 0 : i32
    %scan3A_33 = arith.constant 8 : i32
    %scan3A_34 = arith.addi %scan3A_32, %scan3A_33 : i32
    %scan3A_35 = arith.constant 1 : i32
    scf.for %scan3A_102 = %scan3A_32 to %scan3A_34 step %scan3A_35  : i32 {
      %dma_wait3A = arith.constant 0 : i32
      %dma_wait3A_103 = arith.constant 0 : i32
      %dma_wait3A_104 = tpu.memref_slice %arg6[%dma_wait3A, %dma_wait3A_103] : memref<8x128xi32, #tpu.memory_space<vmem>> -> memref<1x128xi32, #tpu.memory_space<vmem>>
      %dma_wait3A_105 = tpu.memref_squeeze %dma_wait3A_104 : memref<1x128xi32, #tpu.memory_space<vmem>> -> memref<128xi32, #tpu.memory_space<vmem>>
      %dma_wait3A_106 = arith.constant 0 : i32
      %dma_wait3A_107 = arith.constant 0 : i32
      %dma_wait3A_108 = tpu.memref_slice %arg8[%dma_wait3A_106, %dma_wait3A_107] : memref<10240x128xf32, #tpu.memory_space<vmem_shared>> -> memref<10240x128xf32, #tpu.memory_space<vmem_shared>>
      tpu.wait_indirect_dma semaphore(%arg9 : memref<!tpu.dma_semaphore, #tpu.memory_space<semaphore_mem>>) src(%arg7 : memref<128x128xf32, #tpu.memory_space<vmem>>) dst(%dma_wait3A_108 : memref<10240x128xf32, #tpu.memory_space<vmem_shared>>)
    }
    %scan3A_36 = arith.constant 8 : i32
    %mul3A_37 = arith.constant 16 : i32
    %mul3A_38 = arith.muli %arg0, %mul3A_37 : i32
    %add3A_39 = arith.addi %mul3A_38, %arg1 : i32
    %mul3A_40 = arith.constant 5 : i32
    %mul3A_41 = arith.muli %add3A_39, %mul3A_40 : i32
    %add3A_42 = arith.constant 2 : i32
    %add3A_43 = arith.addi %mul3A_41, %add3A_42 : i32
    "tpu.region"() ({
      %run_scoped3A = tpu.sem_alloc : memref<!tpu.dma_semaphore, #tpu.memory_space<semaphore_mem>>
      %dma_start3A = arith.constant 0 : i32
      %dma_start3A_102 = arith.constant 0 : i32
      %dma_start3A_103 = tpu.memref_slice %arg2[%add3A_43, %dma_start3A, %dma_start3A_102] : memref<160x8x128xi32, #tpu.memory_space<hbm>> -> memref<1x8x128xi32, #tpu.memory_space<hbm>>
      %dma_start3A_104 = tpu.memref_squeeze %dma_start3A_103 : memref<1x8x128xi32, #tpu.memory_space<hbm>> -> memref<8x128xi32, #tpu.memory_space<hbm>>
      %dma_start3A_105 = arith.constant 0 : i32
      %dma_start3A_106 = arith.constant 0 : i32
      %dma_start3A_107 = tpu.memref_slice %arg2[%add3A_43, %dma_start3A_105, %dma_start3A_106] : memref<160x8x128xi32, #tpu.memory_space<hbm>> -> memref<1x8x128xi32, #tpu.memory_space<hbm>>
      %dma_start3A_108 = tpu.memref_squeeze %dma_start3A_107 : memref<1x8x128xi32, #tpu.memory_space<hbm>> -> memref<8x128xi32, #tpu.memory_space<hbm>>
      tpu.enqueue_dma source(%dma_start3A_108 : memref<8x128xi32, #tpu.memory_space<hbm>>) target(%arg6 : memref<8x128xi32, #tpu.memory_space<vmem>>) target_semaphore(%run_scoped3A : memref<!tpu.dma_semaphore, #tpu.memory_space<semaphore_mem>>)
      %dma_wait3A = arith.constant 0 : i32
      %dma_wait3A_109 = arith.constant 0 : i32
      %dma_wait3A_110 = tpu.memref_slice %arg2[%add3A_43, %dma_wait3A, %dma_wait3A_109] : memref<160x8x128xi32, #tpu.memory_space<hbm>> -> memref<1x8x128xi32, #tpu.memory_space<hbm>>
      %dma_wait3A_111 = tpu.memref_squeeze %dma_wait3A_110 : memref<1x8x128xi32, #tpu.memory_space<hbm>> -> memref<8x128xi32, #tpu.memory_space<hbm>>
      %dma_wait3A_112 = arith.constant 0 : i32
      %dma_wait3A_113 = arith.constant 0 : i32
      %dma_wait3A_114 = tpu.memref_slice %arg2[%add3A_43, %dma_wait3A_112, %dma_wait3A_113] : memref<160x8x128xi32, #tpu.memory_space<hbm>> -> memref<1x8x128xi32, #tpu.memory_space<hbm>>
      %dma_wait3A_115 = tpu.memref_squeeze %dma_wait3A_114 : memref<1x8x128xi32, #tpu.memory_space<hbm>> -> memref<8x128xi32, #tpu.memory_space<hbm>>
      tpu.wait_dma2 semaphore(%run_scoped3A : memref<!tpu.dma_semaphore, #tpu.memory_space<semaphore_mem>>) src(%dma_wait3A_115 : memref<8x128xi32, #tpu.memory_space<hbm>>) dst(%arg6 : memref<8x128xi32, #tpu.memory_space<vmem>>)
      tpu.yield
    }) : () -> ()
    %scan3A_44 = arith.constant 0 : i32
    %scan3A_45 = arith.constant 0 : i32
    %scan3A_46 = arith.constant 8 : i32
    %scan3A_47 = arith.addi %scan3A_45, %scan3A_46 : i32
    %scan3A_48 = arith.constant 1 : i32
    scf.for %scan3A_102 = %scan3A_45 to %scan3A_47 step %scan3A_48  : i32 {
      %dma_start3A = arith.constant 0 : i32
      %dma_start3A_103 = tpu.memref_slice %arg6[%scan3A_102, %dma_start3A] : memref<8x128xi32, #tpu.memory_space<vmem>> -> memref<1x128xi32, #tpu.memory_space<vmem>>
      %dma_start3A_104 = tpu.memref_squeeze %dma_start3A_103 : memref<1x128xi32, #tpu.memory_space<vmem>> -> memref<128xi32, #tpu.memory_space<vmem>>
      %dma_start3A_105 = arith.constant 0 : i32
      %dma_start3A_106 = arith.constant 0 : i32
      %dma_start3A_107 = tpu.memref_slice %arg8[%dma_start3A_105, %dma_start3A_106] : memref<10240x128xf32, #tpu.memory_space<vmem_shared>> -> memref<10240x128xf32, #tpu.memory_space<vmem_shared>>
      tpu.enqueue_indirect_dma source(%arg7 : memref<128x128xf32, #tpu.memory_space<vmem>>) target(%dma_start3A_107 : memref<10240x128xf32, #tpu.memory_space<vmem_shared>>) offsets(%dma_start3A_104 : memref<128xi32, #tpu.memory_space<vmem>>) semaphore(%arg9 : memref<!tpu.dma_semaphore, #tpu.memory_space<semaphore_mem>>) {add = true}
    }
    %scan3A_49 = arith.constant 8 : i32
    %scan3A_50 = arith.constant 0 : i32
    %scan3A_51 = arith.constant 0 : i32
    %scan3A_52 = arith.constant 8 : i32
    %scan3A_53 = arith.addi %scan3A_51, %scan3A_52 : i32
    %scan3A_54 = arith.constant 1 : i32
    scf.for %scan3A_102 = %scan3A_51 to %scan3A_53 step %scan3A_54  : i32 {
      %dma_wait3A = arith.constant 0 : i32
      %dma_wait3A_103 = arith.constant 0 : i32
      %dma_wait3A_104 = tpu.memref_slice %arg6[%dma_wait3A, %dma_wait3A_103] : memref<8x128xi32, #tpu.memory_space<vmem>> -> memref<1x128xi32, #tpu.memory_space<vmem>>
      %dma_wait3A_105 = tpu.memref_squeeze %dma_wait3A_104 : memref<1x128xi32, #tpu.memory_space<vmem>> -> memref<128xi32, #tpu.memory_space<vmem>>
      %dma_wait3A_106 = arith.constant 0 : i32
      %dma_wait3A_107 = arith.constant 0 : i32
      %dma_wait3A_108 = tpu.memref_slice %arg8[%dma_wait3A_106, %dma_wait3A_107] : memref<10240x128xf32, #tpu.memory_space<vmem_shared>> -> memref<10240x128xf32, #tpu.memory_space<vmem_shared>>
      tpu.wait_indirect_dma semaphore(%arg9 : memref<!tpu.dma_semaphore, #tpu.memory_space<semaphore_mem>>) src(%arg7 : memref<128x128xf32, #tpu.memory_space<vmem>>) dst(%dma_wait3A_108 : memref<10240x128xf32, #tpu.memory_space<vmem_shared>>)
    }
    %scan3A_55 = arith.constant 8 : i32
    %mul3A_56 = arith.constant 16 : i32
    %mul3A_57 = arith.muli %arg0, %mul3A_56 : i32
    %add3A_58 = arith.addi %mul3A_57, %arg1 : i32
    %mul3A_59 = arith.constant 5 : i32
    %mul3A_60 = arith.muli %add3A_58, %mul3A_59 : i32
    %add3A_61 = arith.constant 3 : i32
    %add3A_62 = arith.addi %mul3A_60, %add3A_61 : i32
    "tpu.region"() ({
      %run_scoped3A = tpu.sem_alloc : memref<!tpu.dma_semaphore, #tpu.memory_space<semaphore_mem>>
      %dma_start3A = arith.constant 0 : i32
      %dma_start3A_102 = arith.constant 0 : i32
      %dma_start3A_103 = tpu.memref_slice %arg2[%add3A_62, %dma_start3A, %dma_start3A_102] : memref<160x8x128xi32, #tpu.memory_space<hbm>> -> memref<1x8x128xi32, #tpu.memory_space<hbm>>
      %dma_start3A_104 = tpu.memref_squeeze %dma_start3A_103 : memref<1x8x128xi32, #tpu.memory_space<hbm>> -> memref<8x128xi32, #tpu.memory_space<hbm>>
      %dma_start3A_105 = arith.constant 0 : i32
      %dma_start3A_106 = arith.constant 0 : i32
      %dma_start3A_107 = tpu.memref_slice %arg2[%add3A_62, %dma_start3A_105, %dma_start3A_106] : memref<160x8x128xi32, #tpu.memory_space<hbm>> -> memref<1x8x128xi32, #tpu.memory_space<hbm>>
      %dma_start3A_108 = tpu.memref_squeeze %dma_start3A_107 : memref<1x8x128xi32, #tpu.memory_space<hbm>> -> memref<8x128xi32, #tpu.memory_space<hbm>>
      tpu.enqueue_dma source(%dma_start3A_108 : memref<8x128xi32, #tpu.memory_space<hbm>>) target(%arg6 : memref<8x128xi32, #tpu.memory_space<vmem>>) target_semaphore(%run_scoped3A : memref<!tpu.dma_semaphore, #tpu.memory_space<semaphore_mem>>)
      %dma_wait3A = arith.constant 0 : i32
      %dma_wait3A_109 = arith.constant 0 : i32
      %dma_wait3A_110 = tpu.memref_slice %arg2[%add3A_62, %dma_wait3A, %dma_wait3A_109] : memref<160x8x128xi32, #tpu.memory_space<hbm>> -> memref<1x8x128xi32, #tpu.memory_space<hbm>>
      %dma_wait3A_111 = tpu.memref_squeeze %dma_wait3A_110 : memref<1x8x128xi32, #tpu.memory_space<hbm>> -> memref<8x128xi32, #tpu.memory_space<hbm>>
      %dma_wait3A_112 = arith.constant 0 : i32
      %dma_wait3A_113 = arith.constant 0 : i32
      %dma_wait3A_114 = tpu.memref_slice %arg2[%add3A_62, %dma_wait3A_112, %dma_wait3A_113] : memref<160x8x128xi32, #tpu.memory_space<hbm>> -> memref<1x8x128xi32, #tpu.memory_space<hbm>>
      %dma_wait3A_115 = tpu.memref_squeeze %dma_wait3A_114 : memref<1x8x128xi32, #tpu.memory_space<hbm>> -> memref<8x128xi32, #tpu.memory_space<hbm>>
      tpu.wait_dma2 semaphore(%run_scoped3A : memref<!tpu.dma_semaphore, #tpu.memory_space<semaphore_mem>>) src(%dma_wait3A_115 : memref<8x128xi32, #tpu.memory_space<hbm>>) dst(%arg6 : memref<8x128xi32, #tpu.memory_space<vmem>>)
      tpu.yield
    }) : () -> ()
    %scan3A_63 = arith.constant 0 : i32
    %scan3A_64 = arith.constant 0 : i32
    %scan3A_65 = arith.constant 8 : i32
    %scan3A_66 = arith.addi %scan3A_64, %scan3A_65 : i32
    %scan3A_67 = arith.constant 1 : i32
    scf.for %scan3A_102 = %scan3A_64 to %scan3A_66 step %scan3A_67  : i32 {
      %dma_start3A = arith.constant 0 : i32
      %dma_start3A_103 = tpu.memref_slice %arg6[%scan3A_102, %dma_start3A] : memref<8x128xi32, #tpu.memory_space<vmem>> -> memref<1x128xi32, #tpu.memory_space<vmem>>
      %dma_start3A_104 = tpu.memref_squeeze %dma_start3A_103 : memref<1x128xi32, #tpu.memory_space<vmem>> -> memref<128xi32, #tpu.memory_space<vmem>>
      %dma_start3A_105 = arith.constant 0 : i32
      %dma_start3A_106 = arith.constant 0 : i32
      %dma_start3A_107 = tpu.memref_slice %arg8[%dma_start3A_105, %dma_start3A_106] : memref<10240x128xf32, #tpu.memory_space<vmem_shared>> -> memref<10240x128xf32, #tpu.memory_space<vmem_shared>>
      tpu.enqueue_indirect_dma source(%arg7 : memref<128x128xf32, #tpu.memory_space<vmem>>) target(%dma_start3A_107 : memref<10240x128xf32, #tpu.memory_space<vmem_shared>>) offsets(%dma_start3A_104 : memref<128xi32, #tpu.memory_space<vmem>>) semaphore(%arg9 : memref<!tpu.dma_semaphore, #tpu.memory_space<semaphore_mem>>) {add = true}
    }
    %scan3A_68 = arith.constant 8 : i32
    %scan3A_69 = arith.constant 0 : i32
    %scan3A_70 = arith.constant 0 : i32
    %scan3A_71 = arith.constant 8 : i32
    %scan3A_72 = arith.addi %scan3A_70, %scan3A_71 : i32
    %scan3A_73 = arith.constant 1 : i32
    scf.for %scan3A_102 = %scan3A_70 to %scan3A_72 step %scan3A_73  : i32 {
      %dma_wait3A = arith.constant 0 : i32
      %dma_wait3A_103 = arith.constant 0 : i32
      %dma_wait3A_104 = tpu.memref_slice %arg6[%dma_wait3A, %dma_wait3A_103] : memref<8x128xi32, #tpu.memory_space<vmem>> -> memref<1x128xi32, #tpu.memory_space<vmem>>
      %dma_wait3A_105 = tpu.memref_squeeze %dma_wait3A_104 : memref<1x128xi32, #tpu.memory_space<vmem>> -> memref<128xi32, #tpu.memory_space<vmem>>
      %dma_wait3A_106 = arith.constant 0 : i32
      %dma_wait3A_107 = arith.constant 0 : i32
      %dma_wait3A_108 = tpu.memref_slice %arg8[%dma_wait3A_106, %dma_wait3A_107] : memref<10240x128xf32, #tpu.memory_space<vmem_shared>> -> memref<10240x128xf32, #tpu.memory_space<vmem_shared>>
      tpu.wait_indirect_dma semaphore(%arg9 : memref<!tpu.dma_semaphore, #tpu.memory_space<semaphore_mem>>) src(%arg7 : memref<128x128xf32, #tpu.memory_space<vmem>>) dst(%dma_wait3A_108 : memref<10240x128xf32, #tpu.memory_space<vmem_shared>>)
    }
    %scan3A_74 = arith.constant 8 : i32
    %mul3A_75 = arith.constant 16 : i32
    %mul3A_76 = arith.muli %arg0, %mul3A_75 : i32
    %add3A_77 = arith.addi %mul3A_76, %arg1 : i32
    %mul3A_78 = arith.constant 5 : i32
    %mul3A_79 = arith.muli %add3A_77, %mul3A_78 : i32
    %add3A_80 = arith.constant 4 : i32
    %add3A_81 = arith.addi %mul3A_79, %add3A_80 : i32
    "tpu.region"() ({
      %run_scoped3A = tpu.sem_alloc : memref<!tpu.dma_semaphore, #tpu.memory_space<semaphore_mem>>
      %dma_start3A = arith.constant 0 : i32
      %dma_start3A_102 = arith.constant 0 : i32
      %dma_start3A_103 = tpu.memref_slice %arg2[%add3A_81, %dma_start3A, %dma_start3A_102] : memref<160x8x128xi32, #tpu.memory_space<hbm>> -> memref<1x8x128xi32, #tpu.memory_space<hbm>>
      %dma_start3A_104 = tpu.memref_squeeze %dma_start3A_103 : memref<1x8x128xi32, #tpu.memory_space<hbm>> -> memref<8x128xi32, #tpu.memory_space<hbm>>
      %dma_start3A_105 = arith.constant 0 : i32
      %dma_start3A_106 = arith.constant 0 : i32
      %dma_start3A_107 = tpu.memref_slice %arg2[%add3A_81, %dma_start3A_105, %dma_start3A_106] : memref<160x8x128xi32, #tpu.memory_space<hbm>> -> memref<1x8x128xi32, #tpu.memory_space<hbm>>
      %dma_start3A_108 = tpu.memref_squeeze %dma_start3A_107 : memref<1x8x128xi32, #tpu.memory_space<hbm>> -> memref<8x128xi32, #tpu.memory_space<hbm>>
      tpu.enqueue_dma source(%dma_start3A_108 : memref<8x128xi32, #tpu.memory_space<hbm>>) target(%arg6 : memref<8x128xi32, #tpu.memory_space<vmem>>) target_semaphore(%run_scoped3A : memref<!tpu.dma_semaphore, #tpu.memory_space<semaphore_mem>>)
      %dma_wait3A = arith.constant 0 : i32
      %dma_wait3A_109 = arith.constant 0 : i32
      %dma_wait3A_110 = tpu.memref_slice %arg2[%add3A_81, %dma_wait3A, %dma_wait3A_109] : memref<160x8x128xi32, #tpu.memory_space<hbm>> -> memref<1x8x128xi32, #tpu.memory_space<hbm>>
      %dma_wait3A_111 = tpu.memref_squeeze %dma_wait3A_110 : memref<1x8x128xi32, #tpu.memory_space<hbm>> -> memref<8x128xi32, #tpu.memory_space<hbm>>
      %dma_wait3A_112 = arith.constant 0 : i32
      %dma_wait3A_113 = arith.constant 0 : i32
      %dma_wait3A_114 = tpu.memref_slice %arg2[%add3A_81, %dma_wait3A_112, %dma_wait3A_113] : memref<160x8x128xi32, #tpu.memory_space<hbm>> -> memref<1x8x128xi32, #tpu.memory_space<hbm>>
      %dma_wait3A_115 = tpu.memref_squeeze %dma_wait3A_114 : memref<1x8x128xi32, #tpu.memory_space<hbm>> -> memref<8x128xi32, #tpu.memory_space<hbm>>
      tpu.wait_dma2 semaphore(%run_scoped3A : memref<!tpu.dma_semaphore, #tpu.memory_space<semaphore_mem>>) src(%dma_wait3A_115 : memref<8x128xi32, #tpu.memory_space<hbm>>) dst(%arg6 : memref<8x128xi32, #tpu.memory_space<vmem>>)
      tpu.yield
    }) : () -> ()
    %scan3A_82 = arith.constant 0 : i32
    %scan3A_83 = arith.constant 0 : i32
    %scan3A_84 = arith.constant 8 : i32
    %scan3A_85 = arith.addi %scan3A_83, %scan3A_84 : i32
    %scan3A_86 = arith.constant 1 : i32
    scf.for %scan3A_102 = %scan3A_83 to %scan3A_85 step %scan3A_86  : i32 {
      %dma_start3A = arith.constant 0 : i32
      %dma_start3A_103 = tpu.memref_slice %arg6[%scan3A_102, %dma_start3A] : memref<8x128xi32, #tpu.memory_space<vmem>> -> memref<1x128xi32, #tpu.memory_space<vmem>>
      %dma_start3A_104 = tpu.memref_squeeze %dma_start3A_103 : memref<1x128xi32, #tpu.memory_space<vmem>> -> memref<128xi32, #tpu.memory_space<vmem>>
      %dma_start3A_105 = arith.constant 0 : i32
      %dma_start3A_106 = arith.constant 0 : i32
      %dma_start3A_107 = tpu.memref_slice %arg8[%dma_start3A_105, %dma_start3A_106] : memref<10240x128xf32, #tpu.memory_space<vmem_shared>> -> memref<10240x128xf32, #tpu.memory_space<vmem_shared>>
      tpu.enqueue_indirect_dma source(%arg7 : memref<128x128xf32, #tpu.memory_space<vmem>>) target(%dma_start3A_107 : memref<10240x128xf32, #tpu.memory_space<vmem_shared>>) offsets(%dma_start3A_104 : memref<128xi32, #tpu.memory_space<vmem>>) semaphore(%arg9 : memref<!tpu.dma_semaphore, #tpu.memory_space<semaphore_mem>>) {add = true}
    }
    %scan3A_87 = arith.constant 8 : i32
    %scan3A_88 = arith.constant 0 : i32
    %scan3A_89 = arith.constant 0 : i32
    %scan3A_90 = arith.constant 8 : i32
    %scan3A_91 = arith.addi %scan3A_89, %scan3A_90 : i32
    %scan3A_92 = arith.constant 1 : i32
    scf.for %scan3A_102 = %scan3A_89 to %scan3A_91 step %scan3A_92  : i32 {
      %dma_wait3A = arith.constant 0 : i32
      %dma_wait3A_103 = arith.constant 0 : i32
      %dma_wait3A_104 = tpu.memref_slice %arg6[%dma_wait3A, %dma_wait3A_103] : memref<8x128xi32, #tpu.memory_space<vmem>> -> memref<1x128xi32, #tpu.memory_space<vmem>>
      %dma_wait3A_105 = tpu.memref_squeeze %dma_wait3A_104 : memref<1x128xi32, #tpu.memory_space<vmem>> -> memref<128xi32, #tpu.memory_space<vmem>>
      %dma_wait3A_106 = arith.constant 0 : i32
      %dma_wait3A_107 = arith.constant 0 : i32
      %dma_wait3A_108 = tpu.memref_slice %arg8[%dma_wait3A_106, %dma_wait3A_107] : memref<10240x128xf32, #tpu.memory_space<vmem_shared>> -> memref<10240x128xf32, #tpu.memory_space<vmem_shared>>
      tpu.wait_indirect_dma semaphore(%arg9 : memref<!tpu.dma_semaphore, #tpu.memory_space<semaphore_mem>>) src(%arg7 : memref<128x128xf32, #tpu.memory_space<vmem>>) dst(%dma_wait3A_108 : memref<10240x128xf32, #tpu.memory_space<vmem_shared>>)
    }
    %scan3A_93 = arith.constant 8 : i32
    %barrier3A_94 = arith.constant 0 : index
    tpu.barrier barrier_id(%barrier3A_94)
    %mul3A_95 = arith.constant 640 : i32
    %mul3A_96 = arith.muli %arg1, %mul3A_95 : i32
    %mul3A_97 = arith.constant 10240 : i32
    %mul3A_98 = arith.muli %arg0, %mul3A_97 : i32
    %mul3A_99 = arith.constant 640 : i32
    %mul3A_100 = arith.muli %arg1, %mul3A_99 : i32
    %add3A_101 = arith.addi %mul3A_98, %mul3A_100 : i32
    "tpu.region"() ({
      %run_scoped3A = tpu.sem_alloc : memref<!tpu.dma_semaphore, #tpu.memory_space<semaphore_mem>>
      %dma_start3A = arith.constant 0 : i32
      %dma_start3A_102 = tpu.memref_slice %arg5[%add3A_101, %dma_start3A] : memref<20480x128xf32, #tpu.memory_space<hbm>> -> memref<640x128xf32, #tpu.memory_space<hbm>>
      %dma_start3A_103 = arith.constant 0 : i32
      %dma_start3A_104 = tpu.memref_slice %arg8[%mul3A_96, %dma_start3A_103] : memref<10240x128xf32, #tpu.memory_space<vmem_shared>> -> memref<640x128xf32, #tpu.memory_space<vmem_shared>>
      tpu.enqueue_dma source(%dma_start3A_104 : memref<640x128xf32, #tpu.memory_space<vmem_shared>>) target(%dma_start3A_102 : memref<640x128xf32, #tpu.memory_space<hbm>>) target_semaphore(%run_scoped3A : memref<!tpu.dma_semaphore, #tpu.memory_space<semaphore_mem>>)
      %dma_wait3A = arith.constant 0 : i32
      %dma_wait3A_105 = tpu.memref_slice %arg5[%add3A_101, %dma_wait3A] : memref<20480x128xf32, #tpu.memory_space<hbm>> -> memref<640x128xf32, #tpu.memory_space<hbm>>
      %dma_wait3A_106 = arith.constant 0 : i32
      %dma_wait3A_107 = tpu.memref_slice %arg8[%mul3A_96, %dma_wait3A_106] : memref<10240x128xf32, #tpu.memory_space<vmem_shared>> -> memref<640x128xf32, #tpu.memory_space<vmem_shared>>
      tpu.wait_dma2 semaphore(%run_scoped3A : memref<!tpu.dma_semaphore, #tpu.memory_space<semaphore_mem>>) src(%dma_wait3A_107 : memref<640x128xf32, #tpu.memory_space<vmem_shared>>) dst(%dma_wait3A_105 : memref<640x128xf32, #tpu.memory_space<hbm>>)
      tpu.yield
    }) : () -> ()
    return
  }
}

module attributes {stable_mosaic.version = 14 : i64} {
  func.func @_init_mm_body(%arg0: i32, %arg1: i32, %arg2: memref<1000x20xf32, #tpu.memory_space<vmem>>, %arg3: memref<20x128xf32, #tpu.memory_space<vmem>>, %arg4: memref<1x1x128xf32, #tpu.memory_space<vmem>>, %arg5: memref<1x1000x128xf32, #tpu.memory_space<vmem>>) attributes {dimension_semantics = [#tpu.dimension_semantics<arbitrary>, #tpu.dimension_semantics<arbitrary>], iteration_bounds = array<i64: 2, 10>, scalar_prefetch = 0 : i64, scratch_operands = 0 : i64, tpu.core_type = #tpu.core_type<tc>, window_params = [{transform_indices = @transform_0, window_bounds = array<i64: 1000, 20>}, {transform_indices = @transform_1, window_bounds = array<i64: 20, 128>}, {transform_indices = @transform_2, window_bounds = array<i64: 1, 1, 128>}, {transform_indices = @transform_3, window_bounds = array<i64: 1, 1000, 128>}]} {
    %get3A = arith.constant 0 : index
    %get3A_0 = arith.constant 0 : index
    %get3A_1 = vector.load %arg2[%get3A, %get3A_0] : memref<1000x20xf32, #tpu.memory_space<vmem>>, vector<1000x20xf32>
    %get3A_2 = arith.constant 0 : index
    %get3A_3 = arith.constant 0 : index
    %get3A_4 = vector.load %arg3[%get3A_2, %get3A_3] : memref<20x128xf32, #tpu.memory_space<vmem>>, vector<20x128xf32>
    %dot_general3A = arith.constant dense<0.000000e+00> : vector<1000x128xf32>
    %dot_general3A_5 = tpu.matmul %get3A_1, %get3A_4, %dot_general3A {dimension_numbers = #tpu.dot_dimension_numbers<[1], [0], [0], [1], [0, 0, 1, 1], [], []>, transpose_lhs_hint = false} : vector<1000x20xf32>, vector<20x128xf32>, vector<1000x128xf32> -> vector<1000x128xf32>
    %get3A_6 = arith.constant 0 : index
    %get3A_7 = arith.constant 0 : index
    %get3A_8 = arith.constant 0 : index
    %get3A_9 = vector.load %arg4[%get3A_6, %get3A_7, %get3A_8] : memref<1x1x128xf32, #tpu.memory_space<vmem>>, vector<1x1x128xf32>
    %get3A_10 = vector.shape_cast %get3A_9 : vector<1x1x128xf32> to vector<1x128xf32>
    %add3A = vector.broadcast %get3A_10 : vector<1x128xf32> to vector<1000x128xf32>
    %add3A_11 = arith.addf %dot_general3A_5, %add3A : vector<1000x128xf32>
    %swap3A = arith.constant 0 : index
    %swap3A_12 = arith.constant 0 : index
    %swap3A_13 = arith.constant 0 : index
    %swap3A_14 = vector.load %arg5[%swap3A, %swap3A_12, %swap3A_13] : memref<1x1000x128xf32, #tpu.memory_space<vmem>>, vector<1x1000x128xf32>
    %swap3A_15 = vector.shape_cast %swap3A_14 : vector<1x1000x128xf32> to vector<1000x128xf32>
    %swap3A_16 = vector.shape_cast %add3A_11 : vector<1000x128xf32> to vector<1x1000x128xf32>
    tpu.vector_store %arg5[%swap3A, %swap3A_12, %swap3A_13], %swap3A_16 {strides = array<i32>} : memref<1x1000x128xf32, #tpu.memory_space<vmem>>, vector<1x1000x128xf32>,
    return
  }
  func.func @transform_0(%arg0: i32, %arg1: i32) -> (i32, i32) {
    %c0_i32 = arith.constant 0 : i32
    %c0_i32_0 = arith.constant 0 : i32
    return %arg1, %c0_i32 : i32, i32
  }
  func.func @transform_1(%arg0: i32, %arg1: i32) -> (i32, i32) {
    %c0_i32 = arith.constant 0 : i32
    %c0_i32_0 = arith.constant 0 : i32
    return %c0_i32, %arg0 : i32, i32
  }
  func.func @transform_2(%arg0: i32, %arg1: i32) -> (i32, i32, i32) {
    %c0_i32 = arith.constant 0 : i32
    %c0_i32_0 = arith.constant 0 : i32
    %c0_i32_1 = arith.constant 0 : i32
    return %arg0, %c0_i32, %c0_i32_0 : i32, i32, i32
  }
  func.func @transform_3(%arg0: i32, %arg1: i32) -> (i32, i32, i32) {
    %c0_i32 = arith.constant 0 : i32
    %c0_i32_0 = arith.constant 0 : i32
    return %arg0, %arg1, %c0_i32 : i32, i32, i32
  }
}

module attributes {stable_mosaic.version = 14 : i64} {
  func.func @_stats_body(%arg0: i32, %arg1: memref<2x1000x128xf32, #tpu.memory_space<vmem>>, %arg2: memref<2x1000x128xf32, #tpu.memory_space<vmem>>, %arg3: memref<2x1000x128xf32, #tpu.memory_space<vmem>>, %arg4: memref<2x1000x128xf32, #tpu.memory_space<vmem>>, %arg5: memref<2x128xf32, #tpu.memory_space<vmem>>, %arg6: memref<2x128xf32, #tpu.memory_space<vmem>>) attributes {dimension_semantics = [#tpu.dimension_semantics<arbitrary>], iteration_bounds = array<i64: 10>, scalar_prefetch = 0 : i64, scratch_operands = 0 : i64, tpu.core_type = #tpu.core_type<tc>, window_params = [{transform_indices = @transform_0, window_bounds = array<i64: 2, 1000, 128>}, {transform_indices = @transform_1, window_bounds = array<i64: 2, 1000, 128>}, {transform_indices = @transform_2, window_bounds = array<i64: 2, 1000, 128>}, {transform_indices = @transform_3, window_bounds = array<i64: 2, 1000, 128>}, {pipeline_mode = #tpu.pipeline_mode<synchronous>, transform_indices = @transform_4, window_bounds = array<i64: 2, 128>}, {pipeline_mode = #tpu.pipeline_mode<synchronous>, transform_indices = @transform_5, window_bounds = array<i64: 2, 128>}]} {
    %get3A = arith.constant 0 : index
    %get3A_0 = arith.constant 0 : index
    %get3A_1 = arith.constant 0 : index
    %get3A_2 = vector.load %arg3[%get3A, %get3A_0, %get3A_1] : memref<2x1000x128xf32, #tpu.memory_space<vmem>>, vector<1x1000x1xf32>
    %get3A_3 = vector.shape_cast %get3A_2 : vector<1x1000x1xf32> to vector<1000x1xf32>
    %get3A_4 = arith.constant 1 : index
    %get3A_5 = arith.constant 0 : index
    %get3A_6 = arith.constant 0 : index
    %get3A_7 = vector.load %arg3[%get3A_4, %get3A_5, %get3A_6] : memref<2x1000x128xf32, #tpu.memory_space<vmem>>, vector<1x1000x1xf32>
    %get3A_8 = vector.shape_cast %get3A_7 : vector<1x1000x1xf32> to vector<1000x1xf32>
    %add3A = arith.addf %get3A_3, %get3A_8 : vector<1000x1xf32>
    %max3A = arith.constant 1.000000e+00 : f32
    %max3A_9 = vector.broadcast %max3A : f32 to vector<1000x1xf32>
    %max3A_10 = arith.maximumf %add3A, %max3A_9 : vector<1000x1xf32>
    %get3A_11 = arith.constant 0 : index
    %get3A_12 = arith.constant 0 : index
    %get3A_13 = arith.constant 0 : index
    %get3A_14 = vector.load %arg1[%get3A_11, %get3A_12, %get3A_13] : memref<2x1000x128xf32, #tpu.memory_space<vmem>>, vector<2x1000x128xf32>
    %get3A_15 = arith.constant 0 : index
    %get3A_16 = arith.constant 0 : index
    %get3A_17 = arith.constant 0 : index
    %get3A_18 = vector.load %arg2[%get3A_15, %get3A_16, %get3A_17] : memref<2x1000x128xf32, #tpu.memory_space<vmem>>, vector<2x1000x128xf32>
    %broadcast_in_dim3A = vector.shape_cast %max3A_10 : vector<1000x1xf32> to vector<1x1000x1xf32>
    %div3A = vector.broadcast %broadcast_in_dim3A : vector<1x1000x1xf32> to vector<2x1000x128xf32>
    %div3A_19 = arith.divf %get3A_18, %div3A : vector<2x1000x128xf32>
    %add3A_20 = arith.addf %get3A_14, %div3A_19 : vector<2x1000x128xf32>
    %swap3A = arith.constant 0 : index
    %swap3A_21 = arith.constant 0 : index
    %swap3A_22 = arith.constant 0 : index
    %swap3A_23 = vector.load %arg4[%swap3A, %swap3A_21, %swap3A_22] : memref<2x1000x128xf32, #tpu.memory_space<vmem>>, vector<2x1000x128xf32>
    tpu.vector_store %arg4[%swap3A, %swap3A_21, %swap3A_22], %add3A_20 {strides = array<i32>} : memref<2x1000x128xf32, #tpu.memory_space<vmem>>, vector<2x1000x128xf32>,
    %reduce_sum3A = arith.constant dense<0.000000e+00> : vector<2x128xf32>
    %reduce_sum3A_24 = vector.multi_reduction <add>, %add3A_20, %reduce_sum3A [1] : vector<2x1000x128xf32> to vector<2x128xf32>
    %mul3A = arith.mulf %add3A_20, %add3A_20 : vector<2x1000x128xf32>
    %reduce_sum3A_25 = arith.constant dense<0.000000e+00> : vector<2x128xf32>
    %reduce_sum3A_26 = vector.multi_reduction <add>, %mul3A, %reduce_sum3A_25 [1] : vector<2x1000x128xf32> to vector<2x128xf32>
    %eq3A = arith.constant 0 : i32
    %eq3A_27 = arith.cmpi eq, %arg0, %eq3A : i32
    %convert_element_type3A = arith.extui %eq3A_27 : i1 to i32
    %cond3A = arith.constant 0 : i32
    %cond3A_28 = arith.cmpi ne, %convert_element_type3A, %cond3A : i32
    scf.if %cond3A_28 {
      %swap3A_33 = arith.constant 0 : index
      %swap3A_34 = arith.constant 0 : index
      %swap3A_35 = vector.load %arg5[%swap3A_33, %swap3A_34] : memref<2x128xf32, #tpu.memory_space<vmem>>, vector<2x128xf32>
      tpu.vector_store %arg5[%swap3A_33, %swap3A_34], %reduce_sum3A_24 {strides = array<i32>} : memref<2x128xf32, #tpu.memory_space<vmem>>, vector<2x128xf32>,
      %swap3A_36 = arith.constant 0 : index
      %swap3A_37 = arith.constant 0 : index
      %swap3A_38 = vector.load %arg6[%swap3A_36, %swap3A_37] : memref<2x128xf32, #tpu.memory_space<vmem>>, vector<2x128xf32>
      tpu.vector_store %arg6[%swap3A_36, %swap3A_37], %reduce_sum3A_26 {strides = array<i32>} : memref<2x128xf32, #tpu.memory_space<vmem>>, vector<2x128xf32>,
    } else {
    }
    %gt3A = arith.constant 0 : i32
    %gt3A_29 = arith.cmpi sgt, %arg0, %gt3A : i32
    %convert_element_type3A_30 = arith.extui %gt3A_29 : i1 to i32
    %cond3A_31 = arith.constant 0 : i32
    %cond3A_32 = arith.cmpi ne, %convert_element_type3A_30, %cond3A_31 : i32
    scf.if %cond3A_32 {
      %get3A_33 = arith.constant 0 : index
      %get3A_34 = arith.constant 0 : index
      %get3A_35 = vector.load %arg5[%get3A_33, %get3A_34] : memref<2x128xf32, #tpu.memory_space<vmem>>, vector<2x128xf32>
      %add3A_36 = arith.addf %get3A_35, %reduce_sum3A_24 : vector<2x128xf32>
      %swap3A_37 = arith.constant 0 : index
      %swap3A_38 = arith.constant 0 : index
      %swap3A_39 = vector.load %arg5[%swap3A_37, %swap3A_38] : memref<2x128xf32, #tpu.memory_space<vmem>>, vector<2x128xf32>
      tpu.vector_store %arg5[%swap3A_37, %swap3A_38], %add3A_36 {strides = array<i32>} : memref<2x128xf32, #tpu.memory_space<vmem>>, vector<2x128xf32>,
      %get3A_40 = arith.constant 0 : index
      %get3A_41 = arith.constant 0 : index
      %get3A_42 = vector.load %arg6[%get3A_40, %get3A_41] : memref<2x128xf32, #tpu.memory_space<vmem>>, vector<2x128xf32>
      %add3A_43 = arith.addf %get3A_42, %reduce_sum3A_26 : vector<2x128xf32>
      %swap3A_44 = arith.constant 0 : index
      %swap3A_45 = arith.constant 0 : index
      %swap3A_46 = vector.load %arg6[%swap3A_44, %swap3A_45] : memref<2x128xf32, #tpu.memory_space<vmem>>, vector<2x128xf32>
      tpu.vector_store %arg6[%swap3A_44, %swap3A_45], %add3A_43 {strides = array<i32>} : memref<2x128xf32, #tpu.memory_space<vmem>>, vector<2x128xf32>,
    } else {
    }
    return
  }
  func.func @transform_0(%arg0: i32) -> (i32, i32, i32) {
    %c0_i32 = arith.constant 0 : i32
    %c0_i32_0 = arith.constant 0 : i32
    %c0_i32_1 = arith.constant 0 : i32
    return %c0_i32, %arg0, %c0_i32_0 : i32, i32, i32
  }
  func.func @transform_1(%arg0: i32) -> (i32, i32, i32) {
    %c0_i32 = arith.constant 0 : i32
    %c0_i32_0 = arith.constant 0 : i32
    %c0_i32_1 = arith.constant 0 : i32
    return %c0_i32, %arg0, %c0_i32_0 : i32, i32, i32
  }
  func.func @transform_2(%arg0: i32) -> (i32, i32, i32) {
    %c0_i32 = arith.constant 0 : i32
    %c0_i32_0 = arith.constant 0 : i32
    %c0_i32_1 = arith.constant 0 : i32
    return %c0_i32, %arg0, %c0_i32_0 : i32, i32, i32
  }
  func.func @transform_3(%arg0: i32) -> (i32, i32, i32) {
    %c0_i32 = arith.constant 0 : i32
    %c0_i32_0 = arith.constant 0 : i32
    %c0_i32_1 = arith.constant 0 : i32
    return %c0_i32, %arg0, %c0_i32_0 : i32, i32, i32
  }
  func.func @transform_4(%arg0: i32) -> (i32, i32) {
    %c0_i32 = arith.constant 0 : i32
    %c0_i32_0 = arith.constant 0 : i32
    %c0_i32_1 = arith.constant 0 : i32
    return %c0_i32, %c0_i32_0 : i32, i32
  }
  func.func @transform_5(%arg0: i32) -> (i32, i32) {
    %c0_i32 = arith.constant 0 : i32
    %c0_i32_0 = arith.constant 0 : i32
    %c0_i32_1 = arith.constant 0 : i32
    return %c0_i32, %c0_i32_0 : i32, i32
  }
}

module attributes {stable_mosaic.version = 14 : i64} {
  func.func @_apply_body(%arg0: i32, %arg1: memref<2x1000x128xf32, #tpu.memory_space<vmem>>, %arg2: memref<2x128xf32, #tpu.memory_space<vmem>>, %arg3: memref<2x128xf32, #tpu.memory_space<vmem>>, %arg4: memref<2x128xf32, #tpu.memory_space<vmem>>, %arg5: memref<2x128xf32, #tpu.memory_space<vmem>>, %arg6: memref<2x1000x128xf32, #tpu.memory_space<vmem>>) attributes {dimension_semantics = [#tpu.dimension_semantics<arbitrary>], iteration_bounds = array<i64: 10>, scalar_prefetch = 0 : i64, scratch_operands = 0 : i64, tpu.core_type = #tpu.core_type<tc>, window_params = [{transform_indices = @transform_0, window_bounds = array<i64: 2, 1000, 128>}, {pipeline_mode = #tpu.pipeline_mode<synchronous>, transform_indices = @transform_1, window_bounds = array<i64: 2, 128>}, {pipeline_mode = #tpu.pipeline_mode<synchronous>, transform_indices = @transform_2, window_bounds = array<i64: 2, 128>}, {pipeline_mode = #tpu.pipeline_mode<synchronous>, transform_indices = @transform_3, window_bounds = array<i64: 2, 128>}, {pipeline_mode = #tpu.pipeline_mode<synchronous>, transform_indices = @transform_4, window_bounds = array<i64: 2, 128>}, {transform_indices = @transform_5, window_bounds = array<i64: 2, 1000, 128>}]} {
    %get3A = arith.constant 0 : index
    %get3A_0 = arith.constant 0 : index
    %get3A_1 = vector.load %arg2[%get3A, %get3A_0] : memref<2x128xf32, #tpu.memory_space<vmem>>, vector<2x128xf32>
    %div3A = arith.constant 1.000000e+04 : f32
    %div3A_2 = vector.broadcast %div3A : f32 to vector<2x128xf32>
    %div3A_3 = arith.divf %get3A_1, %div3A_2 : vector<2x128xf32>
    %get3A_4 = arith.constant 0 : index
    %get3A_5 = arith.constant 0 : index
    %get3A_6 = vector.load %arg3[%get3A_4, %get3A_5] : memref<2x128xf32, #tpu.memory_space<vmem>>, vector<2x128xf32>
    %div3A_7 = arith.constant 1.000000e+04 : f32
    %div3A_8 = vector.broadcast %div3A_7 : f32 to vector<2x128xf32>
    %div3A_9 = arith.divf %get3A_6, %div3A_8 : vector<2x128xf32>
    %mul3A = arith.mulf %div3A_3, %div3A_3 : vector<2x128xf32>
    %sub3A = arith.subf %div3A_9, %mul3A : vector<2x128xf32>
    %add3A = arith.constant 9.99999974E-6 : f32
    %add3A_10 = vector.broadcast %add3A : f32 to vector<2x128xf32>
    %add3A_11 = arith.addf %sub3A, %add3A_10 : vector<2x128xf32>
    %rsqrt3A = math.rsqrt %add3A_11 : vector<2x128xf32>
    %get3A_12 = arith.constant 0 : index
    %get3A_13 = arith.constant 0 : index
    %get3A_14 = vector.load %arg4[%get3A_12, %get3A_13] : memref<2x128xf32, #tpu.memory_space<vmem>>, vector<2x128xf32>
    %mul3A_15 = arith.mulf %rsqrt3A, %get3A_14 : vector<2x128xf32>
    %get3A_16 = arith.constant 0 : index
    %get3A_17 = arith.constant 0 : index
    %get3A_18 = arith.constant 0 : index
    %get3A_19 = vector.load %arg1[%get3A_16, %get3A_17, %get3A_18] : memref<2x1000x128xf32, #tpu.memory_space<vmem>>, vector<2x1000x128xf32>
    %broadcast_in_dim3A = vector.shape_cast %div3A_3 : vector<2x128xf32> to vector<2x1x128xf32>
    %sub3A_20 = vector.broadcast %broadcast_in_dim3A : vector<2x1x128xf32> to vector<2x1000x128xf32>
    %sub3A_21 = arith.subf %get3A_19, %sub3A_20 : vector<2x1000x128xf32>
    %broadcast_in_dim3A_22 = vector.shape_cast %mul3A_15 : vector<2x128xf32> to vector<2x1x128xf32>
    %mul3A_23 = vector.broadcast %broadcast_in_dim3A_22 : vector<2x1x128xf32> to vector<2x1000x128xf32>
    %mul3A_24 = arith.mulf %sub3A_21, %mul3A_23 : vector<2x1000x128xf32>
    %get3A_25 = arith.constant 0 : index
    %get3A_26 = arith.constant 0 : index
    %get3A_27 = vector.load %arg5[%get3A_25, %get3A_26] : memref<2x128xf32, #tpu.memory_space<vmem>>, vector<2x128xf32>
    %broadcast_in_dim3A_28 = vector.shape_cast %get3A_27 : vector<2x128xf32> to vector<2x1x128xf32>
    %add3A_29 = vector.broadcast %broadcast_in_dim3A_28 : vector<2x1x128xf32> to vector<2x1000x128xf32>
    %add3A_30 = arith.addf %mul3A_24, %add3A_29 : vector<2x1000x128xf32>
    %max3A = arith.constant 0.000000e+00 : f32
    %max3A_31 = vector.broadcast %max3A : f32 to vector<2x1000x128xf32>
    %max3A_32 = arith.maximumf %add3A_30, %max3A_31 : vector<2x1000x128xf32>
    %swap3A = arith.constant 0 : index
    %swap3A_33 = arith.constant 0 : index
    %swap3A_34 = arith.constant 0 : index
    %swap3A_35 = vector.load %arg6[%swap3A, %swap3A_33, %swap3A_34] : memref<2x1000x128xf32, #tpu.memory_space<vmem>>, vector<2x1000x128xf32>
    tpu.vector_store %arg6[%swap3A, %swap3A_33, %swap3A_34], %max3A_32 {strides = array<i32>} : memref<2x1000x128xf32, #tpu.memory_space<vmem>>, vector<2x1000x128xf32>,
    return
  }
  func.func @transform_0(%arg0: i32) -> (i32, i32, i32) {
    %c0_i32 = arith.constant 0 : i32
    %c0_i32_0 = arith.constant 0 : i32
    %c0_i32_1 = arith.constant 0 : i32
    return %c0_i32, %arg0, %c0_i32_0 : i32, i32, i32
  }
  func.func @transform_1(%arg0: i32) -> (i32, i32) {
    %c0_i32 = arith.constant 0 : i32
    %c0_i32_0 = arith.constant 0 : i32
    %c0_i32_1 = arith.constant 0 : i32
    return %c0_i32, %c0_i32_0 : i32, i32
  }
  func.func @transform_2(%arg0: i32) -> (i32, i32) {
    %c0_i32 = arith.constant 0 : i32
    %c0_i32_0 = arith.constant 0 : i32
    %c0_i32_1 = arith.constant 0 : i32
    return %c0_i32, %c0_i32_0 : i32, i32
  }
  func.func @transform_3(%arg0: i32) -> (i32, i32) {
    %c0_i32 = arith.constant 0 : i32
    %c0_i32_0 = arith.constant 0 : i32
    %c0_i32_1 = arith.constant 0 : i32
    return %c0_i32, %c0_i32_0 : i32, i32
  }
  func.func @transform_4(%arg0: i32) -> (i32, i32) {
    %c0_i32 = arith.constant 0 : i32
    %c0_i32_0 = arith.constant 0 : i32
    %c0_i32_1 = arith.constant 0 : i32
    return %c0_i32, %c0_i32_0 : i32, i32
  }
  func.func @transform_5(%arg0: i32) -> (i32, i32, i32) {
    %c0_i32 = arith.constant 0 : i32
    %c0_i32_0 = arith.constant 0 : i32
    %c0_i32_1 = arith.constant 0 : i32
    return %c0_i32, %arg0, %c0_i32_0 : i32, i32, i32
  }
}

module attributes {stable_mosaic.version = 14 : i64} {
  func.func @_head_body(%arg0: memref<2x10000x128xf32, #tpu.memory_space<vmem>>, %arg1: memref<2x128xf32, #tpu.memory_space<vmem>>, %arg2: memref<2x128xf32, #tpu.memory_space<vmem>>, %arg3: memref<2x128xf32, #tpu.memory_space<vmem>>, %arg4: memref<2x128xf32, #tpu.memory_space<vmem>>, %arg5: memref<10000x1xi32, #tpu.memory_space<vmem>>, %arg6: memref<64x256xf32, #tpu.memory_space<vmem>>, %arg7: memref<3200x256xf32, #tpu.memory_space<vmem>>, %arg8: memref<768x256xf32, #tpu.memory_space<vmem>>, %arg9: memref<1x256xf32, #tpu.memory_space<vmem>>, %arg10: memref<256x256xf32, #tpu.memory_space<vmem>>, %arg11: memref<1x256xf32, #tpu.memory_space<vmem>>, %arg12: memref<256x256xf32, #tpu.memory_space<vmem>>, %arg13: memref<1x256xf32, #tpu.memory_space<vmem>>, %arg14: memref<256x1xf32, #tpu.memory_space<vmem>>, %arg15: memref<1x1xf32, #tpu.memory_space<vmem>>, %arg16: memref<1x256xf32, #tpu.memory_space<vmem>>, %arg17: memref<1x256xf32, #tpu.memory_space<vmem>>, %arg18: memref<1x256xf32, #tpu.memory_space<vmem>>, %arg19: memref<1x256xf32, #tpu.memory_space<vmem>>, %arg20: memref<1x256xf32, #tpu.memory_space<vmem>>, %arg21: memref<1x256xf32, #tpu.memory_space<vmem>>, %arg22: memref<3200x1xf32, #tpu.memory_space<vmem>>, %arg23: memref<3200x256xf32, #tpu.memory_space<vmem>>) attributes {dimension_semantics = [], scalar_prefetch = 0 : i64, scratch_operands = 0 : i64, tpu.core_type = #tpu.core_type<tc>} {
    %get3A = arith.constant 0 : index
    %get3A_0 = arith.constant 0 : index
    %get3A_1 = vector.load %arg1[%get3A, %get3A_0] : memref<2x128xf32, #tpu.memory_space<vmem>>, vector<2x128xf32>
    %div3A = arith.constant 1.000000e+04 : f32
    %div3A_2 = vector.broadcast %div3A : f32 to vector<2x128xf32>
    %div3A_3 = arith.divf %get3A_1, %div3A_2 : vector<2x128xf32>
    %get3A_4 = arith.constant 0 : index
    %get3A_5 = arith.constant 0 : index
    %get3A_6 = vector.load %arg2[%get3A_4, %get3A_5] : memref<2x128xf32, #tpu.memory_space<vmem>>, vector<2x128xf32>
    %div3A_7 = arith.constant 1.000000e+04 : f32
    %div3A_8 = vector.broadcast %div3A_7 : f32 to vector<2x128xf32>
    %div3A_9 = arith.divf %get3A_6, %div3A_8 : vector<2x128xf32>
    %mul3A = arith.mulf %div3A_3, %div3A_3 : vector<2x128xf32>
    %sub3A = arith.subf %div3A_9, %mul3A : vector<2x128xf32>
    %add3A = arith.constant 9.99999974E-6 : f32
    %add3A_10 = vector.broadcast %add3A : f32 to vector<2x128xf32>
    %add3A_11 = arith.addf %sub3A, %add3A_10 : vector<2x128xf32>
    %rsqrt3A = math.rsqrt %add3A_11 : vector<2x128xf32>
    %get3A_12 = arith.constant 0 : index
    %get3A_13 = arith.constant 0 : index
    %get3A_14 = vector.load %arg3[%get3A_12, %get3A_13] : memref<2x128xf32, #tpu.memory_space<vmem>>, vector<2x128xf32>
    %mul3A_15 = arith.mulf %rsqrt3A, %get3A_14 : vector<2x128xf32>
    %get3A_16 = arith.constant 0 : index
    %get3A_17 = arith.constant 0 : index
    %get3A_18 = vector.load %arg5[%get3A_16, %get3A_17] : memref<10000x1xi32, #tpu.memory_space<vmem>>, vector<10000x1xi32>
    %iota3A = tpu.iota {dimensions = array<i32: 1>} : vector<10000x64xi32>
    %eq3A = vector.broadcast %get3A_18 : vector<10000x1xi32> to vector<10000x64xi32>
    %eq3A_19 = arith.cmpi eq, %eq3A, %iota3A : vector<10000x64xi32>
    %convert_element_type3A = arith.extui %eq3A_19 : vector<10000x64xi1> to vector<10000x64xi32>
    %convert_element_type3A_20 = arith.sitofp %convert_element_type3A : vector<10000x64xi32> to vector<10000x64xf32>
    %broadcast_in_dim3A = arith.constant 1.000000e+00 : f32
    %broadcast_in_dim3A_21 = vector.broadcast %broadcast_in_dim3A : f32 to vector<10000x1xf32>
    %dot_general3A = arith.constant dense<0.000000e+00> : vector<64x1xf32>
    %dot_general3A_22 = tpu.matmul %convert_element_type3A_20, %broadcast_in_dim3A_21, %dot_general3A {dimension_numbers = #tpu.dot_dimension_numbers<[0], [0], [1], [1], [0, 1, 1, 1], [], []>, transpose_lhs_hint = false} : vector<10000x64xf32>, vector<10000x1xf32>, vector<64x1xf32> -> vector<64x1xf32>
    %max3A = arith.constant 1.000000e+00 : f32
    %max3A_23 = vector.broadcast %max3A : f32 to vector<64x1xf32>
    %max3A_24 = arith.maximumf %dot_general3A_22, %max3A_23 : vector<64x1xf32>
    %get3A_25 = arith.constant 0 : index
    %get3A_26 = arith.constant 0 : index
    %get3A_27 = arith.constant 0 : index
    %get3A_28 = vector.load %arg0[%get3A_25, %get3A_26, %get3A_27] : memref<2x10000x128xf32, #tpu.memory_space<vmem>>, vector<1x10000x128xf32>
    %get3A_29 = vector.shape_cast %get3A_28 : vector<1x10000x128xf32> to vector<10000x128xf32>
    %slice3A = vector.extract_strided_slice %div3A_3 {offsets = [0, 0], sizes = [1, 128], strides = [1, 1]} : vector<2x128xf32> to vector<1x128xf32>
    %sub3A_30 = vector.broadcast %slice3A : vector<1x128xf32> to vector<10000x128xf32>
    %sub3A_31 = arith.subf %get3A_29, %sub3A_30 : vector<10000x128xf32>
    %slice3A_32 = vector.extract_strided_slice %mul3A_15 {offsets = [0, 0], sizes = [1, 128], strides = [1, 1]} : vector<2x128xf32> to vector<1x128xf32>
    %mul3A_33 = vector.broadcast %slice3A_32 : vector<1x128xf32> to vector<10000x128xf32>
    %mul3A_34 = arith.mulf %sub3A_31, %mul3A_33 : vector<10000x128xf32>
    %get3A_35 = arith.constant 0 : index
    %get3A_36 = arith.constant 0 : index
    %get3A_37 = vector.load %arg4[%get3A_35, %get3A_36] : memref<2x128xf32, #tpu.memory_space<vmem>>, vector<2x128xf32>
    %slice3A_38 = vector.extract_strided_slice %get3A_37 {offsets = [0, 0], sizes = [1, 128], strides = [1, 1]} : vector<2x128xf32> to vector<1x128xf32>
    %add3A_39 = vector.broadcast %slice3A_38 : vector<1x128xf32> to vector<10000x128xf32>
    %add3A_40 = arith.addf %mul3A_34, %add3A_39 : vector<10000x128xf32>
    %max3A_41 = arith.constant 0.000000e+00 : f32
    %max3A_42 = vector.broadcast %max3A_41 : f32 to vector<10000x128xf32>
    %max3A_43 = arith.maximumf %add3A_40, %max3A_42 : vector<10000x128xf32>
    %dot_general3A_44 = arith.constant dense<0.000000e+00> : vector<64x128xf32>
    %dot_general3A_45 = tpu.matmul %convert_element_type3A_20, %max3A_43, %dot_general3A_44 {dimension_numbers = #tpu.dot_dimension_numbers<[0], [0], [1], [1], [0, 1, 1, 1], [], []>, transpose_lhs_hint = false} : vector<10000x64xf32>, vector<10000x128xf32>, vector<64x128xf32> -> vector<64x128xf32>
    %get3A_46 = arith.constant 1 : index
    %get3A_47 = arith.constant 0 : index
    %get3A_48 = arith.constant 0 : index
    %get3A_49 = vector.load %arg0[%get3A_46, %get3A_47, %get3A_48] : memref<2x10000x128xf32, #tpu.memory_space<vmem>>, vector<1x10000x128xf32>
    %get3A_50 = vector.shape_cast %get3A_49 : vector<1x10000x128xf32> to vector<10000x128xf32>
    %slice3A_51 = vector.extract_strided_slice %div3A_3 {offsets = [1, 0], sizes = [1, 128], strides = [1, 1]} : vector<2x128xf32> to vector<1x128xf32>
    %sub3A_52 = vector.broadcast %slice3A_51 : vector<1x128xf32> to vector<10000x128xf32>
    %sub3A_53 = arith.subf %get3A_50, %sub3A_52 : vector<10000x128xf32>
    %slice3A_54 = vector.extract_strided_slice %mul3A_15 {offsets = [1, 0], sizes = [1, 128], strides = [1, 1]} : vector<2x128xf32> to vector<1x128xf32>
    %mul3A_55 = vector.broadcast %slice3A_54 : vector<1x128xf32> to vector<10000x128xf32>
    %mul3A_56 = arith.mulf %sub3A_53, %mul3A_55 : vector<10000x128xf32>
    %get3A_57 = arith.constant 0 : index
    %get3A_58 = arith.constant 0 : index
    %get3A_59 = vector.load %arg4[%get3A_57, %get3A_58] : memref<2x128xf32, #tpu.memory_space<vmem>>, vector<2x128xf32>
    %slice3A_60 = vector.extract_strided_slice %get3A_59 {offsets = [1, 0], sizes = [1, 128], strides = [1, 1]} : vector<2x128xf32> to vector<1x128xf32>
    %add3A_61 = vector.broadcast %slice3A_60 : vector<1x128xf32> to vector<10000x128xf32>
    %add3A_62 = arith.addf %mul3A_56, %add3A_61 : vector<10000x128xf32>
    %max3A_63 = arith.constant 0.000000e+00 : f32
    %max3A_64 = vector.broadcast %max3A_63 : f32 to vector<10000x128xf32>
    %max3A_65 = arith.maximumf %add3A_62, %max3A_64 : vector<10000x128xf32>
    %dot_general3A_66 = arith.constant dense<0.000000e+00> : vector<64x128xf32>
    %dot_general3A_67 = tpu.matmul %convert_element_type3A_20, %max3A_65, %dot_general3A_66 {dimension_numbers = #tpu.dot_dimension_numbers<[0], [0], [1], [1], [0, 1, 1, 1], [], []>, transpose_lhs_hint = false} : vector<10000x64xf32>, vector<10000x128xf32>, vector<64x128xf32> -> vector<64x128xf32>
    %concatenate3A = tpu.concatenate %dot_general3A_45, %dot_general3A_67 in 1 : vector<64x128xf32>, vector<64x128xf32> -> vector<64x256xf32>
    %div3A_68 = vector.broadcast %max3A_24 : vector<64x1xf32> to vector<64x256xf32>
    %div3A_69 = arith.divf %concatenate3A, %div3A_68 : vector<64x256xf32>
    %get3A_70 = arith.constant 0 : index
    %get3A_71 = arith.constant 0 : index
    %get3A_72 = vector.load %arg8[%get3A_70, %get3A_71] : memref<768x256xf32, #tpu.memory_space<vmem>>, vector<256x256xf32>
    %get3A_73 = arith.constant 256 : index
    %get3A_74 = arith.constant 0 : index
    %get3A_75 = vector.load %arg8[%get3A_73, %get3A_74] : memref<768x256xf32, #tpu.memory_space<vmem>>, vector<256x256xf32>
    %get3A_76 = arith.constant 512 : index
    %get3A_77 = arith.constant 0 : index
    %get3A_78 = vector.load %arg8[%get3A_76, %get3A_77] : memref<768x256xf32, #tpu.memory_space<vmem>>, vector<256x256xf32>
    %dot_general3A_79 = arith.constant dense<0.000000e+00> : vector<64x256xf32>
    %dot_general3A_80 = tpu.matmul %div3A_69, %get3A_72, %dot_general3A_79 {dimension_numbers = #tpu.dot_dimension_numbers<[1], [0], [0], [1], [0, 0, 1, 1], [], []>, transpose_lhs_hint = false} : vector<64x256xf32>, vector<256x256xf32>, vector<64x256xf32> -> vector<64x256xf32>
    %get3A_81 = arith.constant 0 : index
    %get3A_82 = arith.constant 0 : index
    %get3A_83 = vector.load %arg6[%get3A_81, %get3A_82] : memref<64x256xf32, #tpu.memory_space<vmem>>, vector<64x256xf32>
    %dot_general3A_84 = arith.constant dense<0.000000e+00> : vector<64x256xf32>
    %dot_general3A_85 = tpu.matmul %get3A_83, %get3A_75, %dot_general3A_84 {dimension_numbers = #tpu.dot_dimension_numbers<[1], [0], [0], [1], [0, 0, 1, 1], [], []>, transpose_lhs_hint = false} : vector<64x256xf32>, vector<256x256xf32>, vector<64x256xf32> -> vector<64x256xf32>
    %add3A_86 = arith.addf %dot_general3A_80, %dot_general3A_85 : vector<64x256xf32>
    %get3A_87 = arith.constant 0 : index
    %get3A_88 = arith.constant 0 : index
    %get3A_89 = vector.load %arg9[%get3A_87, %get3A_88] : memref<1x256xf32, #tpu.memory_space<vmem>>, vector<1x256xf32>
    %add3A_90 = vector.broadcast %get3A_89 : vector<1x256xf32> to vector<64x256xf32>
    %add3A_91 = arith.addf %add3A_86, %add3A_90 : vector<64x256xf32>
    %get3A_92 = arith.constant 0 : index
    %get3A_93 = arith.constant 0 : index
    %get3A_94 = vector.load %arg7[%get3A_92, %get3A_93] : memref<3200x256xf32, #tpu.memory_space<vmem>>, vector<3200x256xf32>
    %dot_general3A_95 = arith.constant dense<0.000000e+00> : vector<3200x256xf32>
    %dot_general3A_96 = tpu.matmul %get3A_94, %get3A_78, %dot_general3A_95 {dimension_numbers = #tpu.dot_dimension_numbers<[1], [0], [0], [1], [0, 0, 1, 1], [], []>, transpose_lhs_hint = false} : vector<3200x256xf32>, vector<256x256xf32>, vector<3200x256xf32> -> vector<3200x256xf32>
    %iota3A_97 = tpu.iota {dimensions = array<i32: 0>} : vector<3200x64xi32>
    %jit3A = arith.constant 50 : i32
    %div3A_98 = vector.broadcast %jit3A : i32 to vector<3200x64xi32>
    %div3A_99 = arith.divsi %iota3A_97, %div3A_98 : vector<3200x64xi32>
    %sign3A = arith.constant 0 : i32
    %sign3A_100 = vector.broadcast %sign3A : i32 to vector<3200x64xi32>
    %sign3A_101 = arith.cmpi sgt, %iota3A_97, %sign3A_100 : vector<3200x64xi32>
    %sign3A_102 = arith.extui %sign3A_101 : vector<3200x64xi1> to vector<3200x64xi32>
    %sign3A_103 = arith.constant 0 : i32
    %sign3A_104 = vector.broadcast %sign3A_103 : i32 to vector<3200x64xi32>
    %sign3A_105 = arith.cmpi slt, %iota3A_97, %sign3A_104 : vector<3200x64xi32>
    %sign3A_106 = arith.extui %sign3A_105 : vector<3200x64xi1> to vector<3200x64xi32>
    %sign3A_107 = arith.subi %sign3A_102, %sign3A_106 : vector<3200x64xi32>
    %sign3A_108 = arith.constant 0 : i32
    %sign3A_109 = arith.cmpi sgt, %jit3A, %sign3A_108 : i32
    %sign3A_110 = arith.extui %sign3A_109 : i1 to i32
    %sign3A_111 = arith.constant 0 : i32
    %sign3A_112 = arith.cmpi slt, %jit3A, %sign3A_111 : i32
    %sign3A_113 = arith.extui %sign3A_112 : i1 to i32
    %sign3A_114 = arith.subi %sign3A_110, %sign3A_113 : i32
    %ne3A = vector.broadcast %sign3A_114 : i32 to vector<3200x64xi32>
    %ne3A_115 = arith.cmpi ne, %sign3A_107, %ne3A : vector<3200x64xi32>
    %rem3A = vector.broadcast %jit3A : i32 to vector<3200x64xi32>
    %rem3A_116 = arith.remsi %iota3A_97, %rem3A : vector<3200x64xi32>
    %ne3A_117 = arith.constant 0 : i32
    %ne3A_118 = vector.broadcast %ne3A_117 : i32 to vector<3200x64xi32>
    %ne3A_119 = arith.cmpi ne, %rem3A_116, %ne3A_118 : vector<3200x64xi32>
    %and3A = arith.andi %ne3A_115, %ne3A_119 : vector<3200x64xi1>
    %sub3A_120 = arith.constant 1 : i32
    %sub3A_121 = vector.broadcast %sub3A_120 : i32 to vector<3200x64xi32>
    %sub3A_122 = arith.subi %div3A_99, %sub3A_121 : vector<3200x64xi32>
    %select_n3A = arith.select %and3A, %sub3A_122, %div3A_99 : vector<3200x64xi1>, vector<3200x64xi32>
    %iota3A_123 = tpu.iota {dimensions = array<i32: 1>} : vector<3200x64xi32>
    %eq3A_124 = arith.cmpi eq, %select_n3A, %iota3A_123 : vector<3200x64xi32>
    %convert_element_type3A_125 = arith.extui %eq3A_124 : vector<3200x64xi1> to vector<3200x64xi32>
    %convert_element_type3A_126 = arith.sitofp %convert_element_type3A_125 : vector<3200x64xi32> to vector<3200x64xf32>
    %dot_general3A_127 = arith.constant dense<0.000000e+00> : vector<3200x256xf32>
    %dot_general3A_128 = tpu.matmul %convert_element_type3A_126, %add3A_91, %dot_general3A_127 {dimension_numbers = #tpu.dot_dimension_numbers<[1], [0], [0], [1], [0, 0, 1, 1], [], []>, transpose_lhs_hint = false} : vector<3200x64xf32>, vector<64x256xf32>, vector<3200x256xf32> -> vector<3200x256xf32>
    %add3A_129 = arith.addf %dot_general3A_128, %dot_general3A_96 : vector<3200x256xf32>
    %get3A_130 = arith.constant 0 : index
    %get3A_131 = arith.constant 0 : index
    %get3A_132 = vector.load %arg16[%get3A_130, %get3A_131] : memref<1x256xf32, #tpu.memory_space<vmem>>, vector<1x256xf32>
    %get3A_133 = arith.constant 0 : index
    %get3A_134 = arith.constant 0 : index
    %get3A_135 = vector.load %arg17[%get3A_133, %get3A_134] : memref<1x256xf32, #tpu.memory_space<vmem>>, vector<1x256xf32>
    %reduce_sum3A = arith.constant dense<0.000000e+00> : vector<256xf32>
    %reduce_sum3A_136 = vector.multi_reduction <add>, %add3A_129, %reduce_sum3A [0] : vector<3200x256xf32> to vector<256xf32>
    %broadcast_in_dim3A_137 = vector.shape_cast %reduce_sum3A_136 : vector<256xf32> to vector<1x256xf32>
    %div3A_138 = arith.constant 3.200000e+03 : f32
    %div3A_139 = vector.broadcast %div3A_138 : f32 to vector<1x256xf32>
    %div3A_140 = arith.divf %broadcast_in_dim3A_137, %div3A_139 : vector<1x256xf32>
    %mul3A_141 = arith.mulf %add3A_129, %add3A_129 : vector<3200x256xf32>
    %reduce_sum3A_142 = arith.constant dense<0.000000e+00> : vector<256xf32>
    %reduce_sum3A_143 = vector.multi_reduction <add>, %mul3A_141, %reduce_sum3A_142 [0] : vector<3200x256xf32> to vector<256xf32>
    %broadcast_in_dim3A_144 = vector.shape_cast %reduce_sum3A_143 : vector<256xf32> to vector<1x256xf32>
    %div3A_145 = arith.constant 3.200000e+03 : f32
    %div3A_146 = vector.broadcast %div3A_145 : f32 to vector<1x256xf32>
    %div3A_147 = arith.divf %broadcast_in_dim3A_144, %div3A_146 : vector<1x256xf32>
    %mul3A_148 = arith.mulf %div3A_140, %div3A_140 : vector<1x256xf32>
    %sub3A_149 = arith.subf %div3A_147, %mul3A_148 : vector<1x256xf32>
    %sub3A_150 = vector.broadcast %div3A_140 : vector<1x256xf32> to vector<3200x256xf32>
    %sub3A_151 = arith.subf %add3A_129, %sub3A_150 : vector<3200x256xf32>
    %add3A_152 = arith.constant 9.99999974E-6 : f32
    %add3A_153 = vector.broadcast %add3A_152 : f32 to vector<1x256xf32>
    %add3A_154 = arith.addf %sub3A_149, %add3A_153 : vector<1x256xf32>
    %rsqrt3A_155 = math.rsqrt %add3A_154 : vector<1x256xf32>
    %mul3A_156 = vector.broadcast %rsqrt3A_155 : vector<1x256xf32> to vector<3200x256xf32>
    %mul3A_157 = arith.mulf %sub3A_151, %mul3A_156 : vector<3200x256xf32>
    %mul3A_158 = vector.broadcast %get3A_132 : vector<1x256xf32> to vector<3200x256xf32>
    %mul3A_159 = arith.mulf %mul3A_157, %mul3A_158 : vector<3200x256xf32>
    %add3A_160 = vector.broadcast %get3A_135 : vector<1x256xf32> to vector<3200x256xf32>
    %add3A_161 = arith.addf %mul3A_159, %add3A_160 : vector<3200x256xf32>
    %max3A_162 = arith.constant 0.000000e+00 : f32
    %max3A_163 = vector.broadcast %max3A_162 : f32 to vector<3200x256xf32>
    %max3A_164 = arith.maximumf %add3A_161, %max3A_163 : vector<3200x256xf32>
    %get3A_165 = arith.constant 0 : index
    %get3A_166 = arith.constant 0 : index
    %get3A_167 = vector.load %arg10[%get3A_165, %get3A_166] : memref<256x256xf32, #tpu.memory_space<vmem>>, vector<256x256xf32>
    %dot_general3A_168 = arith.constant dense<0.000000e+00> : vector<3200x256xf32>
    %dot_general3A_169 = tpu.matmul %max3A_164, %get3A_167, %dot_general3A_168 {dimension_numbers = #tpu.dot_dimension_numbers<[1], [0], [0], [1], [0, 0, 1, 1], [], []>, transpose_lhs_hint = false} : vector<3200x256xf32>, vector<256x256xf32>, vector<3200x256xf32> -> vector<3200x256xf32>
    %get3A_170 = arith.constant 0 : index
    %get3A_171 = arith.constant 0 : index
    %get3A_172 = vector.load %arg11[%get3A_170, %get3A_171] : memref<1x256xf32, #tpu.memory_space<vmem>>, vector<1x256xf32>
    %add3A_173 = vector.broadcast %get3A_172 : vector<1x256xf32> to vector<3200x256xf32>
    %add3A_174 = arith.addf %dot_general3A_169, %add3A_173 : vector<3200x256xf32>
    %get3A_175 = arith.constant 0 : index
    %get3A_176 = arith.constant 0 : index
    %get3A_177 = vector.load %arg18[%get3A_175, %get3A_176] : memref<1x256xf32, #tpu.memory_space<vmem>>, vector<1x256xf32>
    %get3A_178 = arith.constant 0 : index
    %get3A_179 = arith.constant 0 : index
    %get3A_180 = vector.load %arg19[%get3A_178, %get3A_179] : memref<1x256xf32, #tpu.memory_space<vmem>>, vector<1x256xf32>
    %reduce_sum3A_181 = arith.constant dense<0.000000e+00> : vector<256xf32>
    %reduce_sum3A_182 = vector.multi_reduction <add>, %add3A_174, %reduce_sum3A_181 [0] : vector<3200x256xf32> to vector<256xf32>
    %broadcast_in_dim3A_183 = vector.shape_cast %reduce_sum3A_182 : vector<256xf32> to vector<1x256xf32>
    %div3A_184 = arith.constant 3.200000e+03 : f32
    %div3A_185 = vector.broadcast %div3A_184 : f32 to vector<1x256xf32>
    %div3A_186 = arith.divf %broadcast_in_dim3A_183, %div3A_185 : vector<1x256xf32>
    %mul3A_187 = arith.mulf %add3A_174, %add3A_174 : vector<3200x256xf32>
    %reduce_sum3A_188 = arith.constant dense<0.000000e+00> : vector<256xf32>
    %reduce_sum3A_189 = vector.multi_reduction <add>, %mul3A_187, %reduce_sum3A_188 [0] : vector<3200x256xf32> to vector<256xf32>
    %broadcast_in_dim3A_190 = vector.shape_cast %reduce_sum3A_189 : vector<256xf32> to vector<1x256xf32>
    %div3A_191 = arith.constant 3.200000e+03 : f32
    %div3A_192 = vector.broadcast %div3A_191 : f32 to vector<1x256xf32>
    %div3A_193 = arith.divf %broadcast_in_dim3A_190, %div3A_192 : vector<1x256xf32>
    %mul3A_194 = arith.mulf %div3A_186, %div3A_186 : vector<1x256xf32>
    %sub3A_195 = arith.subf %div3A_193, %mul3A_194 : vector<1x256xf32>
    %sub3A_196 = vector.broadcast %div3A_186 : vector<1x256xf32> to vector<3200x256xf32>
    %sub3A_197 = arith.subf %add3A_174, %sub3A_196 : vector<3200x256xf32>
    %add3A_198 = arith.constant 9.99999974E-6 : f32
    %add3A_199 = vector.broadcast %add3A_198 : f32 to vector<1x256xf32>
    %add3A_200 = arith.addf %sub3A_195, %add3A_199 : vector<1x256xf32>
    %rsqrt3A_201 = math.rsqrt %add3A_200 : vector<1x256xf32>
    %mul3A_202 = vector.broadcast %rsqrt3A_201 : vector<1x256xf32> to vector<3200x256xf32>
    %mul3A_203 = arith.mulf %sub3A_197, %mul3A_202 : vector<3200x256xf32>
    %mul3A_204 = vector.broadcast %get3A_177 : vector<1x256xf32> to vector<3200x256xf32>
    %mul3A_205 = arith.mulf %mul3A_203, %mul3A_204 : vector<3200x256xf32>
    %add3A_206 = vector.broadcast %get3A_180 : vector<1x256xf32> to vector<3200x256xf32>
    %add3A_207 = arith.addf %mul3A_205, %add3A_206 : vector<3200x256xf32>
    %max3A_208 = arith.constant 0.000000e+00 : f32
    %max3A_209 = vector.broadcast %max3A_208 : f32 to vector<3200x256xf32>
    %max3A_210 = arith.maximumf %add3A_207, %max3A_209 : vector<3200x256xf32>
    %get3A_211 = arith.constant 0 : index
    %get3A_212 = arith.constant 0 : index
    %get3A_213 = vector.load %arg12[%get3A_211, %get3A_212] : memref<256x256xf32, #tpu.memory_space<vmem>>, vector<256x256xf32>
    %dot_general3A_214 = arith.constant dense<0.000000e+00> : vector<3200x256xf32>
    %dot_general3A_215 = tpu.matmul %max3A_210, %get3A_213, %dot_general3A_214 {dimension_numbers = #tpu.dot_dimension_numbers<[1], [0], [0], [1], [0, 0, 1, 1], [], []>, transpose_lhs_hint = false} : vector<3200x256xf32>, vector<256x256xf32>, vector<3200x256xf32> -> vector<3200x256xf32>
    %get3A_216 = arith.constant 0 : index
    %get3A_217 = arith.constant 0 : index
    %get3A_218 = vector.load %arg13[%get3A_216, %get3A_217] : memref<1x256xf32, #tpu.memory_space<vmem>>, vector<1x256xf32>
    %add3A_219 = vector.broadcast %get3A_218 : vector<1x256xf32> to vector<3200x256xf32>
    %add3A_220 = arith.addf %dot_general3A_215, %add3A_219 : vector<3200x256xf32>
    %get3A_221 = arith.constant 0 : index
    %get3A_222 = arith.constant 0 : index
    %get3A_223 = vector.load %arg20[%get3A_221, %get3A_222] : memref<1x256xf32, #tpu.memory_space<vmem>>, vector<1x256xf32>
    %get3A_224 = arith.constant 0 : index
    %get3A_225 = arith.constant 0 : index
    %get3A_226 = vector.load %arg21[%get3A_224, %get3A_225] : memref<1x256xf32, #tpu.memory_space<vmem>>, vector<1x256xf32>
    %reduce_sum3A_227 = arith.constant dense<0.000000e+00> : vector<256xf32>
    %reduce_sum3A_228 = vector.multi_reduction <add>, %add3A_220, %reduce_sum3A_227 [0] : vector<3200x256xf32> to vector<256xf32>
    %broadcast_in_dim3A_229 = vector.shape_cast %reduce_sum3A_228 : vector<256xf32> to vector<1x256xf32>
    %div3A_230 = arith.constant 3.200000e+03 : f32
    %div3A_231 = vector.broadcast %div3A_230 : f32 to vector<1x256xf32>
    %div3A_232 = arith.divf %broadcast_in_dim3A_229, %div3A_231 : vector<1x256xf32>
    %mul3A_233 = arith.mulf %add3A_220, %add3A_220 : vector<3200x256xf32>
    %reduce_sum3A_234 = arith.constant dense<0.000000e+00> : vector<256xf32>
    %reduce_sum3A_235 = vector.multi_reduction <add>, %mul3A_233, %reduce_sum3A_234 [0] : vector<3200x256xf32> to vector<256xf32>
    %broadcast_in_dim3A_236 = vector.shape_cast %reduce_sum3A_235 : vector<256xf32> to vector<1x256xf32>
    %div3A_237 = arith.constant 3.200000e+03 : f32
    %div3A_238 = vector.broadcast %div3A_237 : f32 to vector<1x256xf32>
    %div3A_239 = arith.divf %broadcast_in_dim3A_236, %div3A_238 : vector<1x256xf32>
    %mul3A_240 = arith.mulf %div3A_232, %div3A_232 : vector<1x256xf32>
    %sub3A_241 = arith.subf %div3A_239, %mul3A_240 : vector<1x256xf32>
    %sub3A_242 = vector.broadcast %div3A_232 : vector<1x256xf32> to vector<3200x256xf32>
    %sub3A_243 = arith.subf %add3A_220, %sub3A_242 : vector<3200x256xf32>
    %add3A_244 = arith.constant 9.99999974E-6 : f32
    %add3A_245 = vector.broadcast %add3A_244 : f32 to vector<1x256xf32>
    %add3A_246 = arith.addf %sub3A_241, %add3A_245 : vector<1x256xf32>
    %rsqrt3A_247 = math.rsqrt %add3A_246 : vector<1x256xf32>
    %mul3A_248 = vector.broadcast %rsqrt3A_247 : vector<1x256xf32> to vector<3200x256xf32>
    %mul3A_249 = arith.mulf %sub3A_243, %mul3A_248 : vector<3200x256xf32>
    %mul3A_250 = vector.broadcast %get3A_223 : vector<1x256xf32> to vector<3200x256xf32>
    %mul3A_251 = arith.mulf %mul3A_249, %mul3A_250 : vector<3200x256xf32>
    %add3A_252 = vector.broadcast %get3A_226 : vector<1x256xf32> to vector<3200x256xf32>
    %add3A_253 = arith.addf %mul3A_251, %add3A_252 : vector<3200x256xf32>
    %max3A_254 = arith.constant 0.000000e+00 : f32
    %max3A_255 = vector.broadcast %max3A_254 : f32 to vector<3200x256xf32>
    %max3A_256 = arith.maximumf %add3A_253, %max3A_255 : vector<3200x256xf32>
    %swap3A = arith.constant 0 : index
    %swap3A_257 = arith.constant 0 : index
    %swap3A_258 = vector.load %arg23[%swap3A, %swap3A_257] : memref<3200x256xf32, #tpu.memory_space<vmem>>, vector<3200x256xf32>
    tpu.vector_store %arg23[%swap3A, %swap3A_257], %max3A_256 {strides = array<i32>} : memref<3200x256xf32, #tpu.memory_space<vmem>>, vector<3200x256xf32>,
    %get3A_259 = arith.constant 0 : index
    %get3A_260 = arith.constant 0 : index
    %get3A_261 = vector.load %arg14[%get3A_259, %get3A_260] : memref<256x1xf32, #tpu.memory_space<vmem>>, vector<256x1xf32>
    %dot_general3A_262 = arith.constant dense<0.000000e+00> : vector<3200x1xf32>
    %dot_general3A_263 = tpu.matmul %max3A_256, %get3A_261, %dot_general3A_262 {dimension_numbers = #tpu.dot_dimension_numbers<[1], [0], [0], [1], [0, 0, 1, 1], [], []>, transpose_lhs_hint = false} : vector<3200x256xf32>, vector<256x1xf32>, vector<3200x1xf32> -> vector<3200x1xf32>
    %get3A_264 = arith.constant 0 : index
    %get3A_265 = arith.constant 0 : index
    %get3A_266 = vector.load %arg15[%get3A_264, %get3A_265] : memref<1x1xf32, #tpu.memory_space<vmem>>, vector<1x1xf32>
    %add3A_267 = vector.broadcast %get3A_266 : vector<1x1xf32> to vector<3200x1xf32>
    %add3A_268 = arith.addf %dot_general3A_263, %add3A_267 : vector<3200x1xf32>
    %logistic3A = arith.negf %add3A_268 : vector<3200x1xf32>
    %logistic3A_269 = math.exp %logistic3A : vector<3200x1xf32>
    %logistic3A_270 = arith.constant 1.000000e+00 : f32
    %logistic3A_271 = vector.broadcast %logistic3A_270 : f32 to vector<3200x1xf32>
    %logistic3A_272 = arith.addf %logistic3A_271, %logistic3A_269 : vector<3200x1xf32>
    %logistic3A_273 = arith.divf %logistic3A_271, %logistic3A_272 : vector<3200x1xf32>
    %swap3A_274 = arith.constant 0 : index
    %swap3A_275 = arith.constant 0 : index
    %swap3A_276 = vector.load %arg22[%swap3A_274, %swap3A_275] : memref<3200x1xf32, #tpu.memory_space<vmem>>, vector<3200x1xf32>
    tpu.vector_store %arg22[%swap3A_274, %swap3A_275], %logistic3A_273 {strides = array<i32>} : memref<3200x1xf32, #tpu.memory_space<vmem>>, vector<3200x1xf32>,
    return
  }
}

</mosaic_0001>

<sc_bundles>
// kernel: kernel.10.cloned.1.call-start
scs
__scs_entry_jumppad:
0x0: {  	(pc) =	sbr.rel $0x88, $3  }
0x1: {  	(tag) =	ssettag $0x0;
	lr =	simm.s32 $0x1  }
0x2: {  	[smem:$0x3F88] =	sst lr;
	_ =	strace $0xD0000000  }
0x3: {  	_ = 	snop  }
0x4: {  	_ = 	snop  }
0x5: {  	_ = 	snop  }
0x6: {  	_ = 	snop  }
0x7: {  	_ = 	snop  }
__scs_overlays_trampoline_lowered:
0x8: {  	[smem:$0x3F97] =	sst s0  }
0x9: {  	[smem:$0x3F98] =	sst s1  }
0xa: {  	[smem:$0x3F99] =	sst s2  }
0xb: {  	[smem:$0x3F9A] =	sst s3  }
0xc: {  	[smem:$0x3F9B] =	sst s4  }
0xd: {  	[smem:$0x3F9C] =	sst s5  }
0xe: {  	[smem:$0x3F9D] =	sst s6  }
0xf: {  	[smem:$0x3F9E] =	sst s7  }
0x10: {  	[smem:$0x3F9F] =	sst s8  }
0x11: {  	[smem:$0x3FA0] =	sst s9;
	s0 =	simm.s32 @!p0 $0x0  }
0x12: {  	s1 =	sld [smem:$0x3F86];
	s0 =	simm.s32 @p0 $0x1  }
0x13: {  	[smem:$0x3FA1] =	sst s0;
	s0 =	simm.s32 @!p1 $0x0  }
0x14: {  	s2 =	sld [smem:$0x3F85];
	s0 =	simm.s32 @p1 $0x1  }
0x15: {  	[smem:$0x3FA2] =	sst s0;
	s0 =	simm.s32 @!p2 $0x0  }
0x16: {  	s3 =	sld [smem:$0x3FDB];
	s0 =	simm.s32 @p2 $0x1  }
0x17: {  	s4 =	simm.s32 $0x1BF5;
	[smem:$0x3FA4] =	sst s0  }
0x18: {  	s0 =	sld [smem:$0x3F87];
	_ =	swait.ge [sflag:s4], $0x0  }
0x19: {  	s7 =	sld [smem:$0x3F88]  }
0x1a: {  	s8 =	sadd.s32 $0xFFFFE003, lr  }
0x1b: {  	s9 =	sadd.s32 $0xFFFFFEF7, lr;
	s5 =	simm.s32 $0xFFFFFFFF;
	p2 =	slt.u32 s8, $0xFFFFF086  }
0x1c: {  	p1 =	slt.u32 s9, $0xF7A;
	s5 =	simm.s32 @!p2 $0x0  }
0x1d: {  	s5 =	simm.s32 @p1 $0x1;
	p0 =	seq.s32 s7, s2  }
0x1e: {  	s7 =	smul.u32 @!p0 $0xF7A, s2;
	p2 =	seq.s32 @!p0 s5, $0x0  }
0x1f: {  	s9 =	smul.u32 $0xF7A, s1;
	s8 =	simm.s32 @!p0 $0x1BF5;
	p2 =	por !p2, p0  }
0x20: {  	[sflag:s8] =	ssyncset.s32 @!p0 $0xFFFFF086;
	s6 =	sadd.s32 @!p0 s3, s7;
	s7 =	simm.s32 @!p0 $0x108  }
0x21: {  	s3 =	sadd.s32 s3, s9;
	s6 =	sadd.s32 @!p0 $0x88, s6;
	s7 =	simm.s32 @p2 $0x1082  }
0x22: {  	[simem:s7], [sflag:s8] =	dma.local @!p0 [hbm:s6], $0xF7A  }
0x23: {  	s9 =	sor.u32 $0xD0000000, s2;
	s6 =	simm.s32 $0x108;
	_ =	swait.ge @!p0 [sflag:s8], $0x0  }
0x24: {  	s3 =	sadd.s32 $0x88, s3;
	s6 =	simm.s32 @!p1 $0x1082;
	[sflag:s4] =	ssyncset.s32 $0xFFFFF086  }
0x25: {  	[simem:s6], [sflag:s4] =	dma.local [hbm:s3], $0xF7A  }
0x26: {  	[smem:$0x3F88] =	sst s1;
	(tag) =	ssettag s2;
	_ =	strace s9  }
0x27: {  	s1 =	sld [smem:$0x3F98]  }
0x28: {  	s2 =	sld [smem:$0x3F99]  }
0x29: {  	s4 =	sld [smem:$0x3F9B]  }
0x2a: {  	p0 =	seq.s32 s5, $0x0;
	s5 =	sld [smem:$0x3F9C]  }
0x2b: {  	s6 =	sld [smem:$0x3F9D]  }
0x2c: {  	s7 =	sld [smem:$0x3F9E]  }
0x2d: {  	s3 =	simm.s32 $0x108;
	s8 =	sld [smem:$0x3F9F]  }
0x2e: {  	s3 =	simm.s32 @!p0 $0x1082;
	s9 =	sld [smem:$0x3FA0]  }
0x2f: {  	lr =	sadd.s32 s0, s3;
	s0 =	sld [smem:$0x3F97]  }
0x30: {  	s3 =	sld [smem:$0x3F9A]  }
0x31: {  	[smem:$0x3FA3] =	sst s10  }
0x32: {  	s10 =	sld [smem:$0x3FA1];
	_ =	sdelay $0x3  }
0x33: {  	p0 =	seq.s32 s10, $0x1;
	s10 =	sld [smem:$0x3FA3];
	_ =	sdelay $0x3  }
0x34: {  	[smem:$0x3FA3] =	sst s10  }
0x35: {  	s10 =	sld [smem:$0x3FA2];
	_ =	sdelay $0x3  }
0x36: {  	p1 =	seq.s32 s10, $0x1;
	s10 =	sld [smem:$0x3FA3];
	_ =	sdelay $0x3  }
0x37: {  	[smem:$0x3FA3] =	sst s10  }
0x38: {  	s10 =	sld [smem:$0x3FA4]  }
0x39: {  	_ = 	snop;
	(pc) =	sbr.ind lr, $3  }
0x3a: {  	_ = 	snop  }
0x3b: {  	_ = 	snop  }
0x3c: {  	p2 =	seq.s32 s10, $0x1;
	s10 =	sld [smem:$0x3FA3]  }
0x3d: {  	_ =	shalt  }
0x3e: {  	_ =	shalt  }
0x3f: {  	_ =	shalt  }
0x40: {  	_ =	shalt  }
0x41: {  	_ =	shalt  }
0x42: {  	_ =	shalt  }
0x43: {  	_ =	shalt  }
0x44: {  	_ =	shalt  }
0x45: {  	_ =	shalt  }
0x46: {  	_ =	shalt  }
0x47: {  	_ =	shalt  }
0x48: {  	_ =	shalt  }
0x49: {  	_ =	shalt  }
0x4a: {  	_ =	shalt  }
0x4b: {  	_ =	shalt  }
0x4c: {  	_ =	shalt  }
0x4d: {  	_ =	shalt  }
0x4e: {  	_ =	shalt  }
0x4f: {  	_ =	shalt  }
0x50: {  	_ =	shalt  }
0x51: {  	_ =	shalt  }
0x52: {  	_ =	shalt  }
0x53: {  	_ =	shalt  }
0x54: {  	_ =	shalt  }
0x55: {  	_ =	shalt  }
0x56: {  	_ =	shalt  }
0x57: {  	_ =	shalt  }
0x58: {  	_ =	shalt  }
0x59: {  	_ =	shalt  }
0x5a: {  	_ =	shalt  }
0x5b: {  	_ =	shalt  }
0x5c: {  	_ =	shalt  }
0x5d: {  	_ =	shalt  }
0x5e: {  	_ =	shalt  }
0x5f: {  	_ =	shalt  }
0x60: {  	_ =	shalt  }
0x61: {  	_ =	shalt  }
0x62: {  	_ =	shalt  }
0x63: {  	_ =	shalt  }
0x64: {  	_ =	shalt  }
0x65: {  	_ =	shalt  }
0x66: {  	_ =	shalt  }
0x67: {  	_ =	shalt  }
0x68: {  	_ =	shalt  }
0x69: {  	_ =	shalt  }
0x6a: {  	_ =	shalt  }
0x6b: {  	_ =	shalt  }
0x6c: {  	_ =	shalt  }
0x6d: {  	_ =	shalt  }
0x6e: {  	_ =	shalt  }
0x6f: {  	_ =	shalt  }
0x70: {  	_ =	shalt  }
0x71: {  	_ =	shalt  }
0x72: {  	_ =	shalt  }
0x73: {  	_ =	shalt  }
0x74: {  	_ =	shalt  }
0x75: {  	_ =	shalt  }
0x76: {  	_ =	shalt  }
0x77: {  	_ =	shalt  }
0x78: {  	_ =	shalt  }
0x79: {  	_ =	shalt  }
0x7a: {  	_ =	shalt  }
0x7b: {  	_ =	shalt  }
0x7c: {  	_ =	shalt  }
0x7d: {  	_ =	shalt  }
0x7e: {  	_ =	shalt  }
0x7f: {  	_ =	shalt  }
0x80: {  	_ =	shalt  }
0x81: {  	_ =	shalt  }
0x82: {  	_ =	shalt  }
0x83: {  	_ =	shalt  }
0x84: {  	_ =	shalt  }
0x85: {  	_ =	shalt  }
0x86: {  	_ =	shalt  }
0x87: {  	_ =	shalt  }
.Lfunc_end0:
.L_simem_size_0:
called_computation_lowered:
.L_overlay_start_0:
0x88: {  	s2 =	sld [smem:$0x3FD9]  }
0x89: {  	s3 =	sld [smem:$0x3FFE];
	_ =	sdelay $0x1  }
0x8a: {  	s1 =	srdreg.scid  }
0x8b: {  	s0 =	sand.u32 $0x1, s1  }
0x8c: {  	s17 =	sshll.u32 s0, $0xA;
	s2 =	sadd.s32 s3, s2  }
0x8d: {  	s2 =	sadd.s32 s2, s17  }
0x8e: {  	[smem:$0x3FAF] =	sst s2  }
0x8f: {  	_ = 	snop  }
0x90: {  	(tm) =	ssettm $0x1  }
0x91: {  	s18 =	sld [smem:$0x3FFB];
	_ =	sdelay $0x3  }
0x92: {  	_ =	strace s18  }
0x93: {  	s2 =	sld [smem:$0x3FFC];
	_ =	sdelay $0x3  }
0x94: {  	_ =	strace s2  }
0x95: {  	s2 =	sld [smem:$0x3FFD];
	_ =	sdelay $0x3  }
0x96: {  	_ =	strace s2  }
0x97: {  	_ =	strace $0x8FFFFFFF  }
0x98: {  	s19 =	sld [smem:$0x3FDB];
	_ =	sdelay $0x1  }
0x99: {  	s20 =	simm.s32 $_scs_section_size  }
0x9a: {  	s4 =	simm.s32 $_size__tile_overlayer_lowered;
	s5 =	simm.s32 $_tile_overlayer_lowered  }
0x9b: {  	s6 =	simm.s32 $0x1BFF;
	s21 =	sshll.u32 s5, $0x1;
	s3 =	sadd.s32 s20, s19  }
0x9c: {  	s22 =	simm.s32 $0x0;
	s4 =	sshll.u32 s4, $0x1;
	s5 =	sadd.s32 s21, s3  }
0x9d: {  	[timem:s22], [sflag:s6] =	dma.local [hbm:s5], s4  }
0x9e: {  	_ =	swait.ge [sflag:s6], s4  }
0x9f: {  	s4 =	ssub.s32 $0x0, s4;
	[sflag:s6] =	ssyncset.done $0x0  }
0xa0: {  	[sflag:s6] =	ssyncadd.s32 s4;
	_ =	sdelay $0x1  }
0xa1: {  	s23 =	simm.s32 $0x1B8B  }
0xa2: {  	_ =	swait.ge [sflag:s23], $0x1  }
0xa3: {  	[sflag:s23] =	ssyncset.done $0x0  }
0xa4: {  	[sflag:s23] =	ssyncadd.s32 $0xFFFFFFFF  }
0xa5: {  	s4 =	sld [smem:$0x0]  }
0xa6: {  	s5 =	sand.u32 $0xFFFFFFFE, s1  }
0xa7: {  	p0 =	sne.s32 s1, s5  }
0xa8: {  	s5 =	sshll.u32 @p0 s5, $0xE  }
0xa9: {  	s5 =	sadd.s32 @p0 $0x11B8D, s5;
	s6 =	sshll.u32 @p0 s4, $0x11  }
0xaa: {  	s5 =	sor.u32 @p0 s6, s5  }
0xab: {  	[sflag:s5] =	ssyncadd.remote.s32 @p0 $0x1;
	_ =	sdelay $0x1  }
0xac: {  	s5 =	simm.s32 @p0 $0x1B8D  }
0xad: {  	_ =	swait.eq @p0 [sflag:s5], $0x1  }
0xae: {  	[sflag:s5] =	ssyncadd.s32 @p0 $0xFFFFFFFF  }
0xaf: {  	s6 =	sshll.u32 @!p0 s1, $0xE  }
0xb0: {  	s6 =	sor.u32 @!p0 $0x4000, s6;
	s5 =	simm.s32 @!p0 $0x1B8D  }
0xb1: {  	s4 =	sshll.u32 @!p0 s4, $0x11;
	s6 =	sadd.s32 @!p0 $0x11B8D, s6;
	_ =	swait.eq @!p0 [sflag:s5], $0x1  }
0xb2: {  	s4 =	sor.u32 @!p0 s4, s6;
	[sflag:s5] =	ssyncadd.s32 @!p0 $0xFFFFFFFF  }
0xb3: {  	s25 =	simm.s32 $0x1B8E;
	s24 =	sld [smem:$0x3FFE];
	[sflag:s4] =	ssyncadd.remote.s32 @!p0 $0x1  }
0xb4: {  	s26 =	simm.s32 $execute0_lowered;
	[smem:$0x3FD2] =	sst s25  }
0xb5: {  	s5 =	sshll.u32 s26, $0x1;
	_ =	strace $0x80000049;
	[dreg:$0x1] =	wrdreg $0xFFFFFFFF  }
0xb6: {  	s28 =	simm.s32 $_size_execute0_lowered;
	s3 =	sadd.s32 s3, s5;
	[dreg:$0x0] =	wrdreg $0x0  }
0xb7: {  	s5 =	sshll.u32 s28, $0x1;
	[dreg:$0x2] =	wrdreg s3  }
0xb8: {  	[dreg:$0x3] =	wrdreg s5  }
0xb9: {  	[dreg:$0x4] =	wrdreg $0xC0  }
0xba: {  	_ =	task [dreg:s22], $0x5FFFF  }
0xbb: {  	[dreg:$0x1] =	wrdreg $0xFFFFFFFF  }
0xbc: {  	[dreg:$0x0] =	wrdreg $0x60  }
0xbd: {  	[dreg:$0x2] =	wrdreg s24  }
0xbe: {  	[dreg:$0x3] =	wrdreg $0x44000  }
0xbf: {  	[dreg:$0x4] =	wrdreg $0x9  }
0xc0: {  	_ =	task.clear_ibuf [dreg:s22], $0x5FFFF;
	_ =	strace $0x90000049  }
0xc1: {  	s29 =	simm.s32 $0x9;
	_ =	strace $0x8000004B  }
0xc2: {  	_ =	swait.ge [sflag:s29], $0x1  }
0xc3: {  	[sflag:s29] =	ssyncadd.s32 $0xFFFFFFFF  }
0xc4: {  	_ =	strace $0x9000004B  }
0xc5: {  	_ =	sfence  }
0xc6: {  	s30 =	sld [smem:$0x0];
	_ =	sdelay $0x2  }
0xc7: {  	s31 =	sshll.u32 s1, $0xD;
	s1 =	sshrl.u32 s1, $0x2  }
0xc8: {  	s4 =	sand.u32 $0x4000, s31;
	s1 =	sadd.s32 s1, s30  }
0xc9: {  	s0 =	sor.u32 s4, s0;
	s1 =	sshll.u32 s1, $0x11  }
0xca: {  	s0 =	sor.u32 s1, s0  }
0xcb: {  	s0 =	sadd.s32 $0x8F2B, s0  }
0xcc: {  	[sflag:s0] =	ssyncadd.remote.s32 $0x1  }
0xcd: {  	_ =	sfence.sel $0xFFFF  }
0xce: {  	[dreg:$0x0] =	wrdreg $0xFFFFFFFF;
	(pc) =	sbr.abs _section_cstart, $3  }
0xcf: {  	[dreg:$0x1] =	wrdreg $0xFFFFFFFF  }
0xd0: {  	_ =	task.clear_ibuf [dreg:s22], $0x2FFFF;
	_ =	strace $0x9FFFFFFF  }
0xd1: {  	(tm) =	ssettm $0x7FFFFFFF  }
tec
execute0_lowered:
.L_overlay_start_1:
0x0: {  	(tag) =	ssettag $0x1  }
0x1: {  	s23 =	rddreg [dreg:$0x0];
	s1 =	stileid.u32  }
0x2: {  	s2 =	rddreg [dreg:$0x1];
	s4 =	smul.u32 $0x50000, s1  }
0x3: {  	s0 =	rddreg [dreg:$0x2];
	s3 =	simm.s32 $0x0  }
0x4: {  	[smem:$0x7FF] =	sst s3;
	s30 =	sshll.u32 s1, $0x6;
	s5 =	sshrl.u32 s4, $0x2  }
0x5: {  	_ =	strace $0x8000004A;
	s4 =	sadd.s32 $0x5D600, s23;
	s6 =	sadd.s32 s5, s2  }
0x6: {  	s5 =	sor.u32 $0x1C02, s30;
	s7 =	sshrl.u32 s6, $0x3;
	s6 =	simm.s32 $0x2  }
0x7: {  	[spmem:s7], [sflag:s5] =	dma.local [hbm:s4], $0x2800  }
0x8: {  	s9 =	srdreg.scid;
	_ =	swait.ge [sflag:s6], $0x2800  }
0x9: {  	s8 =	sadd.s32 $0xAFE00, s23;
	s24 =	sand.u32 $0x1, s9;
	[sflag:s6] =	ssyncset.done $0x0  }
0xa: {  	s9 =	simm.s32 $0x400;
	s10 =	sshll.u32 s24, $0x4;
	[sflag:s6] =	ssyncadd.s32 $0xFFFFD800  }
0xb: {  	[tilespmem:s9], [sflag:$0x2] =	stream.linear.gather [hbm4b:s8+s3], $0x4000, $0x38;
	[tilespmem:$0x18400] =	vst v63  }
0xc: {  	s19 =	sor.u32 s1, s10;
	_ =	swait.ge [sflag:s6], $0x4000  }
0xd: {  	s10 =	smul.u32 $0x280, s19;
	[sflag:s6] =	ssyncset.done $0x0  }
0xe: {  	s20 =	sadd.s32 $0x5400, s23;
	[sflag:s6] =	ssyncadd.s32 $0xFFFFC000  }
0xf: {  	s10 =	sadd.s32 s20, s10;
	[bflag:$0x0] =	sbarrier.arrive $0xFFFF  }
0x10: {  	[tilespmem:s3], [sflag:$0x2] =	stream.linear.gather [hbm4b:s10+s3], $0x400, $0x38;
	[tilespmem:$0x18400] =	vst v63  }
0x11: {  	_ =	swait.ge [sflag:s6], $0x400  }
0x12: {  	[sflag:s6] =	ssyncset.done $0x0  }
0x13: {  	s11 =	simm.s32 $0x80;
	[sflag:s6] =	ssyncadd.s32 $0xFFFFFC00  }
0x14: {  	[spmem:s2] =	stream.indirect.scatter.add.f32 [tilespmem:s9], [sflag:$0x1], $0x80, s3, s11, $0xb8;
	[tilespmem:$0x18400] =	vst v63  }
0x15: {  	_ = 	snop  }
0x16: {  	[spmem:s2] =	stream.indirect.scatter.add.f32 [tilespmem:s9], [sflag:$0x1], $0x80, s11, s11, $0xb8;
	[tilespmem:$0x18400] =	vst v63  }
0x17: {  	s12 =	simm.s32 $0x100  }
0x18: {  	[spmem:s2] =	stream.indirect.scatter.add.f32 [tilespmem:s9], [sflag:$0x1], $0x80, s12, s11, $0xb8;
	[tilespmem:$0x18400] =	vst v63  }
0x19: {  	s13 =	simm.s32 $0x180  }
0x1a: {  	[spmem:s2] =	stream.indirect.scatter.add.f32 [tilespmem:s9], [sflag:$0x1], $0x80, s13, s11, $0xb8;
	[tilespmem:$0x18400] =	vst v63  }
0x1b: {  	s14 =	simm.s32 $0x200  }
0x1c: {  	[spmem:s2] =	stream.indirect.scatter.add.f32 [tilespmem:s9], [sflag:$0x1], $0x80, s14, s11, $0xb8;
	[tilespmem:$0x18400] =	vst v63  }
0x1d: {  	s15 =	simm.s32 $0x280  }
0x1e: {  	[spmem:s2] =	stream.indirect.scatter.add.f32 [tilespmem:s9], [sflag:$0x1], $0x80, s15, s11, $0xb8;
	[tilespmem:$0x18400] =	vst v63  }
0x1f: {  	s16 =	simm.s32 $0x300  }
0x20: {  	[spmem:s2] =	stream.indirect.scatter.add.f32 [tilespmem:s9], [sflag:$0x1], $0x80, s16, s11, $0xb8;
	[tilespmem:$0x18400] =	vst v63  }
0x21: {  	s17 =	simm.s32 $0x380;
	s18 =	simm.s32 $0x1  }
0x22: {  	[spmem:s2] =	stream.indirect.scatter.add.f32 [tilespmem:s9], [sflag:$0x1], $0x80, s17, s11, $0xb8;
	[tilespmem:$0x18400] =	vst v63  }
0x23: {  	_ =	swait.ge [sflag:s18], $0x4000  }
0x24: {  	[sflag:s18] =	ssyncset.done $0x0  }
0x25: {  	[sflag:s18] =	ssyncadd.s32 $0xFFFFC000  }
0x26: {  	_ =	swait.ge [sflag:s18], $0x4000  }
0x27: {  	[sflag:s18] =	ssyncset.done $0x0  }
0x28: {  	[sflag:s18] =	ssyncadd.s32 $0xFFFFC000  }
0x29: {  	_ =	swait.ge [sflag:s18], $0x4000  }
0x2a: {  	[sflag:s18] =	ssyncset.done $0x0  }
0x2b: {  	[sflag:s18] =	ssyncadd.s32 $0xFFFFC000  }
0x2c: {  	_ =	swait.ge [sflag:s18], $0x4000  }
0x2d: {  	[sflag:s18] =	ssyncset.done $0x0  }
0x2e: {  	[sflag:s18] =	ssyncadd.s32 $0xFFFFC000  }
0x2f: {  	_ =	swait.ge [sflag:s18], $0x4000  }
0x30: {  	[sflag:s18] =	ssyncset.done $0x0  }
0x31: {  	[sflag:s18] =	ssyncadd.s32 $0xFFFFC000  }
0x32: {  	_ =	swait.ge [sflag:s18], $0x4000  }
0x33: {  	[sflag:s18] =	ssyncset.done $0x0  }
0x34: {  	[sflag:s18] =	ssyncadd.s32 $0xFFFFC000  }
0x35: {  	_ =	swait.ge [sflag:s18], $0x4000  }
0x36: {  	s19 =	smul.u32 $0x1400, s19;
	[sflag:s18] =	ssyncset.done $0x0  }
0x37: {  	[sflag:s18] =	ssyncadd.s32 $0xFFFFC000  }
0x38: {  	s19 =	sshrl.u32 s19, $0x3;
	_ =	swait.ge [sflag:s18], $0x4000  }
0x39: {  	s22 =	sadd.s32 s20, s19;
	[sflag:s18] =	ssyncset.done $0x0  }
0x3a: {  	s19 =	sadd.s32 $0x80, s22;
	[sflag:s18] =	ssyncadd.s32 $0xFFFFC000  }
0x3b: {  	[tilespmem:s3], [sflag:$0x2] =	stream.linear.gather [hbm4b:s19+s3], $0x400, $0x38;
	[tilespmem:$0x18400] =	vst v63  }
0x3c: {  	_ =	swait.ge [sflag:s6], $0x400  }
0x3d: {  	[sflag:s6] =	ssyncset.done $0x0  }
0x3e: {  	[sflag:s6] =	ssyncadd.s32 $0xFFFFFC00  }
0x3f: {  	[spmem:s2] =	stream.indirect.scatter.add.f32 [tilespmem:s9], [sflag:$0x1], $0x80, s3, s11, $0xb8;
	[tilespmem:$0x18400] =	vst v63  }
0x40: {  	_ = 	snop  }
0x41: {  	[spmem:s2] =	stream.indirect.scatter.add.f32 [tilespmem:s9], [sflag:$0x1], $0x80, s11, s11, $0xb8;
	[tilespmem:$0x18400] =	vst v63  }
0x42: {  	_ = 	snop  }
0x43: {  	[spmem:s2] =	stream.indirect.scatter.add.f32 [tilespmem:s9], [sflag:$0x1], $0x80, s12, s11, $0xb8;
	[tilespmem:$0x18400] =	vst v63  }
0x44: {  	_ = 	snop  }
0x45: {  	[spmem:s2] =	stream.indirect.scatter.add.f32 [tilespmem:s9], [sflag:$0x1], $0x80, s13, s11, $0xb8;
	[tilespmem:$0x18400] =	vst v63  }
0x46: {  	_ = 	snop  }
0x47: {  	[spmem:s2] =	stream.indirect.scatter.add.f32 [tilespmem:s9], [sflag:$0x1], $0x80, s14, s11, $0xb8;
	[tilespmem:$0x18400] =	vst v63  }
0x48: {  	_ = 	snop  }
0x49: {  	[spmem:s2] =	stream.indirect.scatter.add.f32 [tilespmem:s9], [sflag:$0x1], $0x80, s15, s11, $0xb8;
	[tilespmem:$0x18400] =	vst v63  }
0x4a: {  	_ = 	snop  }
0x4b: {  	[spmem:s2] =	stream.indirect.scatter.add.f32 [tilespmem:s9], [sflag:$0x1], $0x80, s16, s11, $0xb8;
	[tilespmem:$0x18400] =	vst v63  }
0x4c: {  	_ = 	snop  }
0x4d: {  	[spmem:s2] =	stream.indirect.scatter.add.f32 [tilespmem:s9], [sflag:$0x1], $0x80, s17, s11, $0xb8;
	[tilespmem:$0x18400] =	vst v63  }
0x4e: {  	_ =	swait.ge [sflag:s18], $0x4000  }
0x4f: {  	[sflag:s18] =	ssyncset.done $0x0  }
0x50: {  	[sflag:s18] =	ssyncadd.s32 $0xFFFFC000  }
0x51: {  	_ =	swait.ge [sflag:s18], $0x4000  }
0x52: {  	[sflag:s18] =	ssyncset.done $0x0  }
0x53: {  	[sflag:s18] =	ssyncadd.s32 $0xFFFFC000  }
0x54: {  	_ =	swait.ge [sflag:s18], $0x4000  }
0x55: {  	[sflag:s18] =	ssyncset.done $0x0  }
0x56: {  	[sflag:s18] =	ssyncadd.s32 $0xFFFFC000  }
0x57: {  	_ =	swait.ge [sflag:s18], $0x4000  }
0x58: {  	[sflag:s18] =	ssyncset.done $0x0  }
0x59: {  	[sflag:s18] =	ssyncadd.s32 $0xFFFFC000  }
0x5a: {  	_ =	swait.ge [sflag:s18], $0x4000  }
0x5b: {  	[sflag:s18] =	ssyncset.done $0x0  }
0x5c: {  	[sflag:s18] =	ssyncadd.s32 $0xFFFFC000  }
0x5d: {  	_ =	swait.ge [sflag:s18], $0x4000  }
0x5e: {  	[sflag:s18] =	ssyncset.done $0x0  }
0x5f: {  	[sflag:s18] =	ssyncadd.s32 $0xFFFFC000  }
0x60: {  	_ =	swait.ge [sflag:s18], $0x4000  }
0x61: {  	[sflag:s18] =	ssyncset.done $0x0  }
0x62: {  	[sflag:s18] =	ssyncadd.s32 $0xFFFFC000  }
0x63: {  	_ =	swait.ge [sflag:s18], $0x4000  }
0x64: {  	[sflag:s18] =	ssyncset.done $0x0  }
0x65: {  	s20 =	sadd.s32 $0x100, s22;
	[sflag:s18] =	ssyncadd.s32 $0xFFFFC000  }
0x66: {  	[tilespmem:s3], [sflag:$0x2] =	stream.linear.gather [hbm4b:s20+s3], $0x400, $0x38;
	[tilespmem:$0x18400] =	vst v63  }
0x67: {  	_ =	swait.ge [sflag:s6], $0x400  }
0x68: {  	[sflag:s6] =	ssyncset.done $0x0  }
0x69: {  	[sflag:s6] =	ssyncadd.s32 $0xFFFFFC00  }
0x6a: {  	[spmem:s2] =	stream.indirect.scatter.add.f32 [tilespmem:s9], [sflag:$0x1], $0x80, s3, s11, $0xb8;
	[tilespmem:$0x18400] =	vst v63  }
0x6b: {  	_ = 	snop  }
0x6c: {  	[spmem:s2] =	stream.indirect.scatter.add.f32 [tilespmem:s9], [sflag:$0x1], $0x80, s11, s11, $0xb8;
	[tilespmem:$0x18400] =	vst v63  }
0x6d: {  	_ = 	snop  }
0x6e: {  	[spmem:s2] =	stream.indirect.scatter.add.f32 [tilespmem:s9], [sflag:$0x1], $0x80, s12, s11, $0xb8;
	[tilespmem:$0x18400] =	vst v63  }
0x6f: {  	_ = 	snop  }
0x70: {  	[spmem:s2] =	stream.indirect.scatter.add.f32 [tilespmem:s9], [sflag:$0x1], $0x80, s13, s11, $0xb8;
	[tilespmem:$0x18400] =	vst v63  }
0x71: {  	_ = 	snop  }
0x72: {  	[spmem:s2] =	stream.indirect.scatter.add.f32 [tilespmem:s9], [sflag:$0x1], $0x80, s14, s11, $0xb8;
	[tilespmem:$0x18400] =	vst v63  }
0x73: {  	_ = 	snop  }
0x74: {  	[spmem:s2] =	stream.indirect.scatter.add.f32 [tilespmem:s9], [sflag:$0x1], $0x80, s15, s11, $0xb8;
	[tilespmem:$0x18400] =	vst v63  }
0x75: {  	_ = 	snop  }
0x76: {  	[spmem:s2] =	stream.indirect.scatter.add.f32 [tilespmem:s9], [sflag:$0x1], $0x80, s16, s11, $0xb8;
	[tilespmem:$0x18400] =	vst v63  }
0x77: {  	_ = 	snop  }
0x78: {  	[spmem:s2] =	stream.indirect.scatter.add.f32 [tilespmem:s9], [sflag:$0x1], $0x80, s17, s11, $0xb8;
	[tilespmem:$0x18400] =	vst v63  }
0x79: {  	_ =	swait.ge [sflag:s18], $0x4000  }
0x7a: {  	[sflag:s18] =	ssyncset.done $0x0  }
0x7b: {  	[sflag:s18] =	ssyncadd.s32 $0xFFFFC000  }
0x7c: {  	_ =	swait.ge [sflag:s18], $0x4000  }
0x7d: {  	[sflag:s18] =	ssyncset.done $0x0  }
0x7e: {  	[sflag:s18] =	ssyncadd.s32 $0xFFFFC000  }
0x7f: {  	_ =	swait.ge [sflag:s18], $0x4000  }
0x80: {  	[sflag:s18] =	ssyncset.done $0x0  }
0x81: {  	[sflag:s18] =	ssyncadd.s32 $0xFFFFC000  }
0x82: {  	_ =	swait.ge [sflag:s18], $0x4000  }
0x83: {  	[sflag:s18] =	ssyncset.done $0x0  }
0x84: {  	[sflag:s18] =	ssyncadd.s32 $0xFFFFC000  }
0x85: {  	_ =	swait.ge [sflag:s18], $0x4000  }
0x86: {  	[sflag:s18] =	ssyncset.done $0x0  }
0x87: {  	[sflag:s18] =	ssyncadd.s32 $0xFFFFC000  }
0x88: {  	_ =	swait.ge [sflag:s18], $0x4000  }
0x89: {  	[sflag:s18] =	ssyncset.done $0x0  }
0x8a: {  	[sflag:s18] =	ssyncadd.s32 $0xFFFFC000  }
0x8b: {  	_ =	swait.ge [sflag:s18], $0x4000  }
0x8c: {  	[sflag:s18] =	ssyncset.done $0x0  }
0x8d: {  	[sflag:s18] =	ssyncadd.s32 $0xFFFFC000  }
0x8e: {  	_ =	swait.ge [sflag:s18], $0x4000  }
0x8f: {  	[sflag:s18] =	ssyncset.done $0x0  }
0x90: {  	s21 =	sadd.s32 $0x180, s22;
	[sflag:s18] =	ssyncadd.s32 $0xFFFFC000  }
0x91: {  	[tilespmem:s3], [sflag:$0x2] =	stream.linear.gather [hbm4b:s21+s3], $0x400, $0x38;
	[tilespmem:$0x18400] =	vst v63  }
0x92: {  	_ =	swait.ge [sflag:s6], $0x400  }
0x93: {  	[sflag:s6] =	ssyncset.done $0x0  }
0x94: {  	[sflag:s6] =	ssyncadd.s32 $0xFFFFFC00  }
0x95: {  	[spmem:s2] =	stream.indirect.scatter.add.f32 [tilespmem:s9], [sflag:$0x1], $0x80, s3, s11, $0xb8;
	[tilespmem:$0x18400] =	vst v63  }
0x96: {  	_ = 	snop  }
0x97: {  	[spmem:s2] =	stream.indirect.scatter.add.f32 [tilespmem:s9], [sflag:$0x1], $0x80, s11, s11, $0xb8;
	[tilespmem:$0x18400] =	vst v63  }
0x98: {  	_ = 	snop  }
0x99: {  	[spmem:s2] =	stream.indirect.scatter.add.f32 [tilespmem:s9], [sflag:$0x1], $0x80, s12, s11, $0xb8;
	[tilespmem:$0x18400] =	vst v63  }
0x9a: {  	_ = 	snop  }
0x9b: {  	[spmem:s2] =	stream.indirect.scatter.add.f32 [tilespmem:s9], [sflag:$0x1], $0x80, s13, s11, $0xb8;
	[tilespmem:$0x18400] =	vst v63  }
0x9c: {  	_ = 	snop  }
0x9d: {  	[spmem:s2] =	stream.indirect.scatter.add.f32 [tilespmem:s9], [sflag:$0x1], $0x80, s14, s11, $0xb8;
	[tilespmem:$0x18400] =	vst v63  }
0x9e: {  	_ = 	snop  }
0x9f: {  	[spmem:s2] =	stream.indirect.scatter.add.f32 [tilespmem:s9], [sflag:$0x1], $0x80, s15, s11, $0xb8;
	[tilespmem:$0x18400] =	vst v63  }
0xa0: {  	_ = 	snop  }
0xa1: {  	[spmem:s2] =	stream.indirect.scatter.add.f32 [tilespmem:s9], [sflag:$0x1], $0x80, s16, s11, $0xb8;
	[tilespmem:$0x18400] =	vst v63  }
0xa2: {  	_ = 	snop  }
0xa3: {  	[spmem:s2] =	stream.indirect.scatter.add.f32 [tilespmem:s9], [sflag:$0x1], $0x80, s17, s11, $0xb8;
	[tilespmem:$0x18400] =	vst v63  }
0xa4: {  	_ =	swait.ge [sflag:s18], $0x4000  }
0xa5: {  	[sflag:s18] =	ssyncset.done $0x0  }
0xa6: {  	[sflag:s18] =	ssyncadd.s32 $0xFFFFC000  }
0xa7: {  	_ =	swait.ge [sflag:s18], $0x4000  }
0xa8: {  	[sflag:s18] =	ssyncset.done $0x0  }
0xa9: {  	[sflag:s18] =	ssyncadd.s32 $0xFFFFC000  }
0xaa: {  	_ =	swait.ge [sflag:s18], $0x4000  }
0xab: {  	[sflag:s18] =	ssyncset.done $0x0  }
0xac: {  	[sflag:s18] =	ssyncadd.s32 $0xFFFFC000  }
0xad: {  	_ =	swait.ge [sflag:s18], $0x4000  }
0xae: {  	[sflag:s18] =	ssyncset.done $0x0  }
0xaf: {  	[sflag:s18] =	ssyncadd.s32 $0xFFFFC000  }
0xb0: {  	_ =	swait.ge [sflag:s18], $0x4000  }
0xb1: {  	[sflag:s18] =	ssyncset.done $0x0  }
0xb2: {  	[sflag:s18] =	ssyncadd.s32 $0xFFFFC000  }
0xb3: {  	_ =	swait.ge [sflag:s18], $0x4000  }
0xb4: {  	[sflag:s18] =	ssyncset.done $0x0  }
0xb5: {  	[sflag:s18] =	ssyncadd.s32 $0xFFFFC000  }
0xb6: {  	_ =	swait.ge [sflag:s18], $0x4000  }
0xb7: {  	[sflag:s18] =	ssyncset.done $0x0  }
0xb8: {  	[sflag:s18] =	ssyncadd.s32 $0xFFFFC000  }
0xb9: {  	_ =	swait.ge [sflag:s18], $0x4000  }
0xba: {  	[sflag:s18] =	ssyncset.done $0x0  }
0xbb: {  	s22 =	sadd.s32 $0x200, s22;
	[sflag:s18] =	ssyncadd.s32 $0xFFFFC000  }
0xbc: {  	[tilespmem:s3], [sflag:$0x2] =	stream.linear.gather [hbm4b:s22+s3], $0x400, $0x38;
	[tilespmem:$0x18400] =	vst v63  }
0xbd: {  	_ =	swait.ge [sflag:s6], $0x400  }
0xbe: {  	[sflag:s6] =	ssyncset.done $0x0  }
0xbf: {  	[sflag:s6] =	ssyncadd.s32 $0xFFFFFC00  }
0xc0: {  	[spmem:s2] =	stream.indirect.scatter.add.f32 [tilespmem:s9], [sflag:$0x1], $0x80, s3, s11, $0xb8;
	[tilespmem:$0x18400] =	vst v63  }
0xc1: {  	_ = 	snop  }
0xc2: {  	[spmem:s2] =	stream.indirect.scatter.add.f32 [tilespmem:s9], [sflag:$0x1], $0x80, s11, s11, $0xb8;
	[tilespmem:$0x18400] =	vst v63  }
0xc3: {  	_ = 	snop  }
0xc4: {  	[spmem:s2] =	stream.indirect.scatter.add.f32 [tilespmem:s9], [sflag:$0x1], $0x80, s12, s11, $0xb8;
	[tilespmem:$0x18400] =	vst v63  }
0xc5: {  	_ = 	snop  }
0xc6: {  	[spmem:s2] =	stream.indirect.scatter.add.f32 [tilespmem:s9], [sflag:$0x1], $0x80, s13, s11, $0xb8;
	[tilespmem:$0x18400] =	vst v63  }
0xc7: {  	_ = 	snop  }
0xc8: {  	[spmem:s2] =	stream.indirect.scatter.add.f32 [tilespmem:s9], [sflag:$0x1], $0x80, s14, s11, $0xb8;
	[tilespmem:$0x18400] =	vst v63  }
0xc9: {  	_ = 	snop  }
0xca: {  	[spmem:s2] =	stream.indirect.scatter.add.f32 [tilespmem:s9], [sflag:$0x1], $0x80, s15, s11, $0xb8;
	[tilespmem:$0x18400] =	vst v63  }
0xcb: {  	_ = 	snop  }
0xcc: {  	[spmem:s2] =	stream.indirect.scatter.add.f32 [tilespmem:s9], [sflag:$0x1], $0x80, s16, s11, $0xb8;
	[tilespmem:$0x18400] =	vst v63  }
0xcd: {  	_ = 	snop  }
0xce: {  	[spmem:s2] =	stream.indirect.scatter.add.f32 [tilespmem:s9], [sflag:$0x1], $0x80, s17, s11, $0xb8;
	[tilespmem:$0x18400] =	vst v63  }
0xcf: {  	_ =	swait.ge [sflag:s18], $0x4000  }
0xd0: {  	[sflag:s18] =	ssyncset.done $0x0  }
0xd1: {  	[sflag:s18] =	ssyncadd.s32 $0xFFFFC000  }
0xd2: {  	_ =	swait.ge [sflag:s18], $0x4000  }
0xd3: {  	[sflag:s18] =	ssyncset.done $0x0  }
0xd4: {  	[sflag:s18] =	ssyncadd.s32 $0xFFFFC000  }
0xd5: {  	_ =	swait.ge [sflag:s18], $0x4000  }
0xd6: {  	[sflag:s18] =	ssyncset.done $0x0  }
0xd7: {  	[sflag:s18] =	ssyncadd.s32 $0xFFFFC000  }
0xd8: {  	_ =	swait.ge [sflag:s18], $0x4000  }
0xd9: {  	[sflag:s18] =	ssyncset.done $0x0  }
0xda: {  	[sflag:s18] =	ssyncadd.s32 $0xFFFFC000  }
0xdb: {  	_ =	swait.ge [sflag:s18], $0x4000  }
0xdc: {  	[sflag:s18] =	ssyncset.done $0x0  }
0xdd: {  	[sflag:s18] =	ssyncadd.s32 $0xFFFFC000  }
0xde: {  	_ =	swait.ge [sflag:s18], $0x4000  }
0xdf: {  	[sflag:s18] =	ssyncset.done $0x0  }
0xe0: {  	[sflag:s18] =	ssyncadd.s32 $0xFFFFC000  }
0xe1: {  	s26 =	smul.u32 $0x28000, s24;
	s24 =	ssub.s32 $0x2, s24;
	_ =	swait.ge [sflag:s18], $0x4000  }
0xe2: {  	s31 =	sshrl.u32 s24, $0x1;
	[sflag:s18] =	ssyncset.done $0x0  }
0xe3: {  	s25 =	smul.u32 $0x2800, s1;
	s24 =	ssub.s32 s24, s31;
	[sflag:s18] =	ssyncadd.s32 $0xFFFFC000  }
0xe4: {  	s24 =	smax.u32 s24, $0x1;
	_ =	swait.ge [sflag:s18], $0x4000  }
0xe5: {  	s25 =	sadd.s32 s25, s26;
	p0 =	sne.s32 s24, $0x1;
	[sflag:s18] =	ssyncset.done $0x0  }
.Ltmp0:
0xe6: {  	s23 =	sadd.s32 s25, s23;
	[sflag:s18] =	ssyncadd.s32 $0xFFFFC000;
	(pc) =	sbr.rel @!p0 .LBB2_2-.Ltmp0, $4  }
0xe7: {  	s23 =	sadd.s32 $0xB0600, s23;
	[bflag:$0x0] =	sbarrier.arrive $0xFFFF  }
0xe8: {  	[hbm:s23], [sflag:s5] =	dma.local [spmem:s7], $0x2800  }
0xe9: {  	_ =	swait.ge [sflag:s6], $0x2800  }
0xea: {  	s24 =	sadd.s32 $0xFFFFFFFF, s24;
	[sflag:s6] =	ssyncset.done $0x0  }
.LBB2_1:
0xeb: {  	p0 =	sne.s32 s24, $0x1;
	s24 =	sadd.s32 $0xFFFFFFFF, s24;
	[sflag:s6] =	ssyncadd.s32 $0xFFFFD800  }
0xec: {  	[spmem:s7], [sflag:s5] =	dma.local [hbm:s4], $0x2800  }
0xed: {  	_ =	swait.ge [sflag:s6], $0x2800  }
0xee: {  	[sflag:s6] =	ssyncset.done $0x0  }
0xef: {  	[sflag:s6] =	ssyncadd.s32 $0xFFFFD800  }
0xf0: {  	[tilespmem:s9], [sflag:$0x2] =	stream.linear.gather [hbm4b:s8+s3], $0x4000, $0x38;
	[tilespmem:$0x18400] =	vst v63  }
0xf1: {  	_ =	swait.ge [sflag:s6], $0x4000  }
0xf2: {  	[sflag:s6] =	ssyncset.done $0x0  }
0xf3: {  	[sflag:s6] =	ssyncadd.s32 $0xFFFFC000  }
0xf4: {  	[bflag:$0x0] =	sbarrier.arrive $0xFFFF  }
0xf5: {  	[tilespmem:s3], [sflag:$0x2] =	stream.linear.gather [hbm4b:s10+s3], $0x400, $0x38;
	[tilespmem:$0x18400] =	vst v63  }
0xf6: {  	_ =	swait.ge [sflag:s6], $0x400  }
0xf7: {  	[sflag:s6] =	ssyncset.done $0x0  }
0xf8: {  	[sflag:s6] =	ssyncadd.s32 $0xFFFFFC00  }
0xf9: {  	[spmem:s2] =	stream.indirect.scatter.add.f32 [tilespmem:s9], [sflag:$0x1], $0x80, s3, s11, $0xb8;
	[tilespmem:$0x18400] =	vst v63  }
0xfa: {  	_ = 	snop  }
0xfb: {  	[spmem:s2] =	stream.indirect.scatter.add.f32 [tilespmem:s9], [sflag:$0x1], $0x80, s11, s11, $0xb8;
	[tilespmem:$0x18400] =	vst v63  }
0xfc: {  	_ = 	snop  }
0xfd: {  	[spmem:s2] =	stream.indirect.scatter.add.f32 [tilespmem:s9], [sflag:$0x1], $0x80, s12, s11, $0xb8;
	[tilespmem:$0x18400] =	vst v63  }
0xfe: {  	_ = 	snop  }
0xff: {  	[spmem:s2] =	stream.indirect.scatter.add.f32 [tilespmem:s9], [sflag:$0x1], $0x80, s13, s11, $0xb8;
	[tilespmem:$0x18400] =	vst v63  }
0x100: {  	_ = 	snop  }
0x101: {  	[spmem:s2] =	stream.indirect.scatter.add.f32 [tilespmem:s9], [sflag:$0x1], $0x80, s14, s11, $0xb8;
	[tilespmem:$0x18400] =	vst v63  }
0x102: {  	_ = 	snop  }
0x103: {  	[spmem:s2] =	stream.indirect.scatter.add.f32 [tilespmem:s9], [sflag:$0x1], $0x80, s15, s11, $0xb8;
	[tilespmem:$0x18400] =	vst v63  }
0x104: {  	_ = 	snop  }
0x105: {  	[spmem:s2] =	stream.indirect.scatter.add.f32 [tilespmem:s9], [sflag:$0x1], $0x80, s16, s11, $0xb8;
	[tilespmem:$0x18400] =	vst v63  }
0x106: {  	_ = 	snop  }
0x107: {  	[spmem:s2] =	stream.indirect.scatter.add.f32 [tilespmem:s9], [sflag:$0x1], $0x80, s17, s11, $0xb8;
	[tilespmem:$0x18400] =	vst v63  }
0x108: {  	_ =	swait.ge [sflag:s18], $0x4000  }
0x109: {  	[sflag:s18] =	ssyncset.done $0x0  }
0x10a: {  	[sflag:s18] =	ssyncadd.s32 $0xFFFFC000  }
0x10b: {  	_ =	swait.ge [sflag:s18], $0x4000  }
0x10c: {  	[sflag:s18] =	ssyncset.done $0x0  }
0x10d: {  	[sflag:s18] =	ssyncadd.s32 $0xFFFFC000  }
0x10e: {  	_ =	swait.ge [sflag:s18], $0x4000  }
0x10f: {  	[sflag:s18] =	ssyncset.done $0x0  }
0x110: {  	[sflag:s18] =	ssyncadd.s32 $0xFFFFC000  }
0x111: {  	_ =	swait.ge [sflag:s18], $0x4000  }
0x112: {  	[sflag:s18] =	ssyncset.done $0x0  }
0x113: {  	[sflag:s18] =	ssyncadd.s32 $0xFFFFC000  }
0x114: {  	_ =	swait.ge [sflag:s18], $0x4000  }
0x115: {  	[sflag:s18] =	ssyncset.done $0x0  }
0x116: {  	[sflag:s18] =	ssyncadd.s32 $0xFFFFC000  }
0x117: {  	_ =	swait.ge [sflag:s18], $0x4000  }
0x118: {  	[sflag:s18] =	ssyncset.done $0x0  }
0x119: {  	[sflag:s18] =	ssyncadd.s32 $0xFFFFC000  }
0x11a: {  	_ =	swait.ge [sflag:s18], $0x4000  }
0x11b: {  	[sflag:s18] =	ssyncset.done $0x0  }
0x11c: {  	[sflag:s18] =	ssyncadd.s32 $0xFFFFC000  }
0x11d: {  	_ =	swait.ge [sflag:s18], $0x4000  }
0x11e: {  	[sflag:s18] =	ssyncset.done $0x0  }
0x11f: {  	[sflag:s18] =	ssyncadd.s32 $0xFFFFC000  }
0x120: {  	[tilespmem:s3], [sflag:$0x2] =	stream.linear.gather [hbm4b:s19+s3], $0x400, $0x38;
	[tilespmem:$0x18400] =	vst v63  }
0x121: {  	_ =	swait.ge [sflag:s6], $0x400  }
0x122: {  	[sflag:s6] =	ssyncset.done $0x0  }
0x123: {  	[sflag:s6] =	ssyncadd.s32 $0xFFFFFC00  }
0x124: {  	[spmem:s2] =	stream.indirect.scatter.add.f32 [tilespmem:s9], [sflag:$0x1], $0x80, s3, s11, $0xb8;
	[tilespmem:$0x18400] =	vst v63  }
0x125: {  	_ = 	snop  }
0x126: {  	[spmem:s2] =	stream.indirect.scatter.add.f32 [tilespmem:s9], [sflag:$0x1], $0x80, s11, s11, $0xb8;
	[tilespmem:$0x18400] =	vst v63  }
0x127: {  	_ = 	snop  }
0x128: {  	[spmem:s2] =	stream.indirect.scatter.add.f32 [tilespmem:s9], [sflag:$0x1], $0x80, s12, s11, $0xb8;
	[tilespmem:$0x18400] =	vst v63  }
0x129: {  	_ = 	snop  }
0x12a: {  	[spmem:s2] =	stream.indirect.scatter.add.f32 [tilespmem:s9], [sflag:$0x1], $0x80, s13, s11, $0xb8;
	[tilespmem:$0x18400] =	vst v63  }
0x12b: {  	_ = 	snop  }
0x12c: {  	[spmem:s2] =	stream.indirect.scatter.add.f32 [tilespmem:s9], [sflag:$0x1], $0x80, s14, s11, $0xb8;
	[tilespmem:$0x18400] =	vst v63  }
0x12d: {  	_ = 	snop  }
0x12e: {  	[spmem:s2] =	stream.indirect.scatter.add.f32 [tilespmem:s9], [sflag:$0x1], $0x80, s15, s11, $0xb8;
	[tilespmem:$0x18400] =	vst v63  }
0x12f: {  	_ = 	snop  }
0x130: {  	[spmem:s2] =	stream.indirect.scatter.add.f32 [tilespmem:s9], [sflag:$0x1], $0x80, s16, s11, $0xb8;
	[tilespmem:$0x18400] =	vst v63  }
0x131: {  	_ = 	snop  }
0x132: {  	[spmem:s2] =	stream.indirect.scatter.add.f32 [tilespmem:s9], [sflag:$0x1], $0x80, s17, s11, $0xb8;
	[tilespmem:$0x18400] =	vst v63  }
0x133: {  	_ =	swait.ge [sflag:s18], $0x4000  }
0x134: {  	[sflag:s18] =	ssyncset.done $0x0  }
0x135: {  	[sflag:s18] =	ssyncadd.s32 $0xFFFFC000  }
0x136: {  	_ =	swait.ge [sflag:s18], $0x4000  }
0x137: {  	[sflag:s18] =	ssyncset.done $0x0  }
0x138: {  	[sflag:s18] =	ssyncadd.s32 $0xFFFFC000  }
0x139: {  	_ =	swait.ge [sflag:s18], $0x4000  }
0x13a: {  	[sflag:s18] =	ssyncset.done $0x0  }
0x13b: {  	[sflag:s18] =	ssyncadd.s32 $0xFFFFC000  }
0x13c: {  	_ =	swait.ge [sflag:s18], $0x4000  }
0x13d: {  	[sflag:s18] =	ssyncset.done $0x0  }
0x13e: {  	[sflag:s18] =	ssyncadd.s32 $0xFFFFC000  }
0x13f: {  	_ =	swait.ge [sflag:s18], $0x4000  }
0x140: {  	[sflag:s18] =	ssyncset.done $0x0  }
0x141: {  	[sflag:s18] =	ssyncadd.s32 $0xFFFFC000  }
0x142: {  	_ =	swait.ge [sflag:s18], $0x4000  }
0x143: {  	[sflag:s18] =	ssyncset.done $0x0  }
0x144: {  	[sflag:s18] =	ssyncadd.s32 $0xFFFFC000  }
0x145: {  	_ =	swait.ge [sflag:s18], $0x4000  }
0x146: {  	[sflag:s18] =	ssyncset.done $0x0  }
0x147: {  	[sflag:s18] =	ssyncadd.s32 $0xFFFFC000  }
0x148: {  	_ =	swait.ge [sflag:s18], $0x4000  }
0x149: {  	[sflag:s18] =	ssyncset.done $0x0  }
0x14a: {  	[sflag:s18] =	ssyncadd.s32 $0xFFFFC000  }
0x14b: {  	[tilespmem:s3], [sflag:$0x2] =	stream.linear.gather [hbm4b:s20+s3], $0x400, $0x38;
	[tilespmem:$0x18400] =	vst v63  }
0x14c: {  	_ =	swait.ge [sflag:s6], $0x400  }
0x14d: {  	[sflag:s6] =	ssyncset.done $0x0  }
0x14e: {  	[sflag:s6] =	ssyncadd.s32 $0xFFFFFC00  }
0x14f: {  	[spmem:s2] =	stream.indirect.scatter.add.f32 [tilespmem:s9], [sflag:$0x1], $0x80, s3, s11, $0xb8;
	[tilespmem:$0x18400] =	vst v63  }
0x150: {  	_ = 	snop  }
0x151: {  	[spmem:s2] =	stream.indirect.scatter.add.f32 [tilespmem:s9], [sflag:$0x1], $0x80, s11, s11, $0xb8;
	[tilespmem:$0x18400] =	vst v63  }
0x152: {  	_ = 	snop  }
0x153: {  	[spmem:s2] =	stream.indirect.scatter.add.f32 [tilespmem:s9], [sflag:$0x1], $0x80, s12, s11, $0xb8;
	[tilespmem:$0x18400] =	vst v63  }
0x154: {  	_ = 	snop  }
0x155: {  	[spmem:s2] =	stream.indirect.scatter.add.f32 [tilespmem:s9], [sflag:$0x1], $0x80, s13, s11, $0xb8;
	[tilespmem:$0x18400] =	vst v63  }
0x156: {  	_ = 	snop  }
0x157: {  	[spmem:s2] =	stream.indirect.scatter.add.f32 [tilespmem:s9], [sflag:$0x1], $0x80, s14, s11, $0xb8;
	[tilespmem:$0x18400] =	vst v63  }
0x158: {  	_ = 	snop  }
0x159: {  	[spmem:s2] =	stream.indirect.scatter.add.f32 [tilespmem:s9], [sflag:$0x1], $0x80, s15, s11, $0xb8;
	[tilespmem:$0x18400] =	vst v63  }
0x15a: {  	_ = 	snop  }
0x15b: {  	[spmem:s2] =	stream.indirect.scatter.add.f32 [tilespmem:s9], [sflag:$0x1], $0x80, s16, s11, $0xb8;
	[tilespmem:$0x18400] =	vst v63  }
0x15c: {  	_ = 	snop  }
0x15d: {  	[spmem:s2] =	stream.indirect.scatter.add.f32 [tilespmem:s9], [sflag:$0x1], $0x80, s17, s11, $0xb8;
	[tilespmem:$0x18400] =	vst v63  }
0x15e: {  	_ =	swait.ge [sflag:s18], $0x4000  }
0x15f: {  	[sflag:s18] =	ssyncset.done $0x0  }
0x160: {  	[sflag:s18] =	ssyncadd.s32 $0xFFFFC000  }
0x161: {  	_ =	swait.ge [sflag:s18], $0x4000  }
0x162: {  	[sflag:s18] =	ssyncset.done $0x0  }
0x163: {  	[sflag:s18] =	ssyncadd.s32 $0xFFFFC000  }
0x164: {  	_ =	swait.ge [sflag:s18], $0x4000  }
0x165: {  	[sflag:s18] =	ssyncset.done $0x0  }
0x166: {  	[sflag:s18] =	ssyncadd.s32 $0xFFFFC000  }
0x167: {  	_ =	swait.ge [sflag:s18], $0x4000  }
0x168: {  	[sflag:s18] =	ssyncset.done $0x0  }
0x169: {  	[sflag:s18] =	ssyncadd.s32 $0xFFFFC000  }
0x16a: {  	_ =	swait.ge [sflag:s18], $0x4000  }
0x16b: {  	[sflag:s18] =	ssyncset.done $0x0  }
0x16c: {  	[sflag:s18] =	ssyncadd.s32 $0xFFFFC000  }
0x16d: {  	_ =	swait.ge [sflag:s18], $0x4000  }
0x16e: {  	[sflag:s18] =	ssyncset.done $0x0  }
0x16f: {  	[sflag:s18] =	ssyncadd.s32 $0xFFFFC000  }
0x170: {  	_ =	swait.ge [sflag:s18], $0x4000  }
0x171: {  	[sflag:s18] =	ssyncset.done $0x0  }
0x172: {  	[sflag:s18] =	ssyncadd.s32 $0xFFFFC000  }
0x173: {  	_ =	swait.ge [sflag:s18], $0x4000  }
0x174: {  	[sflag:s18] =	ssyncset.done $0x0  }
0x175: {  	[sflag:s18] =	ssyncadd.s32 $0xFFFFC000  }
0x176: {  	[tilespmem:s3], [sflag:$0x2] =	stream.linear.gather [hbm4b:s21+s3], $0x400, $0x38;
	[tilespmem:$0x18400] =	vst v63  }
0x177: {  	_ =	swait.ge [sflag:s6], $0x400  }
0x178: {  	[sflag:s6] =	ssyncset.done $0x0  }
0x179: {  	[sflag:s6] =	ssyncadd.s32 $0xFFFFFC00  }
0x17a: {  	[spmem:s2] =	stream.indirect.scatter.add.f32 [tilespmem:s9], [sflag:$0x1], $0x80, s3, s11, $0xb8;
	[tilespmem:$0x18400] =	vst v63  }
0x17b: {  	_ = 	snop  }
0x17c: {  	[spmem:s2] =	stream.indirect.scatter.add.f32 [tilespmem:s9], [sflag:$0x1], $0x80, s11, s11, $0xb8;
	[tilespmem:$0x18400] =	vst v63  }
0x17d: {  	_ = 	snop  }
0x17e: {  	[spmem:s2] =	stream.indirect.scatter.add.f32 [tilespmem:s9], [sflag:$0x1], $0x80, s12, s11, $0xb8;
	[tilespmem:$0x18400] =	vst v63  }
0x17f: {  	_ = 	snop  }
0x180: {  	[spmem:s2] =	stream.indirect.scatter.add.f32 [tilespmem:s9], [sflag:$0x1], $0x80, s13, s11, $0xb8;
	[tilespmem:$0x18400] =	vst v63  }
0x181: {  	_ = 	snop  }
0x182: {  	[spmem:s2] =	stream.indirect.scatter.add.f32 [tilespmem:s9], [sflag:$0x1], $0x80, s14, s11, $0xb8;
	[tilespmem:$0x18400] =	vst v63  }
0x183: {  	_ = 	snop  }
0x184: {  	[spmem:s2] =	stream.indirect.scatter.add.f32 [tilespmem:s9], [sflag:$0x1], $0x80, s15, s11, $0xb8;
	[tilespmem:$0x18400] =	vst v63  }
0x185: {  	_ = 	snop  }
0x186: {  	[spmem:s2] =	stream.indirect.scatter.add.f32 [tilespmem:s9], [sflag:$0x1], $0x80, s16, s11, $0xb8;
	[tilespmem:$0x18400] =	vst v63  }
0x187: {  	_ = 	snop  }
0x188: {  	[spmem:s2] =	stream.indirect.scatter.add.f32 [tilespmem:s9], [sflag:$0x1], $0x80, s17, s11, $0xb8;
	[tilespmem:$0x18400] =	vst v63  }
0x189: {  	_ =	swait.ge [sflag:s18], $0x4000  }
0x18a: {  	[sflag:s18] =	ssyncset.done $0x0  }
0x18b: {  	[sflag:s18] =	ssyncadd.s32 $0xFFFFC000  }
0x18c: {  	_ =	swait.ge [sflag:s18], $0x4000  }
0x18d: {  	[sflag:s18] =	ssyncset.done $0x0  }
0x18e: {  	[sflag:s18] =	ssyncadd.s32 $0xFFFFC000  }
0x18f: {  	_ =	swait.ge [sflag:s18], $0x4000  }
0x190: {  	[sflag:s18] =	ssyncset.done $0x0  }
0x191: {  	[sflag:s18] =	ssyncadd.s32 $0xFFFFC000  }
0x192: {  	_ =	swait.ge [sflag:s18], $0x4000  }
0x193: {  	[sflag:s18] =	ssyncset.done $0x0  }
0x194: {  	[sflag:s18] =	ssyncadd.s32 $0xFFFFC000  }
0x195: {  	_ =	swait.ge [sflag:s18], $0x4000  }
0x196: {  	[sflag:s18] =	ssyncset.done $0x0  }
0x197: {  	[sflag:s18] =	ssyncadd.s32 $0xFFFFC000  }
0x198: {  	_ =	swait.ge [sflag:s18], $0x4000  }
0x199: {  	[sflag:s18] =	ssyncset.done $0x0  }
0x19a: {  	[sflag:s18] =	ssyncadd.s32 $0xFFFFC000  }
0x19b: {  	_ =	swait.ge [sflag:s18], $0x4000  }
0x19c: {  	[sflag:s18] =	ssyncset.done $0x0  }
0x19d: {  	[sflag:s18] =	ssyncadd.s32 $0xFFFFC000  }
0x19e: {  	_ =	swait.ge [sflag:s18], $0x4000  }
0x19f: {  	[sflag:s18] =	ssyncset.done $0x0  }
0x1a0: {  	[sflag:s18] =	ssyncadd.s32 $0xFFFFC000  }
0x1a1: {  	[tilespmem:s3], [sflag:$0x2] =	stream.linear.gather [hbm4b:s22+s3], $0x400, $0x38;
	[tilespmem:$0x18400] =	vst v63  }
0x1a2: {  	_ =	swait.ge [sflag:s6], $0x400  }
0x1a3: {  	[sflag:s6] =	ssyncset.done $0x0  }
0x1a4: {  	[sflag:s6] =	ssyncadd.s32 $0xFFFFFC00  }
0x1a5: {  	[spmem:s2] =	stream.indirect.scatter.add.f32 [tilespmem:s9], [sflag:$0x1], $0x80, s3, s11, $0xb8;
	[tilespmem:$0x18400] =	vst v63  }
0x1a6: {  	_ = 	snop  }
0x1a7: {  	[spmem:s2] =	stream.indirect.scatter.add.f32 [tilespmem:s9], [sflag:$0x1], $0x80, s11, s11, $0xb8;
	[tilespmem:$0x18400] =	vst v63  }
0x1a8: {  	_ = 	snop  }
0x1a9: {  	[spmem:s2] =	stream.indirect.scatter.add.f32 [tilespmem:s9], [sflag:$0x1], $0x80, s12, s11, $0xb8;
	[tilespmem:$0x18400] =	vst v63  }
0x1aa: {  	_ = 	snop  }
0x1ab: {  	[spmem:s2] =	stream.indirect.scatter.add.f32 [tilespmem:s9], [sflag:$0x1], $0x80, s13, s11, $0xb8;
	[tilespmem:$0x18400] =	vst v63  }
0x1ac: {  	_ = 	snop  }
0x1ad: {  	[spmem:s2] =	stream.indirect.scatter.add.f32 [tilespmem:s9], [sflag:$0x1], $0x80, s14, s11, $0xb8;
	[tilespmem:$0x18400] =	vst v63  }
0x1ae: {  	_ = 	snop  }
0x1af: {  	[spmem:s2] =	stream.indirect.scatter.add.f32 [tilespmem:s9], [sflag:$0x1], $0x80, s15, s11, $0xb8;
	[tilespmem:$0x18400] =	vst v63  }
0x1b0: {  	_ = 	snop  }
0x1b1: {  	[spmem:s2] =	stream.indirect.scatter.add.f32 [tilespmem:s9], [sflag:$0x1], $0x80, s16, s11, $0xb8;
	[tilespmem:$0x18400] =	vst v63  }
0x1b2: {  	_ = 	snop  }
0x1b3: {  	[spmem:s2] =	stream.indirect.scatter.add.f32 [tilespmem:s9], [sflag:$0x1], $0x80, s17, s11, $0xb8;
	[tilespmem:$0x18400] =	vst v63  }
0x1b4: {  	_ =	swait.ge [sflag:s18], $0x4000  }
0x1b5: {  	[sflag:s18] =	ssyncset.done $0x0  }
0x1b6: {  	[sflag:s18] =	ssyncadd.s32 $0xFFFFC000  }
0x1b7: {  	_ =	swait.ge [sflag:s18], $0x4000  }
0x1b8: {  	[sflag:s18] =	ssyncset.done $0x0  }
0x1b9: {  	[sflag:s18] =	ssyncadd.s32 $0xFFFFC000  }
0x1ba: {  	_ =	swait.ge [sflag:s18], $0x4000  }
0x1bb: {  	[sflag:s18] =	ssyncset.done $0x0  }
0x1bc: {  	[sflag:s18] =	ssyncadd.s32 $0xFFFFC000  }
0x1bd: {  	_ =	swait.ge [sflag:s18], $0x4000  }
0x1be: {  	[sflag:s18] =	ssyncset.done $0x0  }
0x1bf: {  	[sflag:s18] =	ssyncadd.s32 $0xFFFFC000  }
0x1c0: {  	_ =	swait.ge [sflag:s18], $0x4000  }
0x1c1: {  	[sflag:s18] =	ssyncset.done $0x0  }
0x1c2: {  	[sflag:s18] =	ssyncadd.s32 $0xFFFFC000  }
0x1c3: {  	_ =	swait.ge [sflag:s18], $0x4000  }
0x1c4: {  	[sflag:s18] =	ssyncset.done $0x0  }
0x1c5: {  	[sflag:s18] =	ssyncadd.s32 $0xFFFFC000  }
0x1c6: {  	_ =	swait.ge [sflag:s18], $0x4000  }
0x1c7: {  	[sflag:s18] =	ssyncset.done $0x0  }
0x1c8: {  	[sflag:s18] =	ssyncadd.s32 $0xFFFFC000  }
0x1c9: {  	_ =	swait.ge [sflag:s18], $0x4000  }
0x1ca: {  	[sflag:s18] =	ssyncset.done $0x0  }
.Ltmp1:
0x1cb: {  	[sflag:s18] =	ssyncadd.s32 $0xFFFFC000;
	(pc) =	sbr.rel @p0 .LBB2_1-.Ltmp1, $4  }
0x1cc: {  	[bflag:$0x0] =	sbarrier.arrive $0xFFFF  }
0x1cd: {  	[hbm:s23], [sflag:s5] =	dma.local [spmem:s7], $0x2800  }
0x1ce: {  	_ =	swait.ge [sflag:s6], $0x2800  }
0x1cf: {  	[sflag:s6] =	ssyncset.done $0x0  }
.LBB2_2:
0x1d0: {  	[sflag:s6] =	ssyncadd.s32 $0xFFFFD800  }
0x1d1: {  	_ =	sfence.sel $0x180000  }
0x1d2: {  	[bflag:$0x0] =	sbarrier.arrive $0xFFFF  }
0x1d3: {  	p0 =	sne.s32 s1, $0x0;
	_ =	strace $0x9000004A  }
0x1d4: {  	s0 =	sadd.s32 @!p0 $0x100000, s0;
	[bflag:$0x2] =	sbarrier.arrive $0xFFFF  }
0x1d5: {  	[sflag:s0] =	ssyncadd.tile.s32 @!p0 $0x1;
	_ =	shalt  }
.Lfunc_end2:
_tile_overlayer_lowered:
.L_overlay_start_2:
0x1d6: {  	(tag) =	ssettag $0x2  }
0x1d7: {  	s0 =	rddreg [dreg:$0x0];
	s2 =	stileid.u32  }
0x1d8: {  	s1 =	rddreg [dreg:$0x1];
	p0 =	sne.s32 s2, $0x0  }
0x1d9: {  	s3 =	rddreg [dreg:$0x2];
	[bflag:$0x3] =	sbarrier.arrive $0xFFFF;
	s2 =	simm.s32 @!p0 $0x1C02  }
0x1da: {  	[timem:s3], [sflag:s2] =	dma.local @!p0 [hbm:s0], s1  }
0x1db: {  	s0 =	simm.s32 @!p0 $0x2  }
0x1dc: {  	_ =	swait.ge @!p0 [sflag:s0], s1  }
0x1dd: {  	s1 =	ssub.s32 @!p0 $0x0, s1;
	[sflag:s0] =	ssyncset.done @!p0 $0x0  }
0x1de: {  	[sflag:s0] =	ssyncadd.s32 @!p0 s1  }
0x1df: {  	[bflag:$0x3] =	sbarrier.arrive $0xFFFF  }
0x1e0: {  	_ =	shalt  }

// kernel: kernel.13.cloned.1.call-start
scs
__scs_entry_jumppad:
0x0: {  	(pc) =	sbr.rel $0x88, $3  }
0x1: {  	(tag) =	ssettag $0x0;
	lr =	simm.s32 $0x1  }
0x2: {  	[smem:$0x3F88] =	sst lr;
	_ =	strace $0xD0000000  }
0x3: {  	_ = 	snop  }
0x4: {  	_ = 	snop  }
0x5: {  	_ = 	snop  }
0x6: {  	_ = 	snop  }
0x7: {  	_ = 	snop  }
__scs_overlays_trampoline_lowered:
0x8: {  	[smem:$0x3F97] =	sst s0  }
0x9: {  	[smem:$0x3F98] =	sst s1  }
0xa: {  	[smem:$0x3F99] =	sst s2  }
0xb: {  	[smem:$0x3F9A] =	sst s3  }
0xc: {  	[smem:$0x3F9B] =	sst s4  }
0xd: {  	[smem:$0x3F9C] =	sst s5  }
0xe: {  	[smem:$0x3F9D] =	sst s6  }
0xf: {  	[smem:$0x3F9E] =	sst s7  }
0x10: {  	[smem:$0x3F9F] =	sst s8  }
0x11: {  	[smem:$0x3FA0] =	sst s9;
	s0 =	simm.s32 @!p0 $0x0  }
0x12: {  	s1 =	sld [smem:$0x3F86];
	s0 =	simm.s32 @p0 $0x1  }
0x13: {  	[smem:$0x3FA1] =	sst s0;
	s0 =	simm.s32 @!p1 $0x0  }
0x14: {  	s2 =	sld [smem:$0x3F85];
	s0 =	simm.s32 @p1 $0x1  }
0x15: {  	[smem:$0x3FA2] =	sst s0;
	s0 =	simm.s32 @!p2 $0x0  }
0x16: {  	s3 =	sld [smem:$0x3FDB];
	s0 =	simm.s32 @p2 $0x1  }
0x17: {  	s4 =	simm.s32 $0x1BF5;
	[smem:$0x3FA4] =	sst s0  }
0x18: {  	s0 =	sld [smem:$0x3F87];
	_ =	swait.ge [sflag:s4], $0x0  }
0x19: {  	s7 =	sld [smem:$0x3F88]  }
0x1a: {  	s8 =	sadd.s32 $0xFFFFE003, lr  }
0x1b: {  	s9 =	sadd.s32 $0xFFFFFEF7, lr;
	s5 =	simm.s32 $0xFFFFFFFF;
	p2 =	slt.u32 s8, $0xFFFFF086  }
0x1c: {  	p1 =	slt.u32 s9, $0xF7A;
	s5 =	simm.s32 @!p2 $0x0  }
0x1d: {  	s5 =	simm.s32 @p1 $0x1;
	p0 =	seq.s32 s7, s2  }
0x1e: {  	s7 =	smul.u32 @!p0 $0xF7A, s2;
	p2 =	seq.s32 @!p0 s5, $0x0  }
0x1f: {  	s9 =	smul.u32 $0xF7A, s1;
	s8 =	simm.s32 @!p0 $0x1BF5;
	p2 =	por !p2, p0  }
0x20: {  	[sflag:s8] =	ssyncset.s32 @!p0 $0xFFFFF086;
	s6 =	sadd.s32 @!p0 s3, s7;
	s7 =	simm.s32 @!p0 $0x108  }
0x21: {  	s3 =	sadd.s32 s3, s9;
	s6 =	sadd.s32 @!p0 $0x88, s6;
	s7 =	simm.s32 @p2 $0x1082  }
0x22: {  	[simem:s7], [sflag:s8] =	dma.local @!p0 [hbm:s6], $0xF7A  }
0x23: {  	s9 =	sor.u32 $0xD0000000, s2;
	s6 =	simm.s32 $0x108;
	_ =	swait.ge @!p0 [sflag:s8], $0x0  }
0x24: {  	s3 =	sadd.s32 $0x88, s3;
	s6 =	simm.s32 @!p1 $0x1082;
	[sflag:s4] =	ssyncset.s32 $0xFFFFF086  }
0x25: {  	[simem:s6], [sflag:s4] =	dma.local [hbm:s3], $0xF7A  }
0x26: {  	[smem:$0x3F88] =	sst s1;
	(tag) =	ssettag s2;
	_ =	strace s9  }
0x27: {  	s1 =	sld [smem:$0x3F98]  }
0x28: {  	s2 =	sld [smem:$0x3F99]  }
0x29: {  	s4 =	sld [smem:$0x3F9B]  }
0x2a: {  	p0 =	seq.s32 s5, $0x0;
	s5 =	sld [smem:$0x3F9C]  }
0x2b: {  	s6 =	sld [smem:$0x3F9D]  }
0x2c: {  	s7 =	sld [smem:$0x3F9E]  }
0x2d: {  	s3 =	simm.s32 $0x108;
	s8 =	sld [smem:$0x3F9F]  }
0x2e: {  	s3 =	simm.s32 @!p0 $0x1082;
	s9 =	sld [smem:$0x3FA0]  }
0x2f: {  	lr =	sadd.s32 s0, s3;
	s0 =	sld [smem:$0x3F97]  }
0x30: {  	s3 =	sld [smem:$0x3F9A]  }
0x31: {  	[smem:$0x3FA3] =	sst s10  }
0x32: {  	s10 =	sld [smem:$0x3FA1];
	_ =	sdelay $0x3  }
0x33: {  	p0 =	seq.s32 s10, $0x1;
	s10 =	sld [smem:$0x3FA3];
	_ =	sdelay $0x3  }
0x34: {  	[smem:$0x3FA3] =	sst s10  }
0x35: {  	s10 =	sld [smem:$0x3FA2];
	_ =	sdelay $0x3  }
0x36: {  	p1 =	seq.s32 s10, $0x1;
	s10 =	sld [smem:$0x3FA3];
	_ =	sdelay $0x3  }
0x37: {  	[smem:$0x3FA3] =	sst s10  }
0x38: {  	s10 =	sld [smem:$0x3FA4]  }
0x39: {  	_ = 	snop;
	(pc) =	sbr.ind lr, $3  }
0x3a: {  	_ = 	snop  }
0x3b: {  	_ = 	snop  }
0x3c: {  	p2 =	seq.s32 s10, $0x1;
	s10 =	sld [smem:$0x3FA3]  }
0x3d: {  	_ =	shalt  }
0x3e: {  	_ =	shalt  }
0x3f: {  	_ =	shalt  }
0x40: {  	_ =	shalt  }
0x41: {  	_ =	shalt  }
0x42: {  	_ =	shalt  }
0x43: {  	_ =	shalt  }
0x44: {  	_ =	shalt  }
0x45: {  	_ =	shalt  }
0x46: {  	_ =	shalt  }
0x47: {  	_ =	shalt  }
0x48: {  	_ =	shalt  }
0x49: {  	_ =	shalt  }
0x4a: {  	_ =	shalt  }
0x4b: {  	_ =	shalt  }
0x4c: {  	_ =	shalt  }
0x4d: {  	_ =	shalt  }
0x4e: {  	_ =	shalt  }
0x4f: {  	_ =	shalt  }
0x50: {  	_ =	shalt  }
0x51: {  	_ =	shalt  }
0x52: {  	_ =	shalt  }
0x53: {  	_ =	shalt  }
0x54: {  	_ =	shalt  }
0x55: {  	_ =	shalt  }
0x56: {  	_ =	shalt  }
0x57: {  	_ =	shalt  }
0x58: {  	_ =	shalt  }
0x59: {  	_ =	shalt  }
0x5a: {  	_ =	shalt  }
0x5b: {  	_ =	shalt  }
0x5c: {  	_ =	shalt  }
0x5d: {  	_ =	shalt  }
0x5e: {  	_ =	shalt  }
0x5f: {  	_ =	shalt  }
0x60: {  	_ =	shalt  }
0x61: {  	_ =	shalt  }
0x62: {  	_ =	shalt  }
0x63: {  	_ =	shalt  }
0x64: {  	_ =	shalt  }
0x65: {  	_ =	shalt  }
0x66: {  	_ =	shalt  }
0x67: {  	_ =	shalt  }
0x68: {  	_ =	shalt  }
0x69: {  	_ =	shalt  }
0x6a: {  	_ =	shalt  }
0x6b: {  	_ =	shalt  }
0x6c: {  	_ =	shalt  }
0x6d: {  	_ =	shalt  }
0x6e: {  	_ =	shalt  }
0x6f: {  	_ =	shalt  }
0x70: {  	_ =	shalt  }
0x71: {  	_ =	shalt  }
0x72: {  	_ =	shalt  }
0x73: {  	_ =	shalt  }
0x74: {  	_ =	shalt  }
0x75: {  	_ =	shalt  }
0x76: {  	_ =	shalt  }
0x77: {  	_ =	shalt  }
0x78: {  	_ =	shalt  }
0x79: {  	_ =	shalt  }
0x7a: {  	_ =	shalt  }
0x7b: {  	_ =	shalt  }
0x7c: {  	_ =	shalt  }
0x7d: {  	_ =	shalt  }
0x7e: {  	_ =	shalt  }
0x7f: {  	_ =	shalt  }
0x80: {  	_ =	shalt  }
0x81: {  	_ =	shalt  }
0x82: {  	_ =	shalt  }
0x83: {  	_ =	shalt  }
0x84: {  	_ =	shalt  }
0x85: {  	_ =	shalt  }
0x86: {  	_ =	shalt  }
0x87: {  	_ =	shalt  }
.Lfunc_end0:
.L_simem_size_0:
called_computation.1_lowered:
.L_overlay_start_0:
0x88: {  	s2 =	sld [smem:$0x3FD9]  }
0x89: {  	s3 =	sld [smem:$0x3FFE];
	_ =	sdelay $0x1  }
0x8a: {  	s1 =	srdreg.scid  }
0x8b: {  	s0 =	sand.u32 $0x1, s1  }
0x8c: {  	s14 =	sshll.u32 s0, $0xA;
	s2 =	sadd.s32 s3, s2  }
0x8d: {  	s2 =	sadd.s32 s2, s14  }
0x8e: {  	[smem:$0x3FAF] =	sst s2  }
0x8f: {  	_ = 	snop  }
0x90: {  	s2 =	sld [smem:$0x3FD0];
	_ =	sdelay $0x2  }
0x91: {  	s15 =	simm.s32 $0xB;
	s4 =	simm.s32 $0x10  }
0x92: {  	[smem:s4], [sflag:s15] =	dma.local [hbm:s2], $0x1  }
0x93: {  	_ =	swait.eq [sflag:s15], $0x1  }
0x94: {  	[sflag:s15] =	ssyncset.done $0x0  }
0x95: {  	[sflag:s15] =	ssyncadd.s32 $0xFFFFFFFF  }
0x96: {  	s16 =	sld [smem:$0x11];
	(tm) =	ssettm $0x1  }
0x97: {  	s17 =	sld [smem:$0x3FFB];
	_ =	sdelay $0x3  }
0x98: {  	_ =	strace s17  }
0x99: {  	s3 =	sld [smem:$0x3FFC];
	_ =	sdelay $0x3  }
0x9a: {  	_ =	strace s3  }
0x9b: {  	s3 =	sld [smem:$0x3FFD];
	_ =	sdelay $0x3  }
0x9c: {  	_ =	strace s3  }
0x9d: {  	_ =	strace $0x8FFFFFFF  }
0x9e: {  	s18 =	sld [smem:$0x3FDB];
	_ =	sdelay $0x1  }
0x9f: {  	s19 =	simm.s32 $_scs_section_size  }
0xa0: {  	s5 =	simm.s32 $_size__tile_overlayer_lowered;
	s6 =	simm.s32 $_tile_overlayer_lowered  }
0xa1: {  	s22 =	simm.s32 $0x1BFF;
	s21 =	sshll.u32 s6, $0x1;
	s3 =	sadd.s32 s19, s18  }
0xa2: {  	s7 =	simm.s32 $0x0;
	s20 =	sshll.u32 s5, $0x1;
	s5 =	sadd.s32 s21, s3  }
0xa3: {  	[timem:s7], [sflag:s22] =	dma.local [hbm:s5], s20  }
0xa4: {  	_ =	swait.ge [sflag:s22], s20  }
0xa5: {  	s4 =	ssub.s32 $0x0, s20;
	[sflag:s22] =	ssyncset.done $0x0  }
0xa6: {  	[sflag:s22] =	ssyncadd.s32 s4;
	_ =	sdelay $0x1  }
0xa7: {  	s23 =	simm.s32 $0x1B8B  }
0xa8: {  	_ =	swait.ge [sflag:s23], $0x1  }
0xa9: {  	[sflag:s23] =	ssyncset.done $0x0  }
0xaa: {  	s25 =	simm.s32 $0x1B8E;
	s24 =	sld [smem:$0x3FFE];
	[sflag:s23] =	ssyncadd.s32 $0xFFFFFFFF  }
0xab: {  	s26 =	simm.s32 $execute0_lowered;
	[smem:$0x3FD2] =	sst s25  }
0xac: {  	s5 =	sshll.u32 s26, $0x1;
	_ =	strace $0x80000046;
	[dreg:$0x1] =	wrdreg $0xFFFFFFFF  }
0xad: {  	s28 =	simm.s32 $_size_execute0_lowered;
	s3 =	sadd.s32 s3, s5;
	[dreg:$0x0] =	wrdreg $0x0  }
0xae: {  	s5 =	sshll.u32 s28, $0x1;
	[dreg:$0x2] =	wrdreg s3  }
0xaf: {  	[dreg:$0x3] =	wrdreg s5  }
0xb0: {  	[dreg:$0x4] =	wrdreg $0xC0  }
0xb1: {  	_ =	task [dreg:s7], $0x5FFFF  }
0xb2: {  	[dreg:$0x1] =	wrdreg $0xFFFFFFFF  }
0xb3: {  	[dreg:$0x0] =	wrdreg $0x60  }
0xb4: {  	[dreg:$0x2] =	wrdreg s24  }
0xb5: {  	[dreg:$0x3] =	wrdreg s16  }
0xb6: {  	[dreg:$0x4] =	wrdreg $0xA8000  }
0xb7: {  	[dreg:$0x5] =	wrdreg $0xA  }
0xb8: {  	_ =	task.clear_ibuf [dreg:s7], $0x6FFFF;
	_ =	strace $0x90000046  }
0xb9: {  	s29 =	simm.s32 $0xA;
	_ =	strace $0x80000048  }
0xba: {  	_ =	swait.ge [sflag:s29], $0x1  }
0xbb: {  	[sflag:s29] =	ssyncadd.s32 $0xFFFFFFFF  }
0xbc: {  	_ =	strace $0x90000048  }
0xbd: {  	_ =	sfence  }
0xbe: {  	s30 =	sld [smem:$0x0];
	_ =	sdelay $0x2  }
0xbf: {  	s31 =	sshll.u32 s1, $0xD;
	s1 =	sshrl.u32 s1, $0x2  }
0xc0: {  	s3 =	sand.u32 $0x4000, s31;
	s1 =	sadd.s32 s1, s30  }
0xc1: {  	s0 =	sor.u32 s3, s0;
	s1 =	sshll.u32 s1, $0x11  }
0xc2: {  	s0 =	sor.u32 s1, s0  }
0xc3: {  	s0 =	sadd.s32 $0x8F2B, s0  }
0xc4: {  	[sflag:s0] =	ssyncadd.remote.s32 $0x1  }
0xc5: {  	_ =	sfence.sel $0xFFFF  }
0xc6: {  	[dreg:$0x0] =	wrdreg $0xFFFFFFFF;
	(pc) =	sbr.abs _section_cstart, $3  }
0xc7: {  	[dreg:$0x1] =	wrdreg $0xFFFFFFFF  }
0xc8: {  	_ =	task.clear_ibuf [dreg:s7], $0x2FFFF;
	_ =	strace $0x9FFFFFFF  }
0xc9: {  	(tm) =	ssettm $0x7FFFFFFF  }
tec
execute0_lowered:
.L_overlay_start_1:
0x0: {  	(tag) =	ssettag $0x1  }
0x1: {  	s6 =	rddreg [dreg:$0x0]  }
0x2: {  	s8 =	rddreg [dreg:$0x1]  }
0x3: {  	s2 =	rddreg [dreg:$0x2]  }
0x4: {  	s0 =	rddreg [dreg:$0x3];
	s4 =	srdreg.scid  }
0x5: {  	s1 =	stileid.u32;
	s3 =	simm.s32 $0x0;
	s17 =	simm.s32 $0x2800  }
0x6: {  	s18 =	simm.s32 $0x1;
	s19 =	simm.s32 $0x6800;
	s20 =	simm.s32 $0x2  }
0x7: {  	s21 =	simm.s32 $0x1380;
	s22 =	simm.s32 $0x2700;
	s23 =	simm.s32 $0x2780  }
0x8: {  	s24 =	simm.s32 $0x0;
	s7 =	sand.u32 $0x1, s4;
	s9 =	smul.u32 $0x2800, s1  }
0x9: {  	[smem:$0x7FF] =	sst s3;
	s4 =	sadd.s32 $0xF400, s6;
	s13 =	smul.u32 $0x50000, s1  }
0xa: {  	s11 =	sadd.s32 $0xA400, s6;
	s5 =	sadd.s32 $0x5D600, s6;
	s30 =	smul.u32 $0x500, s1  }
0xb: {  	s14 =	sshll.u32 s1, $0x1;
	s29 =	sshll.u32 s1, $0x6;
	s10 =	smul.u32 $0x28000, s7  }
0xc: {  	_ =	strace $0x80000047;
	s12 =	ssub.s32 $0x2, s7;
	s7 =	sshll.u32 s7, $0x5  }
0xd: {  	s25 =	sshrl.u32 s12, $0x1;
	s7 =	sor.u32 s14, s7;
	s26 =	sshrl.u32 s13, $0x2  }
0xe: {  	s16 =	sshrl.u32 s9, $0x3;
	s14 =	simm.s32 $0x3;
	s10 =	sadd.s32 s9, s10  }
0xf: {  	s12 =	ssub.s32 s12, s25;
	s28 =	smul.u32 $0x1400, s7;
	s13 =	sadd.s32 s26, s2  }
0x10: {  	s7 =	smul.u32 $0x280, s7;
	s31 =	sadd.s32 s11, s16;
	s16 =	simm.s32 $0x80  }
0x11: {  	s15 =	sadd.s32 s10, s6;
	s6 =	sor.u32 $0x1C03, s29;
	s12 =	smax.u32 s12, $0x1  }
0x12: {  	s13 =	sshrl.u32 s13, $0x3;
	s10 =	sshrl.u32 s28, $0x3;
	s7 =	sadd.s32 s8, s7  }
0x13: {  	s10 =	sadd.s32 s8, s10;
	s8 =	sadd.s32 s11, s30;
	s11 =	sadd.s32 $0x5FE00, s15  }
0x14: {  	s15 =	simm.s32 $0x1400;
	s9 =	sadd.s32 $0x280, s10;
	s10 =	sadd.s32 $0x280, s31  }
.LBB2_1:
0x15: {  	[spmem:s13], [sflag:s6] =	dma.local [hbm:s5], $0x2800  }
0x16: {  	_ =	swait.ge [sflag:s14], $0x2800  }
0x17: {  	[sflag:s14] =	ssyncset.done $0x0  }
0x18: {  	[sflag:s14] =	ssyncadd.s32 $0xFFFFD800  }
0x19: {  	[bflag:$0x0] =	sbarrier.arrive $0xFFFF  }
0x1a: {  	[tilespmem:s3], [sflag:$0x3] =	stream.linear.gather [hbm4b:s7+s3], $0x1400, $0x38;
	[tilespmem:$0x1E800] =	vst v63  }
0x1b: {  	_ =	swait.ge [sflag:s14], $0x1400  }
0x1c: {  	[sflag:s14] =	ssyncset.done $0x0  }
0x1d: {  	[sflag:s14] =	ssyncadd.s32 $0xFFFFEC00  }
0x1e: {  	[tilespmem:s15], [sflag:$0x3] =	stream.linear.gather [hbm4b:s8+s3], $0x1400, $0x38;
	[tilespmem:$0x1E800] =	vst v63  }
0x1f: {  	_ =	swait.ge [sflag:s14], $0x1400  }
0x20: {  	[sflag:s14] =	ssyncset.done $0x0  }
0x21: {  	[sflag:s14] =	ssyncadd.s32 $0xFFFFEC00  }
0x22: {  	[tilespmem:s17], [sflag:$0x1] =	stream.indirect.gather [hbm4b:s4+s16], $0x80, s3, s16, $0xb8;
	[tilespmem:$0x1E800] =	vst v63  }
0x23: {  	_ =	swait.ge [sflag:s18], $0x4000  }
0x24: {  	[sflag:s18] =	ssyncset.done $0x0  }
0x25: {  	s25 =	simm.s32 $0x80;
	[sflag:s18] =	ssyncadd.s32 $0xFFFFC000  }
0x26: {  	[tilespmem:s19], [sflag:$0x2] =	stream.indirect.gather [hbm4b:s4+s16], $0x80, s25, s16, $0xb8;
	[tilespmem:$0x1E800] =	vst v63  }
0x27: {  	s29 =	simm.s32 $0x1400  }
0x28: {  	[spmem:s2] =	stream.indirect.scatter.add.f32 [tilespmem:s17], [sflag:$0x3], $0x80, s29, s16, $0xb8;
	[tilespmem:$0x1E800] =	vst v63  }
0x29: {  	_ =	swait.ge [sflag:s14], $0x4000  }
0x2a: {  	[sflag:s14] =	ssyncset.done $0x0  }
0x2b: {  	[sflag:s14] =	ssyncadd.s32 $0xFFFFC000  }
0x2c: {  	_ =	swait.ge [sflag:s20], $0x4000  }
0x2d: {  	[sflag:s20] =	ssyncset.done $0x0  }
0x2e: {  	s30 =	simm.s32 $0x100;
	[sflag:s20] =	ssyncadd.s32 $0xFFFFC000  }
0x2f: {  	[tilespmem:s17], [sflag:$0x1] =	stream.indirect.gather [hbm4b:s4+s16], $0x80, s30, s16, $0xb8;
	[tilespmem:$0x1E800] =	vst v63  }
0x30: {  	s31 =	simm.s32 $0x1480  }
0x31: {  	[spmem:s2] =	stream.indirect.scatter.add.f32 [tilespmem:s19], [sflag:$0x3], $0x80, s31, s16, $0xb8;
	[tilespmem:$0x1E800] =	vst v63  }
0x32: {  	_ =	swait.ge [sflag:s14], $0x4000  }
0x33: {  	s25 =	simm.s32 $0x400;
	[sflag:s14] =	ssyncset.done $0x0  }
.LBB2_2:
0x34: {  	p0 =	sne.s32 s25, $0x4800  }
0x35: {  	[sflag:s14] =	ssyncadd.s32 $0xFFFFC000;
	s26 =	smov.u32 s25;
	s25 =	sadd.s32 $0x400, s25  }
0x36: {  	_ = 	snop  }
0x37: {  	_ =	swait.ge [sflag:s18], $0x4000  }
0x38: {  	s26 =	sshra.s32 s26, $0x2;
	[sflag:s18] =	ssyncset.done $0x0  }
0x39: {  	s28 =	sadd.s32 $0x80, s26;
	[sflag:s18] =	ssyncadd.s32 $0xFFFFC000  }
0x3a: {  	[tilespmem:s19], [sflag:$0x2] =	stream.indirect.gather [hbm4b:s4+s16], $0x80, s28, s16, $0xb8;
	[tilespmem:$0x1E800] =	vst v63  }
0x3b: {  	s28 =	sadd.s32 $0x1400, s26  }
0x3c: {  	[spmem:s2] =	stream.indirect.scatter.add.f32 [tilespmem:s17], [sflag:$0x3], $0x80, s28, s16, $0xb8;
	[tilespmem:$0x1E800] =	vst v63  }
0x3d: {  	_ =	swait.ge [sflag:s14], $0x4000  }
0x3e: {  	[sflag:s14] =	ssyncset.done $0x0  }
0x3f: {  	[sflag:s14] =	ssyncadd.s32 $0xFFFFC000  }
0x40: {  	_ =	swait.ge [sflag:s20], $0x4000  }
0x41: {  	[sflag:s20] =	ssyncset.done $0x0  }
0x42: {  	s28 =	sadd.s32 $0x100, s26;
	[sflag:s20] =	ssyncadd.s32 $0xFFFFC000  }
0x43: {  	[tilespmem:s17], [sflag:$0x1] =	stream.indirect.gather [hbm4b:s4+s16], $0x80, s28, s16, $0xb8;
	[tilespmem:$0x1E800] =	vst v63  }
.Ltmp0:
0x44: {  	_ = 	snop;
	(pc) =	sbr.rel @p0 .LBB2_2-.Ltmp0, $4  }
0x45: {  	s26 =	sadd.s32 $0x1480, s26  }
0x46: {  	[spmem:s2] =	stream.indirect.scatter.add.f32 [tilespmem:s19], [sflag:$0x3], $0x80, s26, s16, $0xb8;
	[tilespmem:$0x1E800] =	vst v63  }
0x47: {  	_ =	swait.ge [sflag:s14], $0x4000  }
0x48: {  	[sflag:s14] =	ssyncset.done $0x0  }
0x49: {  	[sflag:s14] =	ssyncadd.s32 $0xFFFFC000  }
0x4a: {  	_ =	swait.ge [sflag:s18], $0x4000  }
0x4b: {  	[sflag:s18] =	ssyncset.done $0x0  }
0x4c: {  	[sflag:s18] =	ssyncadd.s32 $0xFFFFC000  }
0x4d: {  	[tilespmem:s19], [sflag:$0x2] =	stream.indirect.gather [hbm4b:s4+s16], $0x80, s21, s16, $0xb8;
	[tilespmem:$0x1E800] =	vst v63  }
0x4e: {  	_ = 	snop  }
0x4f: {  	[spmem:s2] =	stream.indirect.scatter.add.f32 [tilespmem:s17], [sflag:$0x3], $0x80, s22, s16, $0xb8;
	[tilespmem:$0x1E800] =	vst v63  }
0x50: {  	_ =	swait.ge [sflag:s14], $0x4000  }
0x51: {  	[sflag:s14] =	ssyncset.done $0x0  }
0x52: {  	[sflag:s14] =	ssyncadd.s32 $0xFFFFC000  }
0x53: {  	_ =	swait.ge [sflag:s20], $0x4000  }
0x54: {  	[sflag:s20] =	ssyncset.done $0x0  }
0x55: {  	[sflag:s20] =	ssyncadd.s32 $0xFFFFC000  }
0x56: {  	[spmem:s2] =	stream.indirect.scatter.add.f32 [tilespmem:s19], [sflag:$0x3], $0x80, s23, s16, $0xb8;
	[tilespmem:$0x1E800] =	vst v63  }
0x57: {  	_ =	swait.ge [sflag:s14], $0x4000  }
0x58: {  	[sflag:s14] =	ssyncset.done $0x0  }
0x59: {  	s25 =	simm.s32 $0x0;
	[sflag:s14] =	ssyncadd.s32 $0xFFFFC000  }
0x5a: {  	[tilespmem:s25], [sflag:$0x3] =	stream.linear.gather [hbm4b:s9+s25], $0x1400, $0x38;
	[tilespmem:$0x1E800] =	vst v63  }
0x5b: {  	_ =	swait.ge [sflag:s14], $0x1400  }
0x5c: {  	[sflag:s14] =	ssyncset.done $0x0  }
0x5d: {  	[sflag:s14] =	ssyncadd.s32 $0xFFFFEC00  }
0x5e: {  	[tilespmem:s15], [sflag:$0x3] =	stream.linear.gather [hbm4b:s10+s25], $0x1400, $0x38;
	[tilespmem:$0x1E800] =	vst v63  }
0x5f: {  	_ =	swait.ge [sflag:s14], $0x1400  }
0x60: {  	[sflag:s14] =	ssyncset.done $0x0  }
0x61: {  	[sflag:s14] =	ssyncadd.s32 $0xFFFFEC00  }
0x62: {  	[tilespmem:s17], [sflag:$0x1] =	stream.indirect.gather [hbm4b:s4+s16], $0x80, s25, s16, $0xb8;
	[tilespmem:$0x1E800] =	vst v63  }
0x63: {  	_ =	swait.ge [sflag:s18], $0x4000  }
0x64: {  	[sflag:s18] =	ssyncset.done $0x0  }
0x65: {  	s28 =	simm.s32 $0x80;
	[sflag:s18] =	ssyncadd.s32 $0xFFFFC000  }
0x66: {  	[tilespmem:s19], [sflag:$0x2] =	stream.indirect.gather [hbm4b:s4+s16], $0x80, s28, s16, $0xb8;
	[tilespmem:$0x1E800] =	vst v63  }
0x67: {  	s29 =	simm.s32 $0x1400  }
0x68: {  	[spmem:s2] =	stream.indirect.scatter.add.f32 [tilespmem:s17], [sflag:$0x3], $0x80, s29, s16, $0xb8;
	[tilespmem:$0x1E800] =	vst v63  }
0x69: {  	_ =	swait.ge [sflag:s14], $0x4000  }
0x6a: {  	[sflag:s14] =	ssyncset.done $0x0  }
0x6b: {  	[sflag:s14] =	ssyncadd.s32 $0xFFFFC000  }
0x6c: {  	_ =	swait.ge [sflag:s20], $0x4000  }
0x6d: {  	[sflag:s20] =	ssyncset.done $0x0  }
0x6e: {  	s30 =	simm.s32 $0x100;
	[sflag:s20] =	ssyncadd.s32 $0xFFFFC000  }
0x6f: {  	[tilespmem:s17], [sflag:$0x1] =	stream.indirect.gather [hbm4b:s4+s16], $0x80, s30, s16, $0xb8;
	[tilespmem:$0x1E800] =	vst v63  }
0x70: {  	s31 =	simm.s32 $0x1480  }
0x71: {  	[spmem:s2] =	stream.indirect.scatter.add.f32 [tilespmem:s19], [sflag:$0x3], $0x80, s31, s16, $0xb8;
	[tilespmem:$0x1E800] =	vst v63  }
0x72: {  	_ =	swait.ge [sflag:s14], $0x4000  }
0x73: {  	s25 =	simm.s32 $0x400;
	[sflag:s14] =	ssyncset.done $0x0  }
.LBB2_4:
0x74: {  	p0 =	sne.s32 s25, $0x4800  }
0x75: {  	[sflag:s14] =	ssyncadd.s32 $0xFFFFC000;
	s26 =	smov.u32 s25;
	s25 =	sadd.s32 $0x400, s25  }
0x76: {  	_ = 	snop  }
0x77: {  	_ =	swait.ge [sflag:s18], $0x4000  }
0x78: {  	s26 =	sshra.s32 s26, $0x2;
	[sflag:s18] =	ssyncset.done $0x0  }
0x79: {  	s28 =	sadd.s32 $0x80, s26;
	[sflag:s18] =	ssyncadd.s32 $0xFFFFC000  }
0x7a: {  	[tilespmem:s19], [sflag:$0x2] =	stream.indirect.gather [hbm4b:s4+s16], $0x80, s28, s16, $0xb8;
	[tilespmem:$0x1E800] =	vst v63  }
0x7b: {  	s28 =	sadd.s32 $0x1400, s26  }
0x7c: {  	[spmem:s2] =	stream.indirect.scatter.add.f32 [tilespmem:s17], [sflag:$0x3], $0x80, s28, s16, $0xb8;
	[tilespmem:$0x1E800] =	vst v63  }
0x7d: {  	_ =	swait.ge [sflag:s14], $0x4000  }
0x7e: {  	[sflag:s14] =	ssyncset.done $0x0  }
0x7f: {  	[sflag:s14] =	ssyncadd.s32 $0xFFFFC000  }
0x80: {  	_ =	swait.ge [sflag:s20], $0x4000  }
0x81: {  	[sflag:s20] =	ssyncset.done $0x0  }
0x82: {  	s28 =	sadd.s32 $0x100, s26;
	[sflag:s20] =	ssyncadd.s32 $0xFFFFC000  }
0x83: {  	[tilespmem:s17], [sflag:$0x1] =	stream.indirect.gather [hbm4b:s4+s16], $0x80, s28, s16, $0xb8;
	[tilespmem:$0x1E800] =	vst v63  }
.Ltmp1:
0x84: {  	_ = 	snop;
	(pc) =	sbr.rel @p0 .LBB2_4-.Ltmp1, $4  }
0x85: {  	s26 =	sadd.s32 $0x1480, s26  }
0x86: {  	[spmem:s2] =	stream.indirect.scatter.add.f32 [tilespmem:s19], [sflag:$0x3], $0x80, s26, s16, $0xb8;
	[tilespmem:$0x1E800] =	vst v63  }
0x87: {  	_ =	swait.ge [sflag:s14], $0x4000  }
0x88: {  	[sflag:s14] =	ssyncset.done $0x0  }
0x89: {  	[sflag:s14] =	ssyncadd.s32 $0xFFFFC000  }
0x8a: {  	_ =	swait.ge [sflag:s18], $0x4000  }
0x8b: {  	[sflag:s18] =	ssyncset.done $0x0  }
0x8c: {  	[sflag:s18] =	ssyncadd.s32 $0xFFFFC000  }
0x8d: {  	[tilespmem:s19], [sflag:$0x2] =	stream.indirect.gather [hbm4b:s4+s16], $0x80, s21, s16, $0xb8;
	[tilespmem:$0x1E800] =	vst v63  }
0x8e: {  	_ = 	snop  }
0x8f: {  	[spmem:s2] =	stream.indirect.scatter.add.f32 [tilespmem:s17], [sflag:$0x3], $0x80, s22, s16, $0xb8;
	[tilespmem:$0x1E800] =	vst v63  }
0x90: {  	_ =	swait.ge [sflag:s14], $0x4000  }
0x91: {  	[sflag:s14] =	ssyncset.done $0x0  }
0x92: {  	[sflag:s14] =	ssyncadd.s32 $0xFFFFC000  }
0x93: {  	_ =	swait.ge [sflag:s20], $0x4000  }
0x94: {  	[sflag:s20] =	ssyncset.done $0x0  }
0x95: {  	[sflag:s20] =	ssyncadd.s32 $0xFFFFC000  }
0x96: {  	[spmem:s2] =	stream.indirect.scatter.add.f32 [tilespmem:s19], [sflag:$0x3], $0x80, s23, s16, $0xb8;
	[tilespmem:$0x1E800] =	vst v63  }
0x97: {  	_ =	swait.ge [sflag:s14], $0x4000  }
0x98: {  	s24 =	sadd.s32 $0x1, s24;
	[sflag:s14] =	ssyncset.done $0x0  }
0x99: {  	p0 =	sne.s32 s24, s12;
	[sflag:s14] =	ssyncadd.s32 $0xFFFFC000  }
.Ltmp2:
0x9a: {  	[bflag:$0x0] =	sbarrier.arrive $0xFFFF;
	(pc) =	sbr.rel @p0 .LBB2_1-.Ltmp2, $4  }
0x9b: {  	[hbm:s11], [sflag:s6] =	dma.local [spmem:s13], $0x2800  }
0x9c: {  	_ =	swait.ge [sflag:s14], $0x2800  }
0x9d: {  	[sflag:s14] =	ssyncset.done $0x0  }
0x9e: {  	[sflag:s14] =	ssyncadd.s32 $0xFFFFD800  }
0x9f: {  	_ =	sfence.sel $0x180000  }
0xa0: {  	[bflag:$0x0] =	sbarrier.arrive $0xFFFF  }
0xa1: {  	p0 =	sne.s32 s1, $0x0;
	_ =	strace $0x90000047  }
0xa2: {  	s0 =	sadd.s32 @!p0 $0x100000, s0;
	[bflag:$0x2] =	sbarrier.arrive $0xFFFF  }
0xa3: {  	[sflag:s0] =	ssyncadd.tile.s32 @!p0 $0x1;
	_ =	shalt  }
.Lfunc_end2:
_tile_overlayer_lowered:
.L_overlay_start_2:
0xa4: {  	(tag) =	ssettag $0x2  }
0xa5: {  	s0 =	rddreg [dreg:$0x0];
	s2 =	stileid.u32  }
0xa6: {  	s1 =	rddreg [dreg:$0x1];
	p0 =	sne.s32 s2, $0x0  }
0xa7: {  	s3 =	rddreg [dreg:$0x2];
	[bflag:$0x3] =	sbarrier.arrive $0xFFFF;
	s2 =	simm.s32 @!p0 $0x1C03  }
0xa8: {  	[timem:s3], [sflag:s2] =	dma.local @!p0 [hbm:s0], s1  }
0xa9: {  	s0 =	simm.s32 @!p0 $0x3  }
0xaa: {  	_ =	swait.ge @!p0 [sflag:s0], s1  }
0xab: {  	s1 =	ssub.s32 @!p0 $0x0, s1;
	[sflag:s0] =	ssyncset.done @!p0 $0x0  }
0xac: {  	[sflag:s0] =	ssyncadd.s32 @!p0 s1  }
0xad: {  	[bflag:$0x3] =	sbarrier.arrive $0xFFFF  }
0xae: {  	_ =	shalt  }

// kernel: kernel.16.cloned.1.call-start
scs
__scs_entry_jumppad:
0x0: {  	(pc) =	sbr.rel $0x88, $3  }
0x1: {  	(tag) =	ssettag $0x0;
	lr =	simm.s32 $0x1  }
0x2: {  	[smem:$0x3F88] =	sst lr;
	_ =	strace $0xD0000000  }
0x3: {  	_ = 	snop  }
0x4: {  	_ = 	snop  }
0x5: {  	_ = 	snop  }
0x6: {  	_ = 	snop  }
0x7: {  	_ = 	snop  }
__scs_overlays_trampoline_lowered:
0x8: {  	[smem:$0x3F97] =	sst s0  }
0x9: {  	[smem:$0x3F98] =	sst s1  }
0xa: {  	[smem:$0x3F99] =	sst s2  }
0xb: {  	[smem:$0x3F9A] =	sst s3  }
0xc: {  	[smem:$0x3F9B] =	sst s4  }
0xd: {  	[smem:$0x3F9C] =	sst s5  }
0xe: {  	[smem:$0x3F9D] =	sst s6  }
0xf: {  	[smem:$0x3F9E] =	sst s7  }
0x10: {  	[smem:$0x3F9F] =	sst s8  }
0x11: {  	[smem:$0x3FA0] =	sst s9;
	s0 =	simm.s32 @!p0 $0x0  }
0x12: {  	s1 =	sld [smem:$0x3F86];
	s0 =	simm.s32 @p0 $0x1  }
0x13: {  	[smem:$0x3FA1] =	sst s0;
	s0 =	simm.s32 @!p1 $0x0  }
0x14: {  	s2 =	sld [smem:$0x3F85];
	s0 =	simm.s32 @p1 $0x1  }
0x15: {  	[smem:$0x3FA2] =	sst s0;
	s0 =	simm.s32 @!p2 $0x0  }
0x16: {  	s3 =	sld [smem:$0x3FDB];
	s0 =	simm.s32 @p2 $0x1  }
0x17: {  	s4 =	simm.s32 $0x1BF5;
	[smem:$0x3FA4] =	sst s0  }
0x18: {  	s0 =	sld [smem:$0x3F87];
	_ =	swait.ge [sflag:s4], $0x0  }
0x19: {  	s7 =	sld [smem:$0x3F88]  }
0x1a: {  	s8 =	sadd.s32 $0xFFFFE003, lr  }
0x1b: {  	s9 =	sadd.s32 $0xFFFFFEF7, lr;
	s5 =	simm.s32 $0xFFFFFFFF;
	p2 =	slt.u32 s8, $0xFFFFF086  }
0x1c: {  	p1 =	slt.u32 s9, $0xF7A;
	s5 =	simm.s32 @!p2 $0x0  }
0x1d: {  	s5 =	simm.s32 @p1 $0x1;
	p0 =	seq.s32 s7, s2  }
0x1e: {  	s7 =	smul.u32 @!p0 $0xF7A, s2;
	p2 =	seq.s32 @!p0 s5, $0x0  }
0x1f: {  	s9 =	smul.u32 $0xF7A, s1;
	s8 =	simm.s32 @!p0 $0x1BF5;
	p2 =	por !p2, p0  }
0x20: {  	[sflag:s8] =	ssyncset.s32 @!p0 $0xFFFFF086;
	s6 =	sadd.s32 @!p0 s3, s7;
	s7 =	simm.s32 @!p0 $0x108  }
0x21: {  	s3 =	sadd.s32 s3, s9;
	s6 =	sadd.s32 @!p0 $0x88, s6;
	s7 =	simm.s32 @p2 $0x1082  }
0x22: {  	[simem:s7], [sflag:s8] =	dma.local @!p0 [hbm:s6], $0xF7A  }
0x23: {  	s9 =	sor.u32 $0xD0000000, s2;
	s6 =	simm.s32 $0x108;
	_ =	swait.ge @!p0 [sflag:s8], $0x0  }
0x24: {  	s3 =	sadd.s32 $0x88, s3;
	s6 =	simm.s32 @!p1 $0x1082;
	[sflag:s4] =	ssyncset.s32 $0xFFFFF086  }
0x25: {  	[simem:s6], [sflag:s4] =	dma.local [hbm:s3], $0xF7A  }
0x26: {  	[smem:$0x3F88] =	sst s1;
	(tag) =	ssettag s2;
	_ =	strace s9  }
0x27: {  	s1 =	sld [smem:$0x3F98]  }
0x28: {  	s2 =	sld [smem:$0x3F99]  }
0x29: {  	s4 =	sld [smem:$0x3F9B]  }
0x2a: {  	p0 =	seq.s32 s5, $0x0;
	s5 =	sld [smem:$0x3F9C]  }
0x2b: {  	s6 =	sld [smem:$0x3F9D]  }
0x2c: {  	s7 =	sld [smem:$0x3F9E]  }
0x2d: {  	s3 =	simm.s32 $0x108;
	s8 =	sld [smem:$0x3F9F]  }
0x2e: {  	s3 =	simm.s32 @!p0 $0x1082;
	s9 =	sld [smem:$0x3FA0]  }
0x2f: {  	lr =	sadd.s32 s0, s3;
	s0 =	sld [smem:$0x3F97]  }
0x30: {  	s3 =	sld [smem:$0x3F9A]  }
0x31: {  	[smem:$0x3FA3] =	sst s10  }
0x32: {  	s10 =	sld [smem:$0x3FA1];
	_ =	sdelay $0x3  }
0x33: {  	p0 =	seq.s32 s10, $0x1;
	s10 =	sld [smem:$0x3FA3];
	_ =	sdelay $0x3  }
0x34: {  	[smem:$0x3FA3] =	sst s10  }
0x35: {  	s10 =	sld [smem:$0x3FA2];
	_ =	sdelay $0x3  }
0x36: {  	p1 =	seq.s32 s10, $0x1;
	s10 =	sld [smem:$0x3FA3];
	_ =	sdelay $0x3  }
0x37: {  	[smem:$0x3FA3] =	sst s10  }
0x38: {  	s10 =	sld [smem:$0x3FA4]  }
0x39: {  	_ = 	snop;
	(pc) =	sbr.ind lr, $3  }
0x3a: {  	_ = 	snop  }
0x3b: {  	_ = 	snop  }
0x3c: {  	p2 =	seq.s32 s10, $0x1;
	s10 =	sld [smem:$0x3FA3]  }
0x3d: {  	_ =	shalt  }
0x3e: {  	_ =	shalt  }
0x3f: {  	_ =	shalt  }
0x40: {  	_ =	shalt  }
0x41: {  	_ =	shalt  }
0x42: {  	_ =	shalt  }
0x43: {  	_ =	shalt  }
0x44: {  	_ =	shalt  }
0x45: {  	_ =	shalt  }
0x46: {  	_ =	shalt  }
0x47: {  	_ =	shalt  }
0x48: {  	_ =	shalt  }
0x49: {  	_ =	shalt  }
0x4a: {  	_ =	shalt  }
0x4b: {  	_ =	shalt  }
0x4c: {  	_ =	shalt  }
0x4d: {  	_ =	shalt  }
0x4e: {  	_ =	shalt  }
0x4f: {  	_ =	shalt  }
0x50: {  	_ =	shalt  }
0x51: {  	_ =	shalt  }
0x52: {  	_ =	shalt  }
0x53: {  	_ =	shalt  }
0x54: {  	_ =	shalt  }
0x55: {  	_ =	shalt  }
0x56: {  	_ =	shalt  }
0x57: {  	_ =	shalt  }
0x58: {  	_ =	shalt  }
0x59: {  	_ =	shalt  }
0x5a: {  	_ =	shalt  }
0x5b: {  	_ =	shalt  }
0x5c: {  	_ =	shalt  }
0x5d: {  	_ =	shalt  }
0x5e: {  	_ =	shalt  }
0x5f: {  	_ =	shalt  }
0x60: {  	_ =	shalt  }
0x61: {  	_ =	shalt  }
0x62: {  	_ =	shalt  }
0x63: {  	_ =	shalt  }
0x64: {  	_ =	shalt  }
0x65: {  	_ =	shalt  }
0x66: {  	_ =	shalt  }
0x67: {  	_ =	shalt  }
0x68: {  	_ =	shalt  }
0x69: {  	_ =	shalt  }
0x6a: {  	_ =	shalt  }
0x6b: {  	_ =	shalt  }
0x6c: {  	_ =	shalt  }
0x6d: {  	_ =	shalt  }
0x6e: {  	_ =	shalt  }
0x6f: {  	_ =	shalt  }
0x70: {  	_ =	shalt  }
0x71: {  	_ =	shalt  }
0x72: {  	_ =	shalt  }
0x73: {  	_ =	shalt  }
0x74: {  	_ =	shalt  }
0x75: {  	_ =	shalt  }
0x76: {  	_ =	shalt  }
0x77: {  	_ =	shalt  }
0x78: {  	_ =	shalt  }
0x79: {  	_ =	shalt  }
0x7a: {  	_ =	shalt  }
0x7b: {  	_ =	shalt  }
0x7c: {  	_ =	shalt  }
0x7d: {  	_ =	shalt  }
0x7e: {  	_ =	shalt  }
0x7f: {  	_ =	shalt  }
0x80: {  	_ =	shalt  }
0x81: {  	_ =	shalt  }
0x82: {  	_ =	shalt  }
0x83: {  	_ =	shalt  }
0x84: {  	_ =	shalt  }
0x85: {  	_ =	shalt  }
0x86: {  	_ =	shalt  }
0x87: {  	_ =	shalt  }
.Lfunc_end0:
.L_simem_size_0:
called_computation.2_lowered:
.L_overlay_start_0:
0x88: {  	s2 =	sld [smem:$0x3FD9]  }
0x89: {  	s3 =	sld [smem:$0x3FFE];
	_ =	sdelay $0x1  }
0x8a: {  	s1 =	srdreg.scid  }
0x8b: {  	s0 =	sand.u32 $0x1, s1  }
0x8c: {  	s14 =	sshll.u32 s0, $0xA;
	s2 =	sadd.s32 s3, s2  }
0x8d: {  	s2 =	sadd.s32 s2, s14  }
0x8e: {  	[smem:$0x3FAF] =	sst s2  }
0x8f: {  	_ = 	snop  }
0x90: {  	s2 =	sld [smem:$0x3FD0];
	_ =	sdelay $0x2  }
0x91: {  	s15 =	simm.s32 $0xB;
	s4 =	simm.s32 $0x10  }
0x92: {  	[smem:s4], [sflag:s15] =	dma.local [hbm:s2], $0x1  }
0x93: {  	_ =	swait.eq [sflag:s15], $0x1  }
0x94: {  	[sflag:s15] =	ssyncset.done $0x0  }
0x95: {  	[sflag:s15] =	ssyncadd.s32 $0xFFFFFFFF  }
0x96: {  	s16 =	sld [smem:$0x11];
	(tm) =	ssettm $0x1  }
0x97: {  	s17 =	sld [smem:$0x3FFB];
	_ =	sdelay $0x3  }
0x98: {  	_ =	strace s17  }
0x99: {  	s3 =	sld [smem:$0x3FFC];
	_ =	sdelay $0x3  }
0x9a: {  	_ =	strace s3  }
0x9b: {  	s3 =	sld [smem:$0x3FFD];
	_ =	sdelay $0x3  }
0x9c: {  	_ =	strace s3  }
0x9d: {  	_ =	strace $0x8FFFFFFF  }
0x9e: {  	s18 =	sld [smem:$0x3FDB];
	_ =	sdelay $0x1  }
0x9f: {  	s19 =	simm.s32 $_scs_section_size  }
0xa0: {  	s5 =	simm.s32 $_size__tile_overlayer_lowered;
	s6 =	simm.s32 $_tile_overlayer_lowered  }
0xa1: {  	s22 =	simm.s32 $0x1BFF;
	s21 =	sshll.u32 s6, $0x1;
	s3 =	sadd.s32 s19, s18  }
0xa2: {  	s7 =	simm.s32 $0x0;
	s20 =	sshll.u32 s5, $0x1;
	s5 =	sadd.s32 s21, s3  }
0xa3: {  	[timem:s7], [sflag:s22] =	dma.local [hbm:s5], s20  }
0xa4: {  	_ =	swait.ge [sflag:s22], s20  }
0xa5: {  	s4 =	ssub.s32 $0x0, s20;
	[sflag:s22] =	ssyncset.done $0x0  }
0xa6: {  	[sflag:s22] =	ssyncadd.s32 s4;
	_ =	sdelay $0x1  }
0xa7: {  	s23 =	simm.s32 $0x1B8B  }
0xa8: {  	_ =	swait.ge [sflag:s23], $0x1  }
0xa9: {  	[sflag:s23] =	ssyncset.done $0x0  }
0xaa: {  	s25 =	simm.s32 $0x1B8E;
	s24 =	sld [smem:$0x3FFE];
	[sflag:s23] =	ssyncadd.s32 $0xFFFFFFFF  }
0xab: {  	s26 =	simm.s32 $execute0_lowered;
	[smem:$0x3FD2] =	sst s25  }
0xac: {  	s5 =	sshll.u32 s26, $0x1;
	_ =	strace $0x8000004C;
	[dreg:$0x1] =	wrdreg $0xFFFFFFFF  }
0xad: {  	s28 =	simm.s32 $_size_execute0_lowered;
	s3 =	sadd.s32 s3, s5;
	[dreg:$0x0] =	wrdreg $0x0  }
0xae: {  	s5 =	sshll.u32 s28, $0x1;
	[dreg:$0x2] =	wrdreg s3  }
0xaf: {  	[dreg:$0x3] =	wrdreg s5  }
0xb0: {  	[dreg:$0x4] =	wrdreg $0xC0  }
0xb1: {  	_ =	task [dreg:s7], $0x5FFFF  }
0xb2: {  	[dreg:$0x1] =	wrdreg $0xFFFFFFFF  }
0xb3: {  	[dreg:$0x0] =	wrdreg $0x60  }
0xb4: {  	[dreg:$0x2] =	wrdreg s24  }
0xb5: {  	[dreg:$0x3] =	wrdreg s16  }
0xb6: {  	[dreg:$0x4] =	wrdreg $0xA8000  }
0xb7: {  	[dreg:$0x5] =	wrdreg $0x9  }
0xb8: {  	_ =	task.clear_ibuf [dreg:s7], $0x6FFFF;
	_ =	strace $0x9000004C  }
0xb9: {  	s29 =	simm.s32 $0x9;
	_ =	strace $0x8000004E  }
0xba: {  	_ =	swait.ge [sflag:s29], $0x1  }
0xbb: {  	[sflag:s29] =	ssyncadd.s32 $0xFFFFFFFF  }
0xbc: {  	_ =	strace $0x9000004E  }
0xbd: {  	_ =	sfence  }
0xbe: {  	s30 =	sld [smem:$0x0];
	_ =	sdelay $0x2  }
0xbf: {  	s31 =	sshll.u32 s1, $0xD;
	s1 =	sshrl.u32 s1, $0x2  }
0xc0: {  	s3 =	sand.u32 $0x4000, s31;
	s1 =	sadd.s32 s1, s30  }
0xc1: {  	s0 =	sor.u32 s3, s0;
	s1 =	sshll.u32 s1, $0x11  }
0xc2: {  	s0 =	sor.u32 s1, s0  }
0xc3: {  	s0 =	sadd.s32 $0x8F2B, s0  }
0xc4: {  	[sflag:s0] =	ssyncadd.remote.s32 $0x1  }
0xc5: {  	_ =	sfence.sel $0xFFFF  }
0xc6: {  	[dreg:$0x0] =	wrdreg $0xFFFFFFFF;
	(pc) =	sbr.abs _section_cstart, $3  }
0xc7: {  	[dreg:$0x1] =	wrdreg $0xFFFFFFFF  }
0xc8: {  	_ =	task.clear_ibuf [dreg:s7], $0x2FFFF;
	_ =	strace $0x9FFFFFFF  }
0xc9: {  	(tm) =	ssettm $0x7FFFFFFF  }
tec
execute0_lowered:
.L_overlay_start_1:
0x0: {  	(tag) =	ssettag $0x1  }
0x1: {  	s6 =	rddreg [dreg:$0x0]  }
0x2: {  	s8 =	rddreg [dreg:$0x1]  }
0x3: {  	s2 =	rddreg [dreg:$0x2]  }
0x4: {  	s0 =	rddreg [dreg:$0x3];
	s4 =	srdreg.scid  }
0x5: {  	s1 =	stileid.u32;
	s3 =	simm.s32 $0x0;
	s17 =	simm.s32 $0x2800  }
0x6: {  	s18 =	simm.s32 $0x1;
	s19 =	simm.s32 $0x6800;
	s20 =	simm.s32 $0x2  }
0x7: {  	s21 =	simm.s32 $0x1380;
	s22 =	simm.s32 $0x2700;
	s23 =	simm.s32 $0x2780  }
0x8: {  	s24 =	simm.s32 $0x0;
	s7 =	sand.u32 $0x1, s4;
	s9 =	smul.u32 $0x2800, s1  }
0x9: {  	[smem:$0x7FF] =	sst s3;
	s4 =	sadd.s32 $0xF400, s6;
	s13 =	smul.u32 $0x50000, s1  }
0xa: {  	s11 =	sadd.s32 $0xA400, s6;
	s5 =	sadd.s32 $0x5D600, s6;
	s30 =	smul.u32 $0x500, s1  }
0xb: {  	s14 =	sshll.u32 s1, $0x1;
	s29 =	sshll.u32 s1, $0x6;
	s10 =	smul.u32 $0x28000, s7  }
0xc: {  	_ =	strace $0x8000004D;
	s12 =	ssub.s32 $0x2, s7;
	s7 =	sshll.u32 s7, $0x5  }
0xd: {  	s25 =	sshrl.u32 s12, $0x1;
	s7 =	sor.u32 s14, s7;
	s26 =	sshrl.u32 s13, $0x2  }
0xe: {  	s16 =	sshrl.u32 s9, $0x3;
	s14 =	simm.s32 $0x3;
	s10 =	sadd.s32 s9, s10  }
0xf: {  	s12 =	ssub.s32 s12, s25;
	s28 =	smul.u32 $0x1400, s7;
	s13 =	sadd.s32 s26, s2  }
0x10: {  	s7 =	smul.u32 $0x280, s7;
	s31 =	sadd.s32 s11, s16;
	s16 =	simm.s32 $0x80  }
0x11: {  	s15 =	sadd.s32 s10, s6;
	s6 =	sor.u32 $0x1C03, s29;
	s12 =	smax.u32 s12, $0x1  }
0x12: {  	s13 =	sshrl.u32 s13, $0x3;
	s10 =	sshrl.u32 s28, $0x3;
	s7 =	sadd.s32 s8, s7  }
0x13: {  	s10 =	sadd.s32 s8, s10;
	s8 =	sadd.s32 s11, s30;
	s11 =	sadd.s32 $0x5FE00, s15  }
0x14: {  	s15 =	simm.s32 $0x1400;
	s9 =	sadd.s32 $0x280, s10;
	s10 =	sadd.s32 $0x280, s31  }
.LBB2_1:
0x15: {  	[spmem:s13], [sflag:s6] =	dma.local [hbm:s5], $0x2800  }
0x16: {  	_ =	swait.ge [sflag:s14], $0x2800  }
0x17: {  	[sflag:s14] =	ssyncset.done $0x0  }
0x18: {  	[sflag:s14] =	ssyncadd.s32 $0xFFFFD800  }
0x19: {  	[bflag:$0x0] =	sbarrier.arrive $0xFFFF  }
0x1a: {  	[tilespmem:s3], [sflag:$0x3] =	stream.linear.gather [hbm4b:s7+s3], $0x1400, $0x38;
	[tilespmem:$0x1E800] =	vst v63  }
0x1b: {  	_ =	swait.ge [sflag:s14], $0x1400  }
0x1c: {  	[sflag:s14] =	ssyncset.done $0x0  }
0x1d: {  	[sflag:s14] =	ssyncadd.s32 $0xFFFFEC00  }
0x1e: {  	[tilespmem:s15], [sflag:$0x3] =	stream.linear.gather [hbm4b:s8+s3], $0x1400, $0x38;
	[tilespmem:$0x1E800] =	vst v63  }
0x1f: {  	_ =	swait.ge [sflag:s14], $0x1400  }
0x20: {  	[sflag:s14] =	ssyncset.done $0x0  }
0x21: {  	[sflag:s14] =	ssyncadd.s32 $0xFFFFEC00  }
0x22: {  	[tilespmem:s17], [sflag:$0x1] =	stream.indirect.gather [hbm4b:s4+s16], $0x80, s3, s16, $0xb8;
	[tilespmem:$0x1E800] =	vst v63  }
0x23: {  	_ =	swait.ge [sflag:s18], $0x4000  }
0x24: {  	[sflag:s18] =	ssyncset.done $0x0  }
0x25: {  	s25 =	simm.s32 $0x80;
	[sflag:s18] =	ssyncadd.s32 $0xFFFFC000  }
0x26: {  	[tilespmem:s19], [sflag:$0x2] =	stream.indirect.gather [hbm4b:s4+s16], $0x80, s25, s16, $0xb8;
	[tilespmem:$0x1E800] =	vst v63  }
0x27: {  	s29 =	simm.s32 $0x1400  }
0x28: {  	[spmem:s2] =	stream.indirect.scatter.add.f32 [tilespmem:s17], [sflag:$0x3], $0x80, s29, s16, $0xb8;
	[tilespmem:$0x1E800] =	vst v63  }
0x29: {  	_ =	swait.ge [sflag:s14], $0x4000  }
0x2a: {  	[sflag:s14] =	ssyncset.done $0x0  }
0x2b: {  	[sflag:s14] =	ssyncadd.s32 $0xFFFFC000  }
0x2c: {  	_ =	swait.ge [sflag:s20], $0x4000  }
0x2d: {  	[sflag:s20] =	ssyncset.done $0x0  }
0x2e: {  	s30 =	simm.s32 $0x100;
	[sflag:s20] =	ssyncadd.s32 $0xFFFFC000  }
0x2f: {  	[tilespmem:s17], [sflag:$0x1] =	stream.indirect.gather [hbm4b:s4+s16], $0x80, s30, s16, $0xb8;
	[tilespmem:$0x1E800] =	vst v63  }
0x30: {  	s31 =	simm.s32 $0x1480  }
0x31: {  	[spmem:s2] =	stream.indirect.scatter.add.f32 [tilespmem:s19], [sflag:$0x3], $0x80, s31, s16, $0xb8;
	[tilespmem:$0x1E800] =	vst v63  }
0x32: {  	_ =	swait.ge [sflag:s14], $0x4000  }
0x33: {  	s25 =	simm.s32 $0x400;
	[sflag:s14] =	ssyncset.done $0x0  }
.LBB2_2:
0x34: {  	p0 =	sne.s32 s25, $0x4800  }
0x35: {  	[sflag:s14] =	ssyncadd.s32 $0xFFFFC000;
	s26 =	smov.u32 s25;
	s25 =	sadd.s32 $0x400, s25  }
0x36: {  	_ = 	snop  }
0x37: {  	_ =	swait.ge [sflag:s18], $0x4000  }
0x38: {  	s26 =	sshra.s32 s26, $0x2;
	[sflag:s18] =	ssyncset.done $0x0  }
0x39: {  	s28 =	sadd.s32 $0x80, s26;
	[sflag:s18] =	ssyncadd.s32 $0xFFFFC000  }
0x3a: {  	[tilespmem:s19], [sflag:$0x2] =	stream.indirect.gather [hbm4b:s4+s16], $0x80, s28, s16, $0xb8;
	[tilespmem:$0x1E800] =	vst v63  }
0x3b: {  	s28 =	sadd.s32 $0x1400, s26  }
0x3c: {  	[spmem:s2] =	stream.indirect.scatter.add.f32 [tilespmem:s17], [sflag:$0x3], $0x80, s28, s16, $0xb8;
	[tilespmem:$0x1E800] =	vst v63  }
0x3d: {  	_ =	swait.ge [sflag:s14], $0x4000  }
0x3e: {  	[sflag:s14] =	ssyncset.done $0x0  }
0x3f: {  	[sflag:s14] =	ssyncadd.s32 $0xFFFFC000  }
0x40: {  	_ =	swait.ge [sflag:s20], $0x4000  }
0x41: {  	[sflag:s20] =	ssyncset.done $0x0  }
0x42: {  	s28 =	sadd.s32 $0x100, s26;
	[sflag:s20] =	ssyncadd.s32 $0xFFFFC000  }
0x43: {  	[tilespmem:s17], [sflag:$0x1] =	stream.indirect.gather [hbm4b:s4+s16], $0x80, s28, s16, $0xb8;
	[tilespmem:$0x1E800] =	vst v63  }
.Ltmp0:
0x44: {  	_ = 	snop;
	(pc) =	sbr.rel @p0 .LBB2_2-.Ltmp0, $4  }
0x45: {  	s26 =	sadd.s32 $0x1480, s26  }
0x46: {  	[spmem:s2] =	stream.indirect.scatter.add.f32 [tilespmem:s19], [sflag:$0x3], $0x80, s26, s16, $0xb8;
	[tilespmem:$0x1E800] =	vst v63  }
0x47: {  	_ =	swait.ge [sflag:s14], $0x4000  }
0x48: {  	[sflag:s14] =	ssyncset.done $0x0  }
0x49: {  	[sflag:s14] =	ssyncadd.s32 $0xFFFFC000  }
0x4a: {  	_ =	swait.ge [sflag:s18], $0x4000  }
0x4b: {  	[sflag:s18] =	ssyncset.done $0x0  }
0x4c: {  	[sflag:s18] =	ssyncadd.s32 $0xFFFFC000  }
0x4d: {  	[tilespmem:s19], [sflag:$0x2] =	stream.indirect.gather [hbm4b:s4+s16], $0x80, s21, s16, $0xb8;
	[tilespmem:$0x1E800] =	vst v63  }
0x4e: {  	_ = 	snop  }
0x4f: {  	[spmem:s2] =	stream.indirect.scatter.add.f32 [tilespmem:s17], [sflag:$0x3], $0x80, s22, s16, $0xb8;
	[tilespmem:$0x1E800] =	vst v63  }
0x50: {  	_ =	swait.ge [sflag:s14], $0x4000  }
0x51: {  	[sflag:s14] =	ssyncset.done $0x0  }
0x52: {  	[sflag:s14] =	ssyncadd.s32 $0xFFFFC000  }
0x53: {  	_ =	swait.ge [sflag:s20], $0x4000  }
0x54: {  	[sflag:s20] =	ssyncset.done $0x0  }
0x55: {  	[sflag:s20] =	ssyncadd.s32 $0xFFFFC000  }
0x56: {  	[spmem:s2] =	stream.indirect.scatter.add.f32 [tilespmem:s19], [sflag:$0x3], $0x80, s23, s16, $0xb8;
	[tilespmem:$0x1E800] =	vst v63  }
0x57: {  	_ =	swait.ge [sflag:s14], $0x4000  }
0x58: {  	[sflag:s14] =	ssyncset.done $0x0  }
0x59: {  	s25 =	simm.s32 $0x0;
	[sflag:s14] =	ssyncadd.s32 $0xFFFFC000  }
0x5a: {  	[tilespmem:s25], [sflag:$0x3] =	stream.linear.gather [hbm4b:s9+s25], $0x1400, $0x38;
	[tilespmem:$0x1E800] =	vst v63  }
0x5b: {  	_ =	swait.ge [sflag:s14], $0x1400  }
0x5c: {  	[sflag:s14] =	ssyncset.done $0x0  }
0x5d: {  	[sflag:s14] =	ssyncadd.s32 $0xFFFFEC00  }
0x5e: {  	[tilespmem:s15], [sflag:$0x3] =	stream.linear.gather [hbm4b:s10+s25], $0x1400, $0x38;
	[tilespmem:$0x1E800] =	vst v63  }
0x5f: {  	_ =	swait.ge [sflag:s14], $0x1400  }
0x60: {  	[sflag:s14] =	ssyncset.done $0x0  }
0x61: {  	[sflag:s14] =	ssyncadd.s32 $0xFFFFEC00  }
0x62: {  	[tilespmem:s17], [sflag:$0x1] =	stream.indirect.gather [hbm4b:s4+s16], $0x80, s25, s16, $0xb8;
	[tilespmem:$0x1E800] =	vst v63  }
0x63: {  	_ =	swait.ge [sflag:s18], $0x4000  }
0x64: {  	[sflag:s18] =	ssyncset.done $0x0  }
0x65: {  	s28 =	simm.s32 $0x80;
	[sflag:s18] =	ssyncadd.s32 $0xFFFFC000  }
0x66: {  	[tilespmem:s19], [sflag:$0x2] =	stream.indirect.gather [hbm4b:s4+s16], $0x80, s28, s16, $0xb8;
	[tilespmem:$0x1E800] =	vst v63  }
0x67: {  	s29 =	simm.s32 $0x1400  }
0x68: {  	[spmem:s2] =	stream.indirect.scatter.add.f32 [tilespmem:s17], [sflag:$0x3], $0x80, s29, s16, $0xb8;
	[tilespmem:$0x1E800] =	vst v63  }
0x69: {  	_ =	swait.ge [sflag:s14], $0x4000  }
0x6a: {  	[sflag:s14] =	ssyncset.done $0x0  }
0x6b: {  	[sflag:s14] =	ssyncadd.s32 $0xFFFFC000  }
0x6c: {  	_ =	swait.ge [sflag:s20], $0x4000  }
0x6d: {  	[sflag:s20] =	ssyncset.done $0x0  }
0x6e: {  	s30 =	simm.s32 $0x100;
	[sflag:s20] =	ssyncadd.s32 $0xFFFFC000  }
0x6f: {  	[tilespmem:s17], [sflag:$0x1] =	stream.indirect.gather [hbm4b:s4+s16], $0x80, s30, s16, $0xb8;
	[tilespmem:$0x1E800] =	vst v63  }
0x70: {  	s31 =	simm.s32 $0x1480  }
0x71: {  	[spmem:s2] =	stream.indirect.scatter.add.f32 [tilespmem:s19], [sflag:$0x3], $0x80, s31, s16, $0xb8;
	[tilespmem:$0x1E800] =	vst v63  }
0x72: {  	_ =	swait.ge [sflag:s14], $0x4000  }
0x73: {  	s25 =	simm.s32 $0x400;
	[sflag:s14] =	ssyncset.done $0x0  }
.LBB2_4:
0x74: {  	p0 =	sne.s32 s25, $0x4800  }
0x75: {  	[sflag:s14] =	ssyncadd.s32 $0xFFFFC000;
	s26 =	smov.u32 s25;
	s25 =	sadd.s32 $0x400, s25  }
0x76: {  	_ = 	snop  }
0x77: {  	_ =	swait.ge [sflag:s18], $0x4000  }
0x78: {  	s26 =	sshra.s32 s26, $0x2;
	[sflag:s18] =	ssyncset.done $0x0  }
0x79: {  	s28 =	sadd.s32 $0x80, s26;
	[sflag:s18] =	ssyncadd.s32 $0xFFFFC000  }
0x7a: {  	[tilespmem:s19], [sflag:$0x2] =	stream.indirect.gather [hbm4b:s4+s16], $0x80, s28, s16, $0xb8;
	[tilespmem:$0x1E800] =	vst v63  }
0x7b: {  	s28 =	sadd.s32 $0x1400, s26  }
0x7c: {  	[spmem:s2] =	stream.indirect.scatter.add.f32 [tilespmem:s17], [sflag:$0x3], $0x80, s28, s16, $0xb8;
	[tilespmem:$0x1E800] =	vst v63  }
0x7d: {  	_ =	swait.ge [sflag:s14], $0x4000  }
0x7e: {  	[sflag:s14] =	ssyncset.done $0x0  }
0x7f: {  	[sflag:s14] =	ssyncadd.s32 $0xFFFFC000  }
0x80: {  	_ =	swait.ge [sflag:s20], $0x4000  }
0x81: {  	[sflag:s20] =	ssyncset.done $0x0  }
0x82: {  	s28 =	sadd.s32 $0x100, s26;
	[sflag:s20] =	ssyncadd.s32 $0xFFFFC000  }
0x83: {  	[tilespmem:s17], [sflag:$0x1] =	stream.indirect.gather [hbm4b:s4+s16], $0x80, s28, s16, $0xb8;
	[tilespmem:$0x1E800] =	vst v63  }
.Ltmp1:
0x84: {  	_ = 	snop;
	(pc) =	sbr.rel @p0 .LBB2_4-.Ltmp1, $4  }
0x85: {  	s26 =	sadd.s32 $0x1480, s26  }
0x86: {  	[spmem:s2] =	stream.indirect.scatter.add.f32 [tilespmem:s19], [sflag:$0x3], $0x80, s26, s16, $0xb8;
	[tilespmem:$0x1E800] =	vst v63  }
0x87: {  	_ =	swait.ge [sflag:s14], $0x4000  }
0x88: {  	[sflag:s14] =	ssyncset.done $0x0  }
0x89: {  	[sflag:s14] =	ssyncadd.s32 $0xFFFFC000  }
0x8a: {  	_ =	swait.ge [sflag:s18], $0x4000  }
0x8b: {  	[sflag:s18] =	ssyncset.done $0x0  }
0x8c: {  	[sflag:s18] =	ssyncadd.s32 $0xFFFFC000  }
0x8d: {  	[tilespmem:s19], [sflag:$0x2] =	stream.indirect.gather [hbm4b:s4+s16], $0x80, s21, s16, $0xb8;
	[tilespmem:$0x1E800] =	vst v63  }
0x8e: {  	_ = 	snop  }
0x8f: {  	[spmem:s2] =	stream.indirect.scatter.add.f32 [tilespmem:s17], [sflag:$0x3], $0x80, s22, s16, $0xb8;
	[tilespmem:$0x1E800] =	vst v63  }
0x90: {  	_ =	swait.ge [sflag:s14], $0x4000  }
0x91: {  	[sflag:s14] =	ssyncset.done $0x0  }
0x92: {  	[sflag:s14] =	ssyncadd.s32 $0xFFFFC000  }
0x93: {  	_ =	swait.ge [sflag:s20], $0x4000  }
0x94: {  	[sflag:s20] =	ssyncset.done $0x0  }
0x95: {  	[sflag:s20] =	ssyncadd.s32 $0xFFFFC000  }
0x96: {  	[spmem:s2] =	stream.indirect.scatter.add.f32 [tilespmem:s19], [sflag:$0x3], $0x80, s23, s16, $0xb8;
	[tilespmem:$0x1E800] =	vst v63  }
0x97: {  	_ =	swait.ge [sflag:s14], $0x4000  }
0x98: {  	s24 =	sadd.s32 $0x1, s24;
	[sflag:s14] =	ssyncset.done $0x0  }
0x99: {  	p0 =	sne.s32 s24, s12;
	[sflag:s14] =	ssyncadd.s32 $0xFFFFC000  }
.Ltmp2:
0x9a: {  	[bflag:$0x0] =	sbarrier.arrive $0xFFFF;
	(pc) =	sbr.rel @p0 .LBB2_1-.Ltmp2, $4  }
0x9b: {  	[hbm:s11], [sflag:s6] =	dma.local [spmem:s13], $0x2800  }
0x9c: {  	_ =	swait.ge [sflag:s14], $0x2800  }
0x9d: {  	[sflag:s14] =	ssyncset.done $0x0  }
0x9e: {  	[sflag:s14] =	ssyncadd.s32 $0xFFFFD800  }
0x9f: {  	_ =	sfence.sel $0x180000  }
0xa0: {  	[bflag:$0x0] =	sbarrier.arrive $0xFFFF  }
0xa1: {  	p0 =	sne.s32 s1, $0x0;
	_ =	strace $0x9000004D  }
0xa2: {  	s0 =	sadd.s32 @!p0 $0x100000, s0;
	[bflag:$0x2] =	sbarrier.arrive $0xFFFF  }
0xa3: {  	[sflag:s0] =	ssyncadd.tile.s32 @!p0 $0x1;
	_ =	shalt  }
.Lfunc_end2:
_tile_overlayer_lowered:
.L_overlay_start_2:
0xa4: {  	(tag) =	ssettag $0x2  }
0xa5: {  	s0 =	rddreg [dreg:$0x0];
	s2 =	stileid.u32  }
0xa6: {  	s1 =	rddreg [dreg:$0x1];
	p0 =	sne.s32 s2, $0x0  }
0xa7: {  	s3 =	rddreg [dreg:$0x2];
	[bflag:$0x3] =	sbarrier.arrive $0xFFFF;
	s2 =	simm.s32 @!p0 $0x1C03  }
0xa8: {  	[timem:s3], [sflag:s2] =	dma.local @!p0 [hbm:s0], s1  }
0xa9: {  	s0 =	simm.s32 @!p0 $0x3  }
0xaa: {  	_ =	swait.ge @!p0 [sflag:s0], s1  }
0xab: {  	s1 =	ssub.s32 @!p0 $0x0, s1;
	[sflag:s0] =	ssyncset.done @!p0 $0x0  }
0xac: {  	[sflag:s0] =	ssyncadd.s32 @!p0 s1  }
0xad: {  	[bflag:$0x3] =	sbarrier.arrive $0xFFFF  }
0xae: {  	_ =	shalt  }

</sc_bundles>
